<compile_context>
chip_gen: v7x
topology: tpu7x:2x2x1
jax: 0.10.2.dev20260603
libtpu: 0.0.44.dev20260713+nightly
codegen_flags: <defaults>
</compile_context>

<pallas_src>
import jax
import jax.numpy as jnp
import numpy as np
from jax import lax
from jax.experimental import pallas as pl
from jax.experimental.pallas import tpu as pltpu
from jax.experimental.pallas import tpu_sc as plsc

_NUM_CLASSES = 1000
_SMOOTH = 0.1
_B = 16384
_L = 50

_HIT = np.float32(np.float32(1.0) * np.float32(1.0 - _SMOOTH)
                  + np.float32(_SMOOTH / _NUM_CLASSES))
_BG = np.float32(_SMOOTH / _NUM_CLASSES)

_NC = 2
_NS = 16
_NW = _NC * _NS
_BATCH_PER_W = _B // _NW
_BLK = 128
_NBLK = _BATCH_PER_W // _BLK
_PIECES = ((0, 16), (16, 16), (32, 18))


def _body(x_hbm, out_hbm, idx_v, buf_v):
    cid = lax.axis_index("c")
    sid = lax.axis_index("s")
    wid = sid * _NC + cid

    hit = jnp.full((16,), _HIT, dtype=jnp.float32)
    bg = jnp.full((16,), _BG, dtype=jnp.float32)
    lanes = lax.iota(jnp.int32, 16)
    b_locs = [jnp.full((16,), g * 16, jnp.int32) + lanes
              for g in range(_BLK // 16)]

    def init_row(c, _):
        def init_col(g, __):
            buf_v[c, pl.ds(g * 16, 16)] = bg
            return 0
        lax.fori_loop(0, _BLK // 16, init_col, 0)
        return 0
    lax.fori_loop(0, _NUM_CLASSES, init_row, 0)

    def scan_piece(nrows, value_vec):
        def row_step(l, _):
            clss = [idx_v[l, pl.ds(g * 16, 16)]
                    for g in range(_BLK // 16)]
            for g in range(_BLK // 16):
                plsc.store_scatter(buf_v, [clss[g], b_locs[g]], value_vec)
            return 0
        lax.fori_loop(0, nrows, row_step, 0)

    def gather_piece(l0, nrows, bbase):
        pltpu.sync_copy(x_hbm.at[pl.ds(l0, nrows), pl.ds(bbase, _BLK)],
                        idx_v.at[pl.ds(0, nrows), :])

    for t in range(_NBLK):
        bbase = wid * _BATCH_PER_W + t * _BLK
        for (l0, nrows) in _PIECES:
            gather_piece(l0, nrows, bbase)
            scan_piece(nrows, hit)
        pltpu.sync_copy(buf_v, out_hbm.at[:, pl.ds(bbase, _BLK)])
        if t < _NBLK - 1:
            scan_piece(_PIECES[-1][1], bg)
            for (l0, nrows) in _PIECES[:-1]:
                gather_piece(l0, nrows, bbase)
                scan_piece(nrows, bg)


@jax.jit
def _multihot_t(x_t):
    mesh = plsc.VectorSubcoreMesh(core_axis_name="c", subcore_axis_name="s")
    fn = pl.kernel(
        _body,
        out_type=jax.ShapeDtypeStruct((_NUM_CLASSES, _B), jnp.float32),
        mesh=mesh,
        scratch_types=[
            pltpu.VMEM((18, _BLK), jnp.int32),
            pltpu.VMEM((_NUM_CLASSES, _BLK), jnp.float32),
        ],
        compiler_params=pltpu.CompilerParams(needs_layout_passes=False),
    )
    return fn(x_t)


def kernel(x):
    out_t = _multihot_t(x.astype(jnp.int32).T)
    return out_t.T

# --- scband reference (transcript-rebuilt; emitter-appended) ---
"""Pipeline reference for scband-multi-hot-82076825026625 (READ-ONLY COPY).

The authoritative reference and input builder live on the scoring server;
editing this copy changes nothing except your own understanding.
"""

import jax, jax.numpy as jnp
import numpy as np

NUM_CLASSES = 1000
SMOOTH = 0.1


def setup_inputs(seed: int = 0) -> dict:
    key = jax.random.key(seed)
    x = jax.random.randint(key, (16384, 50), 0, NUM_CLASSES, dtype=jnp.int64 if jax.config.jax_enable_x64 else jnp.int32)
    return {"x": x}


def reference(x) -> jnp.ndarray:
    # nums_to_smooth_multihot: scatter 1.0 at each index along the class dim,
    # then apply label smoothing: y*(1-smooth) + smooth/num_classes
    B, L = x.shape
    rows = jnp.arange(B, dtype=x.dtype)[:, None]  # [B, 1] broadcast against [B, L]
    multihot = jnp.zeros((B, NUM_CLASSES), dtype=jnp.float32).at[rows, x].set(1.0)
    out = multihot * (1.0 - SMOOTH) + SMOOTH / NUM_CLASSES
    return out

if __name__ == "__main__":
    import jax
    _d = setup_inputs()
    print(jax.jit(kernel)(*tuple(_d.values())))

</pallas_src>

<mosaic_0001>
#map = affine_map<(d0, d1) -> (0, 0)>
module attributes {stable_mosaic.version = 14 : i64} {
  func.func @_body(%arg0: i32, %arg1: i32, %arg2: memref<50x16384xi32, #tpu.memory_space<hbm>>, %arg3: memref<1000x16384xf32, #tpu.memory_space<hbm>>, %arg4: memref<18x128xi32, #tpu.memory_space<vmem>>, %arg5: memref<1000x128xf32, #tpu.memory_space<vmem>>) attributes {dimension_semantics = [#tpu.dimension_semantics<core_parallel>, #tpu.dimension_semantics<subcore_parallel>], iteration_bounds = array<i64: 2, 16>, scalar_prefetch = 0 : i64, scratch_operands = 2 : i64, tpu.core_type = #tpu.core_type<sc_vector_subcore>, window_params = [{transform_indices = #map}, {transform_indices = #map}]} {
    %mul3A = arith.constant 2 : i32
    %mul3A_0 = arith.muli %arg1, %mul3A : i32
    %add3A = arith.addi %mul3A_0, %arg0 : i32
    %broadcast_in_dim3A = arith.constant 9.001000e-01 : f32
    %broadcast_in_dim3A_1 = vector.broadcast %broadcast_in_dim3A : f32 to vector<16xf32>
    %broadcast_in_dim3A_2 = arith.constant 9.99999974E-5 : f32
    %broadcast_in_dim3A_3 = vector.broadcast %broadcast_in_dim3A_2 : f32 to vector<16xf32>
    %iota3A = tpu.iota {dimensions = array<i32: 0>} : vector<16xi32>
    %broadcast_in_dim3A_4 = arith.constant 0 : i32
    %broadcast_in_dim3A_5 = vector.broadcast %broadcast_in_dim3A_4 : i32 to vector<16xi32>
    %add3A_6 = arith.addi %broadcast_in_dim3A_5, %iota3A : vector<16xi32>
    %broadcast_in_dim3A_7 = arith.constant 16 : i32
    %broadcast_in_dim3A_8 = vector.broadcast %broadcast_in_dim3A_7 : i32 to vector<16xi32>
    %add3A_9 = arith.addi %broadcast_in_dim3A_8, %iota3A : vector<16xi32>
    %broadcast_in_dim3A_10 = arith.constant 32 : i32
    %broadcast_in_dim3A_11 = vector.broadcast %broadcast_in_dim3A_10 : i32 to vector<16xi32>
    %add3A_12 = arith.addi %broadcast_in_dim3A_11, %iota3A : vector<16xi32>
    %broadcast_in_dim3A_13 = arith.constant 48 : i32
    %broadcast_in_dim3A_14 = vector.broadcast %broadcast_in_dim3A_13 : i32 to vector<16xi32>
    %add3A_15 = arith.addi %broadcast_in_dim3A_14, %iota3A : vector<16xi32>
    %broadcast_in_dim3A_16 = arith.constant 64 : i32
    %broadcast_in_dim3A_17 = vector.broadcast %broadcast_in_dim3A_16 : i32 to vector<16xi32>
    %add3A_18 = arith.addi %broadcast_in_dim3A_17, %iota3A : vector<16xi32>
    %broadcast_in_dim3A_19 = arith.constant 80 : i32
    %broadcast_in_dim3A_20 = vector.broadcast %broadcast_in_dim3A_19 : i32 to vector<16xi32>
    %add3A_21 = arith.addi %broadcast_in_dim3A_20, %iota3A : vector<16xi32>
    %broadcast_in_dim3A_22 = arith.constant 96 : i32
    %broadcast_in_dim3A_23 = vector.broadcast %broadcast_in_dim3A_22 : i32 to vector<16xi32>
    %add3A_24 = arith.addi %broadcast_in_dim3A_23, %iota3A : vector<16xi32>
    %broadcast_in_dim3A_25 = arith.constant 112 : i32
    %broadcast_in_dim3A_26 = vector.broadcast %broadcast_in_dim3A_25 : i32 to vector<16xi32>
    %add3A_27 = arith.addi %broadcast_in_dim3A_26, %iota3A : vector<16xi32>
    %scan3A = arith.constant 0 : i32
    %scan3A_28 = arith.constant 0 : i32
    %scan3A_29 = arith.constant 1000 : i32
    %scan3A_30 = arith.addi %scan3A_28, %scan3A_29 : i32
    %scan3A_31 = arith.constant 1 : i32
    %scan3A_32 = scf.for %scan3A_197 = %scan3A_28 to %scan3A_30 step %scan3A_31 iter_args(%scan3A_198 = %scan3A) -> (i32)  : i32 {
      %scan3A_199 = arith.constant 0 : i32
      %scan3A_200 = arith.constant 0 : i32
      %scan3A_201 = arith.constant 8 : i32
      %scan3A_202 = arith.addi %scan3A_200, %scan3A_201 : i32
      %scan3A_203 = arith.constant 1 : i32
      %scan3A_204 = scf.for %scan3A_207 = %scan3A_200 to %scan3A_202 step %scan3A_203 iter_args(%scan3A_208 = %scan3A_199) -> (i32)  : i32 {
        %mul3A_209 = arith.constant 16 : i32
        %mul3A_210 = arith.muli %scan3A_207, %mul3A_209 : i32
        %swap3A = arith.index_cast %scan3A_197 : i32 to index
        %swap3A_211 = arith.index_cast %mul3A_210 : i32 to index
        %swap3A_212 = tpu.vector_load %arg5[%swap3A, %swap3A_211] {strides = array<i32>} : memref<1000x128xf32, #tpu.memory_space<vmem>>, vector<16xf32>,
        tpu.vector_store %arg5[%swap3A, %swap3A_211], %broadcast_in_dim3A_3 {strides = array<i32>} : memref<1000x128xf32, #tpu.memory_space<vmem>>, vector<16xf32>,
        %scan3A_213 = arith.constant 0 : i32
        scf.yield %scan3A_213 : i32
      }
      %scan3A_205 = arith.constant 8 : i32
      %scan3A_206 = arith.constant 0 : i32
      scf.yield %scan3A_206 : i32
    }
    %scan3A_33 = arith.constant 1000 : i32
    %mul3A_34 = arith.constant 512 : i32
    %mul3A_35 = arith.muli %add3A, %mul3A_34 : i32
    %add3A_36 = arith.constant 0 : i32
    %add3A_37 = arith.addi %mul3A_35, %add3A_36 : i32
    "tpu.region"() ({
      %run_scoped3A = tpu.sem_alloc : memref<!tpu.dma_semaphore, #tpu.memory_space<semaphore_mem>>
      %dma_start3A = arith.constant 0 : i32
      %dma_start3A_197 = arith.constant 0 : i32
      %dma_start3A_198 = tpu.memref_slice %arg4[%dma_start3A, %dma_start3A_197] : memref<18x128xi32, #tpu.memory_space<vmem>> -> memref<16x128xi32, #tpu.memory_space<vmem>>
      %dma_start3A_199 = arith.constant 0 : i32
      %dma_start3A_200 = tpu.memref_slice %arg2[%dma_start3A_199, %add3A_37] : memref<50x16384xi32, #tpu.memory_space<hbm>> -> memref<16x128xi32, #tpu.memory_space<hbm>>
      %dma_start3A_201 = arith.constant 0 : i32
      %dma_start3A_202 = arith.constant 0 : i32
      %dma_start3A_203 = tpu.memref_slice %arg4[%dma_start3A_201, %dma_start3A_202] : memref<18x128xi32, #tpu.memory_space<vmem>> -> memref<16x128xi32, #tpu.memory_space<vmem>>
      %dma_start3A_204 = arith.constant 0 : i32
      %dma_start3A_205 = tpu.memref_slice %arg2[%dma_start3A_204, %add3A_37] : memref<50x16384xi32, #tpu.memory_space<hbm>> -> memref<16x128xi32, #tpu.memory_space<hbm>>
      tpu.enqueue_dma source(%dma_start3A_205 : memref<16x128xi32, #tpu.memory_space<hbm>>) target(%dma_start3A_203 : memref<16x128xi32, #tpu.memory_space<vmem>>) target_semaphore(%run_scoped3A : memref<!tpu.dma_semaphore, #tpu.memory_space<semaphore_mem>>)
      %dma_wait3A = arith.constant 0 : i32
      %dma_wait3A_206 = arith.constant 0 : i32
      %dma_wait3A_207 = tpu.memref_slice %arg4[%dma_wait3A, %dma_wait3A_206] : memref<18x128xi32, #tpu.memory_space<vmem>> -> memref<16x128xi32, #tpu.memory_space<vmem>>
      %dma_wait3A_208 = arith.constant 0 : i32
      %dma_wait3A_209 = tpu.memref_slice %arg2[%dma_wait3A_208, %add3A_37] : memref<50x16384xi32, #tpu.memory_space<hbm>> -> memref<16x128xi32, #tpu.memory_space<hbm>>
      %dma_wait3A_210 = arith.constant 0 : i32
      %dma_wait3A_211 = arith.constant 0 : i32
      %dma_wait3A_212 = tpu.memref_slice %arg4[%dma_wait3A_210, %dma_wait3A_211] : memref<18x128xi32, #tpu.memory_space<vmem>> -> memref<16x128xi32, #tpu.memory_space<vmem>>
      %dma_wait3A_213 = arith.constant 0 : i32
      %dma_wait3A_214 = tpu.memref_slice %arg2[%dma_wait3A_213, %add3A_37] : memref<50x16384xi32, #tpu.memory_space<hbm>> -> memref<16x128xi32, #tpu.memory_space<hbm>>
      tpu.wait_dma2 semaphore(%run_scoped3A : memref<!tpu.dma_semaphore, #tpu.memory_space<semaphore_mem>>) src(%dma_wait3A_214 : memref<16x128xi32, #tpu.memory_space<hbm>>) dst(%dma_wait3A_212 : memref<16x128xi32, #tpu.memory_space<vmem>>)
      tpu.yield
    }) : () -> ()
    %scan3A_38 = arith.constant 0 : i32
    %scan3A_39 = arith.constant 0 : i32
    %scan3A_40 = arith.constant 16 : i32
    %scan3A_41 = arith.addi %scan3A_39, %scan3A_40 : i32
    %scan3A_42 = arith.constant 1 : i32
    %scan3A_43 = scf.for %scan3A_197 = %scan3A_39 to %scan3A_41 step %scan3A_42 iter_args(%scan3A_198 = %scan3A_38) -> (i32)  : i32 {
      %get3A = arith.index_cast %scan3A_197 : i32 to index
      %get3A_199 = arith.constant 0 : index
      %get3A_200 = tpu.vector_load %arg4[%get3A, %get3A_199] {strides = array<i32>} : memref<18x128xi32, #tpu.memory_space<vmem>>, vector<16xi32>,
      %get3A_201 = arith.index_cast %scan3A_197 : i32 to index
      %get3A_202 = arith.constant 16 : index
      %get3A_203 = tpu.vector_load %arg4[%get3A_201, %get3A_202] {strides = array<i32>} : memref<18x128xi32, #tpu.memory_space<vmem>>, vector<16xi32>,
      %get3A_204 = arith.index_cast %scan3A_197 : i32 to index
      %get3A_205 = arith.constant 32 : index
      %get3A_206 = tpu.vector_load %arg4[%get3A_204, %get3A_205] {strides = array<i32>} : memref<18x128xi32, #tpu.memory_space<vmem>>, vector<16xi32>,
      %get3A_207 = arith.index_cast %scan3A_197 : i32 to index
      %get3A_208 = arith.constant 48 : index
      %get3A_209 = tpu.vector_load %arg4[%get3A_207, %get3A_208] {strides = array<i32>} : memref<18x128xi32, #tpu.memory_space<vmem>>, vector<16xi32>,
      %get3A_210 = arith.index_cast %scan3A_197 : i32 to index
      %get3A_211 = arith.constant 64 : index
      %get3A_212 = tpu.vector_load %arg4[%get3A_210, %get3A_211] {strides = array<i32>} : memref<18x128xi32, #tpu.memory_space<vmem>>, vector<16xi32>,
      %get3A_213 = arith.index_cast %scan3A_197 : i32 to index
      %get3A_214 = arith.constant 80 : index
      %get3A_215 = tpu.vector_load %arg4[%get3A_213, %get3A_214] {strides = array<i32>} : memref<18x128xi32, #tpu.memory_space<vmem>>, vector<16xi32>,
      %get3A_216 = arith.index_cast %scan3A_197 : i32 to index
      %get3A_217 = arith.constant 96 : index
      %get3A_218 = tpu.vector_load %arg4[%get3A_216, %get3A_217] {strides = array<i32>} : memref<18x128xi32, #tpu.memory_space<vmem>>, vector<16xi32>,
      %get3A_219 = arith.index_cast %scan3A_197 : i32 to index
      %get3A_220 = arith.constant 112 : index
      %get3A_221 = tpu.vector_load %arg4[%get3A_219, %get3A_220] {strides = array<i32>} : memref<18x128xi32, #tpu.memory_space<vmem>>, vector<16xi32>,
      tpu.vector_store_idx %arg5[%get3A_200, %add3A_6], %broadcast_in_dim3A_1 : memref<1000x128xf32, #tpu.memory_space<vmem>>[vector<16xi32>, vector<16xi32>], vector<16xf32>,
      tpu.vector_store_idx %arg5[%get3A_203, %add3A_9], %broadcast_in_dim3A_1 : memref<1000x128xf32, #tpu.memory_space<vmem>>[vector<16xi32>, vector<16xi32>], vector<16xf32>,
      tpu.vector_store_idx %arg5[%get3A_206, %add3A_12], %broadcast_in_dim3A_1 : memref<1000x128xf32, #tpu.memory_space<vmem>>[vector<16xi32>, vector<16xi32>], vector<16xf32>,
      tpu.vector_store_idx %arg5[%get3A_209, %add3A_15], %broadcast_in_dim3A_1 : memref<1000x128xf32, #tpu.memory_space<vmem>>[vector<16xi32>, vector<16xi32>], vector<16xf32>,
      tpu.vector_store_idx %arg5[%get3A_212, %add3A_18], %broadcast_in_dim3A_1 : memref<1000x128xf32, #tpu.memory_space<vmem>>[vector<16xi32>, vector<16xi32>], vector<16xf32>,
      tpu.vector_store_idx %arg5[%get3A_215, %add3A_21], %broadcast_in_dim3A_1 : memref<1000x128xf32, #tpu.memory_space<vmem>>[vector<16xi32>, vector<16xi32>], vector<16xf32>,
      tpu.vector_store_idx %arg5[%get3A_218, %add3A_24], %broadcast_in_dim3A_1 : memref<1000x128xf32, #tpu.memory_space<vmem>>[vector<16xi32>, vector<16xi32>], vector<16xf32>,
      tpu.vector_store_idx %arg5[%get3A_221, %add3A_27], %broadcast_in_dim3A_1 : memref<1000x128xf32, #tpu.memory_space<vmem>>[vector<16xi32>, vector<16xi32>], vector<16xf32>,
      %scan3A_222 = arith.constant 0 : i32
      scf.yield %scan3A_222 : i32
    }
    %scan3A_44 = arith.constant 16 : i32
    "tpu.region"() ({
      %run_scoped3A = tpu.sem_alloc : memref<!tpu.dma_semaphore, #tpu.memory_space<semaphore_mem>>
      %dma_start3A = arith.constant 0 : i32
      %dma_start3A_197 = arith.constant 0 : i32
      %dma_start3A_198 = tpu.memref_slice %arg4[%dma_start3A, %dma_start3A_197] : memref<18x128xi32, #tpu.memory_space<vmem>> -> memref<16x128xi32, #tpu.memory_space<vmem>>
      %dma_start3A_199 = arith.constant 16 : i32
      %dma_start3A_200 = tpu.memref_slice %arg2[%dma_start3A_199, %add3A_37] : memref<50x16384xi32, #tpu.memory_space<hbm>> -> memref<16x128xi32, #tpu.memory_space<hbm>>
      %dma_start3A_201 = arith.constant 0 : i32
      %dma_start3A_202 = arith.constant 0 : i32
      %dma_start3A_203 = tpu.memref_slice %arg4[%dma_start3A_201, %dma_start3A_202] : memref<18x128xi32, #tpu.memory_space<vmem>> -> memref<16x128xi32, #tpu.memory_space<vmem>>
      %dma_start3A_204 = arith.constant 16 : i32
      %dma_start3A_205 = tpu.memref_slice %arg2[%dma_start3A_204, %add3A_37] : memref<50x16384xi32, #tpu.memory_space<hbm>> -> memref<16x128xi32, #tpu.memory_space<hbm>>
      tpu.enqueue_dma source(%dma_start3A_205 : memref<16x128xi32, #tpu.memory_space<hbm>>) target(%dma_start3A_203 : memref<16x128xi32, #tpu.memory_space<vmem>>) target_semaphore(%run_scoped3A : memref<!tpu.dma_semaphore, #tpu.memory_space<semaphore_mem>>)
      %dma_wait3A = arith.constant 0 : i32
      %dma_wait3A_206 = arith.constant 0 : i32
      %dma_wait3A_207 = tpu.memref_slice %arg4[%dma_wait3A, %dma_wait3A_206] : memref<18x128xi32, #tpu.memory_space<vmem>> -> memref<16x128xi32, #tpu.memory_space<vmem>>
      %dma_wait3A_208 = arith.constant 16 : i32
      %dma_wait3A_209 = tpu.memref_slice %arg2[%dma_wait3A_208, %add3A_37] : memref<50x16384xi32, #tpu.memory_space<hbm>> -> memref<16x128xi32, #tpu.memory_space<hbm>>
      %dma_wait3A_210 = arith.constant 0 : i32
      %dma_wait3A_211 = arith.constant 0 : i32
      %dma_wait3A_212 = tpu.memref_slice %arg4[%dma_wait3A_210, %dma_wait3A_211] : memref<18x128xi32, #tpu.memory_space<vmem>> -> memref<16x128xi32, #tpu.memory_space<vmem>>
      %dma_wait3A_213 = arith.constant 16 : i32
      %dma_wait3A_214 = tpu.memref_slice %arg2[%dma_wait3A_213, %add3A_37] : memref<50x16384xi32, #tpu.memory_space<hbm>> -> memref<16x128xi32, #tpu.memory_space<hbm>>
      tpu.wait_dma2 semaphore(%run_scoped3A : memref<!tpu.dma_semaphore, #tpu.memory_space<semaphore_mem>>) src(%dma_wait3A_214 : memref<16x128xi32, #tpu.memory_space<hbm>>) dst(%dma_wait3A_212 : memref<16x128xi32, #tpu.memory_space<vmem>>)
      tpu.yield
    }) : () -> ()
    %scan3A_45 = arith.constant 0 : i32
    %scan3A_46 = arith.constant 0 : i32
    %scan3A_47 = arith.constant 16 : i32
    %scan3A_48 = arith.addi %scan3A_46, %scan3A_47 : i32
    %scan3A_49 = arith.constant 1 : i32
    %scan3A_50 = scf.for %scan3A_197 = %scan3A_46 to %scan3A_48 step %scan3A_49 iter_args(%scan3A_198 = %scan3A_45) -> (i32)  : i32 {
      %get3A = arith.index_cast %scan3A_197 : i32 to index
      %get3A_199 = arith.constant 0 : index
      %get3A_200 = tpu.vector_load %arg4[%get3A, %get3A_199] {strides = array<i32>} : memref<18x128xi32, #tpu.memory_space<vmem>>, vector<16xi32>,
      %get3A_201 = arith.index_cast %scan3A_197 : i32 to index
      %get3A_202 = arith.constant 16 : index
      %get3A_203 = tpu.vector_load %arg4[%get3A_201, %get3A_202] {strides = array<i32>} : memref<18x128xi32, #tpu.memory_space<vmem>>, vector<16xi32>,
      %get3A_204 = arith.index_cast %scan3A_197 : i32 to index
      %get3A_205 = arith.constant 32 : index
      %get3A_206 = tpu.vector_load %arg4[%get3A_204, %get3A_205] {strides = array<i32>} : memref<18x128xi32, #tpu.memory_space<vmem>>, vector<16xi32>,
      %get3A_207 = arith.index_cast %scan3A_197 : i32 to index
      %get3A_208 = arith.constant 48 : index
      %get3A_209 = tpu.vector_load %arg4[%get3A_207, %get3A_208] {strides = array<i32>} : memref<18x128xi32, #tpu.memory_space<vmem>>, vector<16xi32>,
      %get3A_210 = arith.index_cast %scan3A_197 : i32 to index
      %get3A_211 = arith.constant 64 : index
      %get3A_212 = tpu.vector_load %arg4[%get3A_210, %get3A_211] {strides = array<i32>} : memref<18x128xi32, #tpu.memory_space<vmem>>, vector<16xi32>,
      %get3A_213 = arith.index_cast %scan3A_197 : i32 to index
      %get3A_214 = arith.constant 80 : index
      %get3A_215 = tpu.vector_load %arg4[%get3A_213, %get3A_214] {strides = array<i32>} : memref<18x128xi32, #tpu.memory_space<vmem>>, vector<16xi32>,
      %get3A_216 = arith.index_cast %scan3A_197 : i32 to index
      %get3A_217 = arith.constant 96 : index
      %get3A_218 = tpu.vector_load %arg4[%get3A_216, %get3A_217] {strides = array<i32>} : memref<18x128xi32, #tpu.memory_space<vmem>>, vector<16xi32>,
      %get3A_219 = arith.index_cast %scan3A_197 : i32 to index
      %get3A_220 = arith.constant 112 : index
      %get3A_221 = tpu.vector_load %arg4[%get3A_219, %get3A_220] {strides = array<i32>} : memref<18x128xi32, #tpu.memory_space<vmem>>, vector<16xi32>,
      tpu.vector_store_idx %arg5[%get3A_200, %add3A_6], %broadcast_in_dim3A_1 : memref<1000x128xf32, #tpu.memory_space<vmem>>[vector<16xi32>, vector<16xi32>], vector<16xf32>,
      tpu.vector_store_idx %arg5[%get3A_203, %add3A_9], %broadcast_in_dim3A_1 : memref<1000x128xf32, #tpu.memory_space<vmem>>[vector<16xi32>, vector<16xi32>], vector<16xf32>,
      tpu.vector_store_idx %arg5[%get3A_206, %add3A_12], %broadcast_in_dim3A_1 : memref<1000x128xf32, #tpu.memory_space<vmem>>[vector<16xi32>, vector<16xi32>], vector<16xf32>,
      tpu.vector_store_idx %arg5[%get3A_209, %add3A_15], %broadcast_in_dim3A_1 : memref<1000x128xf32, #tpu.memory_space<vmem>>[vector<16xi32>, vector<16xi32>], vector<16xf32>,
      tpu.vector_store_idx %arg5[%get3A_212, %add3A_18], %broadcast_in_dim3A_1 : memref<1000x128xf32, #tpu.memory_space<vmem>>[vector<16xi32>, vector<16xi32>], vector<16xf32>,
      tpu.vector_store_idx %arg5[%get3A_215, %add3A_21], %broadcast_in_dim3A_1 : memref<1000x128xf32, #tpu.memory_space<vmem>>[vector<16xi32>, vector<16xi32>], vector<16xf32>,
      tpu.vector_store_idx %arg5[%get3A_218, %add3A_24], %broadcast_in_dim3A_1 : memref<1000x128xf32, #tpu.memory_space<vmem>>[vector<16xi32>, vector<16xi32>], vector<16xf32>,
      tpu.vector_store_idx %arg5[%get3A_221, %add3A_27], %broadcast_in_dim3A_1 : memref<1000x128xf32, #tpu.memory_space<vmem>>[vector<16xi32>, vector<16xi32>], vector<16xf32>,
      %scan3A_222 = arith.constant 0 : i32
      scf.yield %scan3A_222 : i32
    }
    %scan3A_51 = arith.constant 16 : i32
    "tpu.region"() ({
      %run_scoped3A = tpu.sem_alloc : memref<!tpu.dma_semaphore, #tpu.memory_space<semaphore_mem>>
      %dma_start3A = arith.constant 0 : i32
      %dma_start3A_197 = arith.constant 0 : i32
      %dma_start3A_198 = tpu.memref_slice %arg4[%dma_start3A, %dma_start3A_197] : memref<18x128xi32, #tpu.memory_space<vmem>> -> memref<18x128xi32, #tpu.memory_space<vmem>>
      %dma_start3A_199 = arith.constant 32 : i32
      %dma_start3A_200 = tpu.memref_slice %arg2[%dma_start3A_199, %add3A_37] : memref<50x16384xi32, #tpu.memory_space<hbm>> -> memref<18x128xi32, #tpu.memory_space<hbm>>
      %dma_start3A_201 = arith.constant 0 : i32
      %dma_start3A_202 = arith.constant 0 : i32
      %dma_start3A_203 = tpu.memref_slice %arg4[%dma_start3A_201, %dma_start3A_202] : memref<18x128xi32, #tpu.memory_space<vmem>> -> memref<18x128xi32, #tpu.memory_space<vmem>>
      %dma_start3A_204 = arith.constant 32 : i32
      %dma_start3A_205 = tpu.memref_slice %arg2[%dma_start3A_204, %add3A_37] : memref<50x16384xi32, #tpu.memory_space<hbm>> -> memref<18x128xi32, #tpu.memory_space<hbm>>
      tpu.enqueue_dma source(%dma_start3A_205 : memref<18x128xi32, #tpu.memory_space<hbm>>) target(%dma_start3A_203 : memref<18x128xi32, #tpu.memory_space<vmem>>) target_semaphore(%run_scoped3A : memref<!tpu.dma_semaphore, #tpu.memory_space<semaphore_mem>>)
      %dma_wait3A = arith.constant 0 : i32
      %dma_wait3A_206 = arith.constant 0 : i32
      %dma_wait3A_207 = tpu.memref_slice %arg4[%dma_wait3A, %dma_wait3A_206] : memref<18x128xi32, #tpu.memory_space<vmem>> -> memref<18x128xi32, #tpu.memory_space<vmem>>
      %dma_wait3A_208 = arith.constant 32 : i32
      %dma_wait3A_209 = tpu.memref_slice %arg2[%dma_wait3A_208, %add3A_37] : memref<50x16384xi32, #tpu.memory_space<hbm>> -> memref<18x128xi32, #tpu.memory_space<hbm>>
      %dma_wait3A_210 = arith.constant 0 : i32
      %dma_wait3A_211 = arith.constant 0 : i32
      %dma_wait3A_212 = tpu.memref_slice %arg4[%dma_wait3A_210, %dma_wait3A_211] : memref<18x128xi32, #tpu.memory_space<vmem>> -> memref<18x128xi32, #tpu.memory_space<vmem>>
      %dma_wait3A_213 = arith.constant 32 : i32
      %dma_wait3A_214 = tpu.memref_slice %arg2[%dma_wait3A_213, %add3A_37] : memref<50x16384xi32, #tpu.memory_space<hbm>> -> memref<18x128xi32, #tpu.memory_space<hbm>>
      tpu.wait_dma2 semaphore(%run_scoped3A : memref<!tpu.dma_semaphore, #tpu.memory_space<semaphore_mem>>) src(%dma_wait3A_214 : memref<18x128xi32, #tpu.memory_space<hbm>>) dst(%dma_wait3A_212 : memref<18x128xi32, #tpu.memory_space<vmem>>)
      tpu.yield
    }) : () -> ()
    %scan3A_52 = arith.constant 0 : i32
    %scan3A_53 = arith.constant 0 : i32
    %scan3A_54 = arith.constant 18 : i32
    %scan3A_55 = arith.addi %scan3A_53, %scan3A_54 : i32
    %scan3A_56 = arith.constant 1 : i32
    %scan3A_57 = scf.for %scan3A_197 = %scan3A_53 to %scan3A_55 step %scan3A_56 iter_args(%scan3A_198 = %scan3A_52) -> (i32)  : i32 {
      %get3A = arith.index_cast %scan3A_197 : i32 to index
      %get3A_199 = arith.constant 0 : index
      %get3A_200 = tpu.vector_load %arg4[%get3A, %get3A_199] {strides = array<i32>} : memref<18x128xi32, #tpu.memory_space<vmem>>, vector<16xi32>,
      %get3A_201 = arith.index_cast %scan3A_197 : i32 to index
      %get3A_202 = arith.constant 16 : index
      %get3A_203 = tpu.vector_load %arg4[%get3A_201, %get3A_202] {strides = array<i32>} : memref<18x128xi32, #tpu.memory_space<vmem>>, vector<16xi32>,
      %get3A_204 = arith.index_cast %scan3A_197 : i32 to index
      %get3A_205 = arith.constant 32 : index
      %get3A_206 = tpu.vector_load %arg4[%get3A_204, %get3A_205] {strides = array<i32>} : memref<18x128xi32, #tpu.memory_space<vmem>>, vector<16xi32>,
      %get3A_207 = arith.index_cast %scan3A_197 : i32 to index
      %get3A_208 = arith.constant 48 : index
      %get3A_209 = tpu.vector_load %arg4[%get3A_207, %get3A_208] {strides = array<i32>} : memref<18x128xi32, #tpu.memory_space<vmem>>, vector<16xi32>,
      %get3A_210 = arith.index_cast %scan3A_197 : i32 to index
      %get3A_211 = arith.constant 64 : index
      %get3A_212 = tpu.vector_load %arg4[%get3A_210, %get3A_211] {strides = array<i32>} : memref<18x128xi32, #tpu.memory_space<vmem>>, vector<16xi32>,
      %get3A_213 = arith.index_cast %scan3A_197 : i32 to index
      %get3A_214 = arith.constant 80 : index
      %get3A_215 = tpu.vector_load %arg4[%get3A_213, %get3A_214] {strides = array<i32>} : memref<18x128xi32, #tpu.memory_space<vmem>>, vector<16xi32>,
      %get3A_216 = arith.index_cast %scan3A_197 : i32 to index
      %get3A_217 = arith.constant 96 : index
      %get3A_218 = tpu.vector_load %arg4[%get3A_216, %get3A_217] {strides = array<i32>} : memref<18x128xi32, #tpu.memory_space<vmem>>, vector<16xi32>,
      %get3A_219 = arith.index_cast %scan3A_197 : i32 to index
      %get3A_220 = arith.constant 112 : index
      %get3A_221 = tpu.vector_load %arg4[%get3A_219, %get3A_220] {strides = array<i32>} : memref<18x128xi32, #tpu.memory_space<vmem>>, vector<16xi32>,
      tpu.vector_store_idx %arg5[%get3A_200, %add3A_6], %broadcast_in_dim3A_1 : memref<1000x128xf32, #tpu.memory_space<vmem>>[vector<16xi32>, vector<16xi32>], vector<16xf32>,
      tpu.vector_store_idx %arg5[%get3A_203, %add3A_9], %broadcast_in_dim3A_1 : memref<1000x128xf32, #tpu.memory_space<vmem>>[vector<16xi32>, vector<16xi32>], vector<16xf32>,
      tpu.vector_store_idx %arg5[%get3A_206, %add3A_12], %broadcast_in_dim3A_1 : memref<1000x128xf32, #tpu.memory_space<vmem>>[vector<16xi32>, vector<16xi32>], vector<16xf32>,
      tpu.vector_store_idx %arg5[%get3A_209, %add3A_15], %broadcast_in_dim3A_1 : memref<1000x128xf32, #tpu.memory_space<vmem>>[vector<16xi32>, vector<16xi32>], vector<16xf32>,
      tpu.vector_store_idx %arg5[%get3A_212, %add3A_18], %broadcast_in_dim3A_1 : memref<1000x128xf32, #tpu.memory_space<vmem>>[vector<16xi32>, vector<16xi32>], vector<16xf32>,
      tpu.vector_store_idx %arg5[%get3A_215, %add3A_21], %broadcast_in_dim3A_1 : memref<1000x128xf32, #tpu.memory_space<vmem>>[vector<16xi32>, vector<16xi32>], vector<16xf32>,
      tpu.vector_store_idx %arg5[%get3A_218, %add3A_24], %broadcast_in_dim3A_1 : memref<1000x128xf32, #tpu.memory_space<vmem>>[vector<16xi32>, vector<16xi32>], vector<16xf32>,
      tpu.vector_store_idx %arg5[%get3A_221, %add3A_27], %broadcast_in_dim3A_1 : memref<1000x128xf32, #tpu.memory_space<vmem>>[vector<16xi32>, vector<16xi32>], vector<16xf32>,
      %scan3A_222 = arith.constant 0 : i32
      scf.yield %scan3A_222 : i32
    }
    %scan3A_58 = arith.constant 18 : i32
    "tpu.region"() ({
      %run_scoped3A = tpu.sem_alloc : memref<!tpu.dma_semaphore, #tpu.memory_space<semaphore_mem>>
      %dma_start3A = arith.constant 0 : i32
      %dma_start3A_197 = tpu.memref_slice %arg3[%dma_start3A, %add3A_37] : memref<1000x16384xf32, #tpu.memory_space<hbm>> -> memref<1000x128xf32, #tpu.memory_space<hbm>>
      %dma_start3A_198 = arith.constant 0 : i32
      %dma_start3A_199 = tpu.memref_slice %arg3[%dma_start3A_198, %add3A_37] : memref<1000x16384xf32, #tpu.memory_space<hbm>> -> memref<1000x128xf32, #tpu.memory_space<hbm>>
      tpu.enqueue_dma source(%arg5 : memref<1000x128xf32, #tpu.memory_space<vmem>>) target(%dma_start3A_199 : memref<1000x128xf32, #tpu.memory_space<hbm>>) target_semaphore(%run_scoped3A : memref<!tpu.dma_semaphore, #tpu.memory_space<semaphore_mem>>)
      %dma_wait3A = arith.constant 0 : i32
      %dma_wait3A_200 = tpu.memref_slice %arg3[%dma_wait3A, %add3A_37] : memref<1000x16384xf32, #tpu.memory_space<hbm>> -> memref<1000x128xf32, #tpu.memory_space<hbm>>
      %dma_wait3A_201 = arith.constant 0 : i32
      %dma_wait3A_202 = tpu.memref_slice %arg3[%dma_wait3A_201, %add3A_37] : memref<1000x16384xf32, #tpu.memory_space<hbm>> -> memref<1000x128xf32, #tpu.memory_space<hbm>>
      tpu.wait_dma2 semaphore(%run_scoped3A : memref<!tpu.dma_semaphore, #tpu.memory_space<semaphore_mem>>) src(%arg5 : memref<1000x128xf32, #tpu.memory_space<vmem>>) dst(%dma_wait3A_202 : memref<1000x128xf32, #tpu.memory_space<hbm>>)
      tpu.yield
    }) : () -> ()
    %scan3A_59 = arith.constant 0 : i32
    %scan3A_60 = arith.constant 0 : i32
    %scan3A_61 = arith.constant 18 : i32
    %scan3A_62 = arith.addi %scan3A_60, %scan3A_61 : i32
    %scan3A_63 = arith.constant 1 : i32
    %scan3A_64 = scf.for %scan3A_197 = %scan3A_60 to %scan3A_62 step %scan3A_63 iter_args(%scan3A_198 = %scan3A_59) -> (i32)  : i32 {
      %get3A = arith.index_cast %scan3A_197 : i32 to index
      %get3A_199 = arith.constant 0 : index
      %get3A_200 = tpu.vector_load %arg4[%get3A, %get3A_199] {strides = array<i32>} : memref<18x128xi32, #tpu.memory_space<vmem>>, vector<16xi32>,
      %get3A_201 = arith.index_cast %scan3A_197 : i32 to index
      %get3A_202 = arith.constant 16 : index
      %get3A_203 = tpu.vector_load %arg4[%get3A_201, %get3A_202] {strides = array<i32>} : memref<18x128xi32, #tpu.memory_space<vmem>>, vector<16xi32>,
      %get3A_204 = arith.index_cast %scan3A_197 : i32 to index
      %get3A_205 = arith.constant 32 : index
      %get3A_206 = tpu.vector_load %arg4[%get3A_204, %get3A_205] {strides = array<i32>} : memref<18x128xi32, #tpu.memory_space<vmem>>, vector<16xi32>,
      %get3A_207 = arith.index_cast %scan3A_197 : i32 to index
      %get3A_208 = arith.constant 48 : index
      %get3A_209 = tpu.vector_load %arg4[%get3A_207, %get3A_208] {strides = array<i32>} : memref<18x128xi32, #tpu.memory_space<vmem>>, vector<16xi32>,
      %get3A_210 = arith.index_cast %scan3A_197 : i32 to index
      %get3A_211 = arith.constant 64 : index
      %get3A_212 = tpu.vector_load %arg4[%get3A_210, %get3A_211] {strides = array<i32>} : memref<18x128xi32, #tpu.memory_space<vmem>>, vector<16xi32>,
      %get3A_213 = arith.index_cast %scan3A_197 : i32 to index
      %get3A_214 = arith.constant 80 : index
      %get3A_215 = tpu.vector_load %arg4[%get3A_213, %get3A_214] {strides = array<i32>} : memref<18x128xi32, #tpu.memory_space<vmem>>, vector<16xi32>,
      %get3A_216 = arith.index_cast %scan3A_197 : i32 to index
      %get3A_217 = arith.constant 96 : index
      %get3A_218 = tpu.vector_load %arg4[%get3A_216, %get3A_217] {strides = array<i32>} : memref<18x128xi32, #tpu.memory_space<vmem>>, vector<16xi32>,
      %get3A_219 = arith.index_cast %scan3A_197 : i32 to index
      %get3A_220 = arith.constant 112 : index
      %get3A_221 = tpu.vector_load %arg4[%get3A_219, %get3A_220] {strides = array<i32>} : memref<18x128xi32, #tpu.memory_space<vmem>>, vector<16xi32>,
      tpu.vector_store_idx %arg5[%get3A_200, %add3A_6], %broadcast_in_dim3A_3 : memref<1000x128xf32, #tpu.memory_space<vmem>>[vector<16xi32>, vector<16xi32>], vector<16xf32>,
      tpu.vector_store_idx %arg5[%get3A_203, %add3A_9], %broadcast_in_dim3A_3 : memref<1000x128xf32, #tpu.memory_space<vmem>>[vector<16xi32>, vector<16xi32>], vector<16xf32>,
      tpu.vector_store_idx %arg5[%get3A_206, %add3A_12], %broadcast_in_dim3A_3 : memref<1000x128xf32, #tpu.memory_space<vmem>>[vector<16xi32>, vector<16xi32>], vector<16xf32>,
      tpu.vector_store_idx %arg5[%get3A_209, %add3A_15], %broadcast_in_dim3A_3 : memref<1000x128xf32, #tpu.memory_space<vmem>>[vector<16xi32>, vector<16xi32>], vector<16xf32>,
      tpu.vector_store_idx %arg5[%get3A_212, %add3A_18], %broadcast_in_dim3A_3 : memref<1000x128xf32, #tpu.memory_space<vmem>>[vector<16xi32>, vector<16xi32>], vector<16xf32>,
      tpu.vector_store_idx %arg5[%get3A_215, %add3A_21], %broadcast_in_dim3A_3 : memref<1000x128xf32, #tpu.memory_space<vmem>>[vector<16xi32>, vector<16xi32>], vector<16xf32>,
      tpu.vector_store_idx %arg5[%get3A_218, %add3A_24], %broadcast_in_dim3A_3 : memref<1000x128xf32, #tpu.memory_space<vmem>>[vector<16xi32>, vector<16xi32>], vector<16xf32>,
      tpu.vector_store_idx %arg5[%get3A_221, %add3A_27], %broadcast_in_dim3A_3 : memref<1000x128xf32, #tpu.memory_space<vmem>>[vector<16xi32>, vector<16xi32>], vector<16xf32>,
      %scan3A_222 = arith.constant 0 : i32
      scf.yield %scan3A_222 : i32
    }
    %scan3A_65 = arith.constant 18 : i32
    "tpu.region"() ({
      %run_scoped3A = tpu.sem_alloc : memref<!tpu.dma_semaphore, #tpu.memory_space<semaphore_mem>>
      %dma_start3A = arith.constant 0 : i32
      %dma_start3A_197 = arith.constant 0 : i32
      %dma_start3A_198 = tpu.memref_slice %arg4[%dma_start3A, %dma_start3A_197] : memref<18x128xi32, #tpu.memory_space<vmem>> -> memref<16x128xi32, #tpu.memory_space<vmem>>
      %dma_start3A_199 = arith.constant 0 : i32
      %dma_start3A_200 = tpu.memref_slice %arg2[%dma_start3A_199, %add3A_37] : memref<50x16384xi32, #tpu.memory_space<hbm>> -> memref<16x128xi32, #tpu.memory_space<hbm>>
      %dma_start3A_201 = arith.constant 0 : i32
      %dma_start3A_202 = arith.constant 0 : i32
      %dma_start3A_203 = tpu.memref_slice %arg4[%dma_start3A_201, %dma_start3A_202] : memref<18x128xi32, #tpu.memory_space<vmem>> -> memref<16x128xi32, #tpu.memory_space<vmem>>
      %dma_start3A_204 = arith.constant 0 : i32
      %dma_start3A_205 = tpu.memref_slice %arg2[%dma_start3A_204, %add3A_37] : memref<50x16384xi32, #tpu.memory_space<hbm>> -> memref<16x128xi32, #tpu.memory_space<hbm>>
      tpu.enqueue_dma source(%dma_start3A_205 : memref<16x128xi32, #tpu.memory_space<hbm>>) target(%dma_start3A_203 : memref<16x128xi32, #tpu.memory_space<vmem>>) target_semaphore(%run_scoped3A : memref<!tpu.dma_semaphore, #tpu.memory_space<semaphore_mem>>)
      %dma_wait3A = arith.constant 0 : i32
      %dma_wait3A_206 = arith.constant 0 : i32
      %dma_wait3A_207 = tpu.memref_slice %arg4[%dma_wait3A, %dma_wait3A_206] : memref<18x128xi32, #tpu.memory_space<vmem>> -> memref<16x128xi32, #tpu.memory_space<vmem>>
      %dma_wait3A_208 = arith.constant 0 : i32
      %dma_wait3A_209 = tpu.memref_slice %arg2[%dma_wait3A_208, %add3A_37] : memref<50x16384xi32, #tpu.memory_space<hbm>> -> memref<16x128xi32, #tpu.memory_space<hbm>>
      %dma_wait3A_210 = arith.constant 0 : i32
      %dma_wait3A_211 = arith.constant 0 : i32
      %dma_wait3A_212 = tpu.memref_slice %arg4[%dma_wait3A_210, %dma_wait3A_211] : memref<18x128xi32, #tpu.memory_space<vmem>> -> memref<16x128xi32, #tpu.memory_space<vmem>>
      %dma_wait3A_213 = arith.constant 0 : i32
      %dma_wait3A_214 = tpu.memref_slice %arg2[%dma_wait3A_213, %add3A_37] : memref<50x16384xi32, #tpu.memory_space<hbm>> -> memref<16x128xi32, #tpu.memory_space<hbm>>
      tpu.wait_dma2 semaphore(%run_scoped3A : memref<!tpu.dma_semaphore, #tpu.memory_space<semaphore_mem>>) src(%dma_wait3A_214 : memref<16x128xi32, #tpu.memory_space<hbm>>) dst(%dma_wait3A_212 : memref<16x128xi32, #tpu.memory_space<vmem>>)
      tpu.yield
    }) : () -> ()
    %scan3A_66 = arith.constant 0 : i32
    %scan3A_67 = arith.constant 0 : i32
    %scan3A_68 = arith.constant 16 : i32
    %scan3A_69 = arith.addi %scan3A_67, %scan3A_68 : i32
    %scan3A_70 = arith.constant 1 : i32
    %scan3A_71 = scf.for %scan3A_197 = %scan3A_67 to %scan3A_69 step %scan3A_70 iter_args(%scan3A_198 = %scan3A_66) -> (i32)  : i32 {
      %get3A = arith.index_cast %scan3A_197 : i32 to index
      %get3A_199 = arith.constant 0 : index
      %get3A_200 = tpu.vector_load %arg4[%get3A, %get3A_199] {strides = array<i32>} : memref<18x128xi32, #tpu.memory_space<vmem>>, vector<16xi32>,
      %get3A_201 = arith.index_cast %scan3A_197 : i32 to index
      %get3A_202 = arith.constant 16 : index
      %get3A_203 = tpu.vector_load %arg4[%get3A_201, %get3A_202] {strides = array<i32>} : memref<18x128xi32, #tpu.memory_space<vmem>>, vector<16xi32>,
      %get3A_204 = arith.index_cast %scan3A_197 : i32 to index
      %get3A_205 = arith.constant 32 : index
      %get3A_206 = tpu.vector_load %arg4[%get3A_204, %get3A_205] {strides = array<i32>} : memref<18x128xi32, #tpu.memory_space<vmem>>, vector<16xi32>,
      %get3A_207 = arith.index_cast %scan3A_197 : i32 to index
      %get3A_208 = arith.constant 48 : index
      %get3A_209 = tpu.vector_load %arg4[%get3A_207, %get3A_208] {strides = array<i32>} : memref<18x128xi32, #tpu.memory_space<vmem>>, vector<16xi32>,
      %get3A_210 = arith.index_cast %scan3A_197 : i32 to index
      %get3A_211 = arith.constant 64 : index
      %get3A_212 = tpu.vector_load %arg4[%get3A_210, %get3A_211] {strides = array<i32>} : memref<18x128xi32, #tpu.memory_space<vmem>>, vector<16xi32>,
      %get3A_213 = arith.index_cast %scan3A_197 : i32 to index
      %get3A_214 = arith.constant 80 : index
      %get3A_215 = tpu.vector_load %arg4[%get3A_213, %get3A_214] {strides = array<i32>} : memref<18x128xi32, #tpu.memory_space<vmem>>, vector<16xi32>,
      %get3A_216 = arith.index_cast %scan3A_197 : i32 to index
      %get3A_217 = arith.constant 96 : index
      %get3A_218 = tpu.vector_load %arg4[%get3A_216, %get3A_217] {strides = array<i32>} : memref<18x128xi32, #tpu.memory_space<vmem>>, vector<16xi32>,
      %get3A_219 = arith.index_cast %scan3A_197 : i32 to index
      %get3A_220 = arith.constant 112 : index
      %get3A_221 = tpu.vector_load %arg4[%get3A_219, %get3A_220] {strides = array<i32>} : memref<18x128xi32, #tpu.memory_space<vmem>>, vector<16xi32>,
      tpu.vector_store_idx %arg5[%get3A_200, %add3A_6], %broadcast_in_dim3A_3 : memref<1000x128xf32, #tpu.memory_space<vmem>>[vector<16xi32>, vector<16xi32>], vector<16xf32>,
      tpu.vector_store_idx %arg5[%get3A_203, %add3A_9], %broadcast_in_dim3A_3 : memref<1000x128xf32, #tpu.memory_space<vmem>>[vector<16xi32>, vector<16xi32>], vector<16xf32>,
      tpu.vector_store_idx %arg5[%get3A_206, %add3A_12], %broadcast_in_dim3A_3 : memref<1000x128xf32, #tpu.memory_space<vmem>>[vector<16xi32>, vector<16xi32>], vector<16xf32>,
      tpu.vector_store_idx %arg5[%get3A_209, %add3A_15], %broadcast_in_dim3A_3 : memref<1000x128xf32, #tpu.memory_space<vmem>>[vector<16xi32>, vector<16xi32>], vector<16xf32>,
      tpu.vector_store_idx %arg5[%get3A_212, %add3A_18], %broadcast_in_dim3A_3 : memref<1000x128xf32, #tpu.memory_space<vmem>>[vector<16xi32>, vector<16xi32>], vector<16xf32>,
      tpu.vector_store_idx %arg5[%get3A_215, %add3A_21], %broadcast_in_dim3A_3 : memref<1000x128xf32, #tpu.memory_space<vmem>>[vector<16xi32>, vector<16xi32>], vector<16xf32>,
      tpu.vector_store_idx %arg5[%get3A_218, %add3A_24], %broadcast_in_dim3A_3 : memref<1000x128xf32, #tpu.memory_space<vmem>>[vector<16xi32>, vector<16xi32>], vector<16xf32>,
      tpu.vector_store_idx %arg5[%get3A_221, %add3A_27], %broadcast_in_dim3A_3 : memref<1000x128xf32, #tpu.memory_space<vmem>>[vector<16xi32>, vector<16xi32>], vector<16xf32>,
      %scan3A_222 = arith.constant 0 : i32
      scf.yield %scan3A_222 : i32
    }
    %scan3A_72 = arith.constant 16 : i32
    "tpu.region"() ({
      %run_scoped3A = tpu.sem_alloc : memref<!tpu.dma_semaphore, #tpu.memory_space<semaphore_mem>>
      %dma_start3A = arith.constant 0 : i32
      %dma_start3A_197 = arith.constant 0 : i32
      %dma_start3A_198 = tpu.memref_slice %arg4[%dma_start3A, %dma_start3A_197] : memref<18x128xi32, #tpu.memory_space<vmem>> -> memref<16x128xi32, #tpu.memory_space<vmem>>
      %dma_start3A_199 = arith.constant 16 : i32
      %dma_start3A_200 = tpu.memref_slice %arg2[%dma_start3A_199, %add3A_37] : memref<50x16384xi32, #tpu.memory_space<hbm>> -> memref<16x128xi32, #tpu.memory_space<hbm>>
      %dma_start3A_201 = arith.constant 0 : i32
      %dma_start3A_202 = arith.constant 0 : i32
      %dma_start3A_203 = tpu.memref_slice %arg4[%dma_start3A_201, %dma_start3A_202] : memref<18x128xi32, #tpu.memory_space<vmem>> -> memref<16x128xi32, #tpu.memory_space<vmem>>
      %dma_start3A_204 = arith.constant 16 : i32
      %dma_start3A_205 = tpu.memref_slice %arg2[%dma_start3A_204, %add3A_37] : memref<50x16384xi32, #tpu.memory_space<hbm>> -> memref<16x128xi32, #tpu.memory_space<hbm>>
      tpu.enqueue_dma source(%dma_start3A_205 : memref<16x128xi32, #tpu.memory_space<hbm>>) target(%dma_start3A_203 : memref<16x128xi32, #tpu.memory_space<vmem>>) target_semaphore(%run_scoped3A : memref<!tpu.dma_semaphore, #tpu.memory_space<semaphore_mem>>)
      %dma_wait3A = arith.constant 0 : i32
      %dma_wait3A_206 = arith.constant 0 : i32
      %dma_wait3A_207 = tpu.memref_slice %arg4[%dma_wait3A, %dma_wait3A_206] : memref<18x128xi32, #tpu.memory_space<vmem>> -> memref<16x128xi32, #tpu.memory_space<vmem>>
      %dma_wait3A_208 = arith.constant 16 : i32
      %dma_wait3A_209 = tpu.memref_slice %arg2[%dma_wait3A_208, %add3A_37] : memref<50x16384xi32, #tpu.memory_space<hbm>> -> memref<16x128xi32, #tpu.memory_space<hbm>>
      %dma_wait3A_210 = arith.constant 0 : i32
      %dma_wait3A_211 = arith.constant 0 : i32
      %dma_wait3A_212 = tpu.memref_slice %arg4[%dma_wait3A_210, %dma_wait3A_211] : memref<18x128xi32, #tpu.memory_space<vmem>> -> memref<16x128xi32, #tpu.memory_space<vmem>>
      %dma_wait3A_213 = arith.constant 16 : i32
      %dma_wait3A_214 = tpu.memref_slice %arg2[%dma_wait3A_213, %add3A_37] : memref<50x16384xi32, #tpu.memory_space<hbm>> -> memref<16x128xi32, #tpu.memory_space<hbm>>
      tpu.wait_dma2 semaphore(%run_scoped3A : memref<!tpu.dma_semaphore, #tpu.memory_space<semaphore_mem>>) src(%dma_wait3A_214 : memref<16x128xi32, #tpu.memory_space<hbm>>) dst(%dma_wait3A_212 : memref<16x128xi32, #tpu.memory_space<vmem>>)
      tpu.yield
    }) : () -> ()
    %scan3A_73 = arith.constant 0 : i32
    %scan3A_74 = arith.constant 0 : i32
    %scan3A_75 = arith.constant 16 : i32
    %scan3A_76 = arith.addi %scan3A_74, %scan3A_75 : i32
    %scan3A_77 = arith.constant 1 : i32
    %scan3A_78 = scf.for %scan3A_197 = %scan3A_74 to %scan3A_76 step %scan3A_77 iter_args(%scan3A_198 = %scan3A_73) -> (i32)  : i32 {
      %get3A = arith.index_cast %scan3A_197 : i32 to index
      %get3A_199 = arith.constant 0 : index
      %get3A_200 = tpu.vector_load %arg4[%get3A, %get3A_199] {strides = array<i32>} : memref<18x128xi32, #tpu.memory_space<vmem>>, vector<16xi32>,
      %get3A_201 = arith.index_cast %scan3A_197 : i32 to index
      %get3A_202 = arith.constant 16 : index
      %get3A_203 = tpu.vector_load %arg4[%get3A_201, %get3A_202] {strides = array<i32>} : memref<18x128xi32, #tpu.memory_space<vmem>>, vector<16xi32>,
      %get3A_204 = arith.index_cast %scan3A_197 : i32 to index
      %get3A_205 = arith.constant 32 : index
      %get3A_206 = tpu.vector_load %arg4[%get3A_204, %get3A_205] {strides = array<i32>} : memref<18x128xi32, #tpu.memory_space<vmem>>, vector<16xi32>,
      %get3A_207 = arith.index_cast %scan3A_197 : i32 to index
      %get3A_208 = arith.constant 48 : index
      %get3A_209 = tpu.vector_load %arg4[%get3A_207, %get3A_208] {strides = array<i32>} : memref<18x128xi32, #tpu.memory_space<vmem>>, vector<16xi32>,
      %get3A_210 = arith.index_cast %scan3A_197 : i32 to index
      %get3A_211 = arith.constant 64 : index
      %get3A_212 = tpu.vector_load %arg4[%get3A_210, %get3A_211] {strides = array<i32>} : memref<18x128xi32, #tpu.memory_space<vmem>>, vector<16xi32>,
      %get3A_213 = arith.index_cast %scan3A_197 : i32 to index
      %get3A_214 = arith.constant 80 : index
      %get3A_215 = tpu.vector_load %arg4[%get3A_213, %get3A_214] {strides = array<i32>} : memref<18x128xi32, #tpu.memory_space<vmem>>, vector<16xi32>,
      %get3A_216 = arith.index_cast %scan3A_197 : i32 to index
      %get3A_217 = arith.constant 96 : index
      %get3A_218 = tpu.vector_load %arg4[%get3A_216, %get3A_217] {strides = array<i32>} : memref<18x128xi32, #tpu.memory_space<vmem>>, vector<16xi32>,
      %get3A_219 = arith.index_cast %scan3A_197 : i32 to index
      %get3A_220 = arith.constant 112 : index
      %get3A_221 = tpu.vector_load %arg4[%get3A_219, %get3A_220] {strides = array<i32>} : memref<18x128xi32, #tpu.memory_space<vmem>>, vector<16xi32>,
      tpu.vector_store_idx %arg5[%get3A_200, %add3A_6], %broadcast_in_dim3A_3 : memref<1000x128xf32, #tpu.memory_space<vmem>>[vector<16xi32>, vector<16xi32>], vector<16xf32>,
      tpu.vector_store_idx %arg5[%get3A_203, %add3A_9], %broadcast_in_dim3A_3 : memref<1000x128xf32, #tpu.memory_space<vmem>>[vector<16xi32>, vector<16xi32>], vector<16xf32>,
      tpu.vector_store_idx %arg5[%get3A_206, %add3A_12], %broadcast_in_dim3A_3 : memref<1000x128xf32, #tpu.memory_space<vmem>>[vector<16xi32>, vector<16xi32>], vector<16xf32>,
      tpu.vector_store_idx %arg5[%get3A_209, %add3A_15], %broadcast_in_dim3A_3 : memref<1000x128xf32, #tpu.memory_space<vmem>>[vector<16xi32>, vector<16xi32>], vector<16xf32>,
      tpu.vector_store_idx %arg5[%get3A_212, %add3A_18], %broadcast_in_dim3A_3 : memref<1000x128xf32, #tpu.memory_space<vmem>>[vector<16xi32>, vector<16xi32>], vector<16xf32>,
      tpu.vector_store_idx %arg5[%get3A_215, %add3A_21], %broadcast_in_dim3A_3 : memref<1000x128xf32, #tpu.memory_space<vmem>>[vector<16xi32>, vector<16xi32>], vector<16xf32>,
      tpu.vector_store_idx %arg5[%get3A_218, %add3A_24], %broadcast_in_dim3A_3 : memref<1000x128xf32, #tpu.memory_space<vmem>>[vector<16xi32>, vector<16xi32>], vector<16xf32>,
      tpu.vector_store_idx %arg5[%get3A_221, %add3A_27], %broadcast_in_dim3A_3 : memref<1000x128xf32, #tpu.memory_space<vmem>>[vector<16xi32>, vector<16xi32>], vector<16xf32>,
      %scan3A_222 = arith.constant 0 : i32
      scf.yield %scan3A_222 : i32
    }
    %scan3A_79 = arith.constant 16 : i32
    %mul3A_80 = arith.constant 512 : i32
    %mul3A_81 = arith.muli %add3A, %mul3A_80 : i32
    %add3A_82 = arith.constant 128 : i32
    %add3A_83 = arith.addi %mul3A_81, %add3A_82 : i32
    "tpu.region"() ({
      %run_scoped3A = tpu.sem_alloc : memref<!tpu.dma_semaphore, #tpu.memory_space<semaphore_mem>>
      %dma_start3A = arith.constant 0 : i32
      %dma_start3A_197 = arith.constant 0 : i32
      %dma_start3A_198 = tpu.memref_slice %arg4[%dma_start3A, %dma_start3A_197] : memref<18x128xi32, #tpu.memory_space<vmem>> -> memref<16x128xi32, #tpu.memory_space<vmem>>
      %dma_start3A_199 = arith.constant 0 : i32
      %dma_start3A_200 = tpu.memref_slice %arg2[%dma_start3A_199, %add3A_83] : memref<50x16384xi32, #tpu.memory_space<hbm>> -> memref<16x128xi32, #tpu.memory_space<hbm>>
      %dma_start3A_201 = arith.constant 0 : i32
      %dma_start3A_202 = arith.constant 0 : i32
      %dma_start3A_203 = tpu.memref_slice %arg4[%dma_start3A_201, %dma_start3A_202] : memref<18x128xi32, #tpu.memory_space<vmem>> -> memref<16x128xi32, #tpu.memory_space<vmem>>
      %dma_start3A_204 = arith.constant 0 : i32
      %dma_start3A_205 = tpu.memref_slice %arg2[%dma_start3A_204, %add3A_83] : memref<50x16384xi32, #tpu.memory_space<hbm>> -> memref<16x128xi32, #tpu.memory_space<hbm>>
      tpu.enqueue_dma source(%dma_start3A_205 : memref<16x128xi32, #tpu.memory_space<hbm>>) target(%dma_start3A_203 : memref<16x128xi32, #tpu.memory_space<vmem>>) target_semaphore(%run_scoped3A : memref<!tpu.dma_semaphore, #tpu.memory_space<semaphore_mem>>)
      %dma_wait3A = arith.constant 0 : i32
      %dma_wait3A_206 = arith.constant 0 : i32
      %dma_wait3A_207 = tpu.memref_slice %arg4[%dma_wait3A, %dma_wait3A_206] : memref<18x128xi32, #tpu.memory_space<vmem>> -> memref<16x128xi32, #tpu.memory_space<vmem>>
      %dma_wait3A_208 = arith.constant 0 : i32
      %dma_wait3A_209 = tpu.memref_slice %arg2[%dma_wait3A_208, %add3A_83] : memref<50x16384xi32, #tpu.memory_space<hbm>> -> memref<16x128xi32, #tpu.memory_space<hbm>>
      %dma_wait3A_210 = arith.constant 0 : i32
      %dma_wait3A_211 = arith.constant 0 : i32
      %dma_wait3A_212 = tpu.memref_slice %arg4[%dma_wait3A_210, %dma_wait3A_211] : memref<18x128xi32, #tpu.memory_space<vmem>> -> memref<16x128xi32, #tpu.memory_space<vmem>>
      %dma_wait3A_213 = arith.constant 0 : i32
      %dma_wait3A_214 = tpu.memref_slice %arg2[%dma_wait3A_213, %add3A_83] : memref<50x16384xi32, #tpu.memory_space<hbm>> -> memref<16x128xi32, #tpu.memory_space<hbm>>
      tpu.wait_dma2 semaphore(%run_scoped3A : memref<!tpu.dma_semaphore, #tpu.memory_space<semaphore_mem>>) src(%dma_wait3A_214 : memref<16x128xi32, #tpu.memory_space<hbm>>) dst(%dma_wait3A_212 : memref<16x128xi32, #tpu.memory_space<vmem>>)
      tpu.yield
    }) : () -> ()
    %scan3A_84 = arith.constant 0 : i32
    %scan3A_85 = arith.constant 0 : i32
    %scan3A_86 = arith.constant 16 : i32
    %scan3A_87 = arith.addi %scan3A_85, %scan3A_86 : i32
    %scan3A_88 = arith.constant 1 : i32
    %scan3A_89 = scf.for %scan3A_197 = %scan3A_85 to %scan3A_87 step %scan3A_88 iter_args(%scan3A_198 = %scan3A_84) -> (i32)  : i32 {
      %get3A = arith.index_cast %scan3A_197 : i32 to index
      %get3A_199 = arith.constant 0 : index
      %get3A_200 = tpu.vector_load %arg4[%get3A, %get3A_199] {strides = array<i32>} : memref<18x128xi32, #tpu.memory_space<vmem>>, vector<16xi32>,
      %get3A_201 = arith.index_cast %scan3A_197 : i32 to index
      %get3A_202 = arith.constant 16 : index
      %get3A_203 = tpu.vector_load %arg4[%get3A_201, %get3A_202] {strides = array<i32>} : memref<18x128xi32, #tpu.memory_space<vmem>>, vector<16xi32>,
      %get3A_204 = arith.index_cast %scan3A_197 : i32 to index
      %get3A_205 = arith.constant 32 : index
      %get3A_206 = tpu.vector_load %arg4[%get3A_204, %get3A_205] {strides = array<i32>} : memref<18x128xi32, #tpu.memory_space<vmem>>, vector<16xi32>,
      %get3A_207 = arith.index_cast %scan3A_197 : i32 to index
      %get3A_208 = arith.constant 48 : index
      %get3A_209 = tpu.vector_load %arg4[%get3A_207, %get3A_208] {strides = array<i32>} : memref<18x128xi32, #tpu.memory_space<vmem>>, vector<16xi32>,
      %get3A_210 = arith.index_cast %scan3A_197 : i32 to index
      %get3A_211 = arith.constant 64 : index
      %get3A_212 = tpu.vector_load %arg4[%get3A_210, %get3A_211] {strides = array<i32>} : memref<18x128xi32, #tpu.memory_space<vmem>>, vector<16xi32>,
      %get3A_213 = arith.index_cast %scan3A_197 : i32 to index
      %get3A_214 = arith.constant 80 : index
      %get3A_215 = tpu.vector_load %arg4[%get3A_213, %get3A_214] {strides = array<i32>} : memref<18x128xi32, #tpu.memory_space<vmem>>, vector<16xi32>,
      %get3A_216 = arith.index_cast %scan3A_197 : i32 to index
      %get3A_217 = arith.constant 96 : index
      %get3A_218 = tpu.vector_load %arg4[%get3A_216, %get3A_217] {strides = array<i32>} : memref<18x128xi32, #tpu.memory_space<vmem>>, vector<16xi32>,
      %get3A_219 = arith.index_cast %scan3A_197 : i32 to index
      %get3A_220 = arith.constant 112 : index
      %get3A_221 = tpu.vector_load %arg4[%get3A_219, %get3A_220] {strides = array<i32>} : memref<18x128xi32, #tpu.memory_space<vmem>>, vector<16xi32>,
      tpu.vector_store_idx %arg5[%get3A_200, %add3A_6], %broadcast_in_dim3A_1 : memref<1000x128xf32, #tpu.memory_space<vmem>>[vector<16xi32>, vector<16xi32>], vector<16xf32>,
      tpu.vector_store_idx %arg5[%get3A_203, %add3A_9], %broadcast_in_dim3A_1 : memref<1000x128xf32, #tpu.memory_space<vmem>>[vector<16xi32>, vector<16xi32>], vector<16xf32>,
      tpu.vector_store_idx %arg5[%get3A_206, %add3A_12], %broadcast_in_dim3A_1 : memref<1000x128xf32, #tpu.memory_space<vmem>>[vector<16xi32>, vector<16xi32>], vector<16xf32>,
      tpu.vector_store_idx %arg5[%get3A_209, %add3A_15], %broadcast_in_dim3A_1 : memref<1000x128xf32, #tpu.memory_space<vmem>>[vector<16xi32>, vector<16xi32>], vector<16xf32>,
      tpu.vector_store_idx %arg5[%get3A_212, %add3A_18], %broadcast_in_dim3A_1 : memref<1000x128xf32, #tpu.memory_space<vmem>>[vector<16xi32>, vector<16xi32>], vector<16xf32>,
      tpu.vector_store_idx %arg5[%get3A_215, %add3A_21], %broadcast_in_dim3A_1 : memref<1000x128xf32, #tpu.memory_space<vmem>>[vector<16xi32>, vector<16xi32>], vector<16xf32>,
      tpu.vector_store_idx %arg5[%get3A_218, %add3A_24], %broadcast_in_dim3A_1 : memref<1000x128xf32, #tpu.memory_space<vmem>>[vector<16xi32>, vector<16xi32>], vector<16xf32>,
      tpu.vector_store_idx %arg5[%get3A_221, %add3A_27], %broadcast_in_dim3A_1 : memref<1000x128xf32, #tpu.memory_space<vmem>>[vector<16xi32>, vector<16xi32>], vector<16xf32>,
      %scan3A_222 = arith.constant 0 : i32
      scf.yield %scan3A_222 : i32
    }
    %scan3A_90 = arith.constant 16 : i32
    "tpu.region"() ({
      %run_scoped3A = tpu.sem_alloc : memref<!tpu.dma_semaphore, #tpu.memory_space<semaphore_mem>>
      %dma_start3A = arith.constant 0 : i32
      %dma_start3A_197 = arith.constant 0 : i32
      %dma_start3A_198 = tpu.memref_slice %arg4[%dma_start3A, %dma_start3A_197] : memref<18x128xi32, #tpu.memory_space<vmem>> -> memref<16x128xi32, #tpu.memory_space<vmem>>
      %dma_start3A_199 = arith.constant 16 : i32
      %dma_start3A_200 = tpu.memref_slice %arg2[%dma_start3A_199, %add3A_83] : memref<50x16384xi32, #tpu.memory_space<hbm>> -> memref<16x128xi32, #tpu.memory_space<hbm>>
      %dma_start3A_201 = arith.constant 0 : i32
      %dma_start3A_202 = arith.constant 0 : i32
      %dma_start3A_203 = tpu.memref_slice %arg4[%dma_start3A_201, %dma_start3A_202] : memref<18x128xi32, #tpu.memory_space<vmem>> -> memref<16x128xi32, #tpu.memory_space<vmem>>
      %dma_start3A_204 = arith.constant 16 : i32
      %dma_start3A_205 = tpu.memref_slice %arg2[%dma_start3A_204, %add3A_83] : memref<50x16384xi32, #tpu.memory_space<hbm>> -> memref<16x128xi32, #tpu.memory_space<hbm>>
      tpu.enqueue_dma source(%dma_start3A_205 : memref<16x128xi32, #tpu.memory_space<hbm>>) target(%dma_start3A_203 : memref<16x128xi32, #tpu.memory_space<vmem>>) target_semaphore(%run_scoped3A : memref<!tpu.dma_semaphore, #tpu.memory_space<semaphore_mem>>)
      %dma_wait3A = arith.constant 0 : i32
      %dma_wait3A_206 = arith.constant 0 : i32
      %dma_wait3A_207 = tpu.memref_slice %arg4[%dma_wait3A, %dma_wait3A_206] : memref<18x128xi32, #tpu.memory_space<vmem>> -> memref<16x128xi32, #tpu.memory_space<vmem>>
      %dma_wait3A_208 = arith.constant 16 : i32
      %dma_wait3A_209 = tpu.memref_slice %arg2[%dma_wait3A_208, %add3A_83] : memref<50x16384xi32, #tpu.memory_space<hbm>> -> memref<16x128xi32, #tpu.memory_space<hbm>>
      %dma_wait3A_210 = arith.constant 0 : i32
      %dma_wait3A_211 = arith.constant 0 : i32
      %dma_wait3A_212 = tpu.memref_slice %arg4[%dma_wait3A_210, %dma_wait3A_211] : memref<18x128xi32, #tpu.memory_space<vmem>> -> memref<16x128xi32, #tpu.memory_space<vmem>>
      %dma_wait3A_213 = arith.constant 16 : i32
      %dma_wait3A_214 = tpu.memref_slice %arg2[%dma_wait3A_213, %add3A_83] : memref<50x16384xi32, #tpu.memory_space<hbm>> -> memref<16x128xi32, #tpu.memory_space<hbm>>
      tpu.wait_dma2 semaphore(%run_scoped3A : memref<!tpu.dma_semaphore, #tpu.memory_space<semaphore_mem>>) src(%dma_wait3A_214 : memref<16x128xi32, #tpu.memory_space<hbm>>) dst(%dma_wait3A_212 : memref<16x128xi32, #tpu.memory_space<vmem>>)
      tpu.yield
    }) : () -> ()
    %scan3A_91 = arith.constant 0 : i32
    %scan3A_92 = arith.constant 0 : i32
    %scan3A_93 = arith.constant 16 : i32
    %scan3A_94 = arith.addi %scan3A_92, %scan3A_93 : i32
    %scan3A_95 = arith.constant 1 : i32
    %scan3A_96 = scf.for %scan3A_197 = %scan3A_92 to %scan3A_94 step %scan3A_95 iter_args(%scan3A_198 = %scan3A_91) -> (i32)  : i32 {
      %get3A = arith.index_cast %scan3A_197 : i32 to index
      %get3A_199 = arith.constant 0 : index
      %get3A_200 = tpu.vector_load %arg4[%get3A, %get3A_199] {strides = array<i32>} : memref<18x128xi32, #tpu.memory_space<vmem>>, vector<16xi32>,
      %get3A_201 = arith.index_cast %scan3A_197 : i32 to index
      %get3A_202 = arith.constant 16 : index
      %get3A_203 = tpu.vector_load %arg4[%get3A_201, %get3A_202] {strides = array<i32>} : memref<18x128xi32, #tpu.memory_space<vmem>>, vector<16xi32>,
      %get3A_204 = arith.index_cast %scan3A_197 : i32 to index
      %get3A_205 = arith.constant 32 : index
      %get3A_206 = tpu.vector_load %arg4[%get3A_204, %get3A_205] {strides = array<i32>} : memref<18x128xi32, #tpu.memory_space<vmem>>, vector<16xi32>,
      %get3A_207 = arith.index_cast %scan3A_197 : i32 to index
      %get3A_208 = arith.constant 48 : index
      %get3A_209 = tpu.vector_load %arg4[%get3A_207, %get3A_208] {strides = array<i32>} : memref<18x128xi32, #tpu.memory_space<vmem>>, vector<16xi32>,
      %get3A_210 = arith.index_cast %scan3A_197 : i32 to index
      %get3A_211 = arith.constant 64 : index
      %get3A_212 = tpu.vector_load %arg4[%get3A_210, %get3A_211] {strides = array<i32>} : memref<18x128xi32, #tpu.memory_space<vmem>>, vector<16xi32>,
      %get3A_213 = arith.index_cast %scan3A_197 : i32 to index
      %get3A_214 = arith.constant 80 : index
      %get3A_215 = tpu.vector_load %arg4[%get3A_213, %get3A_214] {strides = array<i32>} : memref<18x128xi32, #tpu.memory_space<vmem>>, vector<16xi32>,
      %get3A_216 = arith.index_cast %scan3A_197 : i32 to index
      %get3A_217 = arith.constant 96 : index
      %get3A_218 = tpu.vector_load %arg4[%get3A_216, %get3A_217] {strides = array<i32>} : memref<18x128xi32, #tpu.memory_space<vmem>>, vector<16xi32>,
      %get3A_219 = arith.index_cast %scan3A_197 : i32 to index
      %get3A_220 = arith.constant 112 : index
      %get3A_221 = tpu.vector_load %arg4[%get3A_219, %get3A_220] {strides = array<i32>} : memref<18x128xi32, #tpu.memory_space<vmem>>, vector<16xi32>,
      tpu.vector_store_idx %arg5[%get3A_200, %add3A_6], %broadcast_in_dim3A_1 : memref<1000x128xf32, #tpu.memory_space<vmem>>[vector<16xi32>, vector<16xi32>], vector<16xf32>,
      tpu.vector_store_idx %arg5[%get3A_203, %add3A_9], %broadcast_in_dim3A_1 : memref<1000x128xf32, #tpu.memory_space<vmem>>[vector<16xi32>, vector<16xi32>], vector<16xf32>,
      tpu.vector_store_idx %arg5[%get3A_206, %add3A_12], %broadcast_in_dim3A_1 : memref<1000x128xf32, #tpu.memory_space<vmem>>[vector<16xi32>, vector<16xi32>], vector<16xf32>,
      tpu.vector_store_idx %arg5[%get3A_209, %add3A_15], %broadcast_in_dim3A_1 : memref<1000x128xf32, #tpu.memory_space<vmem>>[vector<16xi32>, vector<16xi32>], vector<16xf32>,
      tpu.vector_store_idx %arg5[%get3A_212, %add3A_18], %broadcast_in_dim3A_1 : memref<1000x128xf32, #tpu.memory_space<vmem>>[vector<16xi32>, vector<16xi32>], vector<16xf32>,
      tpu.vector_store_idx %arg5[%get3A_215, %add3A_21], %broadcast_in_dim3A_1 : memref<1000x128xf32, #tpu.memory_space<vmem>>[vector<16xi32>, vector<16xi32>], vector<16xf32>,
      tpu.vector_store_idx %arg5[%get3A_218, %add3A_24], %broadcast_in_dim3A_1 : memref<1000x128xf32, #tpu.memory_space<vmem>>[vector<16xi32>, vector<16xi32>], vector<16xf32>,
      tpu.vector_store_idx %arg5[%get3A_221, %add3A_27], %broadcast_in_dim3A_1 : memref<1000x128xf32, #tpu.memory_space<vmem>>[vector<16xi32>, vector<16xi32>], vector<16xf32>,
      %scan3A_222 = arith.constant 0 : i32
      scf.yield %scan3A_222 : i32
    }
    %scan3A_97 = arith.constant 16 : i32
    "tpu.region"() ({
      %run_scoped3A = tpu.sem_alloc : memref<!tpu.dma_semaphore, #tpu.memory_space<semaphore_mem>>
      %dma_start3A = arith.constant 0 : i32
      %dma_start3A_197 = arith.constant 0 : i32
      %dma_start3A_198 = tpu.memref_slice %arg4[%dma_start3A, %dma_start3A_197] : memref<18x128xi32, #tpu.memory_space<vmem>> -> memref<18x128xi32, #tpu.memory_space<vmem>>
      %dma_start3A_199 = arith.constant 32 : i32
      %dma_start3A_200 = tpu.memref_slice %arg2[%dma_start3A_199, %add3A_83] : memref<50x16384xi32, #tpu.memory_space<hbm>> -> memref<18x128xi32, #tpu.memory_space<hbm>>
      %dma_start3A_201 = arith.constant 0 : i32
      %dma_start3A_202 = arith.constant 0 : i32
      %dma_start3A_203 = tpu.memref_slice %arg4[%dma_start3A_201, %dma_start3A_202] : memref<18x128xi32, #tpu.memory_space<vmem>> -> memref<18x128xi32, #tpu.memory_space<vmem>>
      %dma_start3A_204 = arith.constant 32 : i32
      %dma_start3A_205 = tpu.memref_slice %arg2[%dma_start3A_204, %add3A_83] : memref<50x16384xi32, #tpu.memory_space<hbm>> -> memref<18x128xi32, #tpu.memory_space<hbm>>
      tpu.enqueue_dma source(%dma_start3A_205 : memref<18x128xi32, #tpu.memory_space<hbm>>) target(%dma_start3A_203 : memref<18x128xi32, #tpu.memory_space<vmem>>) target_semaphore(%run_scoped3A : memref<!tpu.dma_semaphore, #tpu.memory_space<semaphore_mem>>)
      %dma_wait3A = arith.constant 0 : i32
      %dma_wait3A_206 = arith.constant 0 : i32
      %dma_wait3A_207 = tpu.memref_slice %arg4[%dma_wait3A, %dma_wait3A_206] : memref<18x128xi32, #tpu.memory_space<vmem>> -> memref<18x128xi32, #tpu.memory_space<vmem>>
      %dma_wait3A_208 = arith.constant 32 : i32
      %dma_wait3A_209 = tpu.memref_slice %arg2[%dma_wait3A_208, %add3A_83] : memref<50x16384xi32, #tpu.memory_space<hbm>> -> memref<18x128xi32, #tpu.memory_space<hbm>>
      %dma_wait3A_210 = arith.constant 0 : i32
      %dma_wait3A_211 = arith.constant 0 : i32
      %dma_wait3A_212 = tpu.memref_slice %arg4[%dma_wait3A_210, %dma_wait3A_211] : memref<18x128xi32, #tpu.memory_space<vmem>> -> memref<18x128xi32, #tpu.memory_space<vmem>>
      %dma_wait3A_213 = arith.constant 32 : i32
      %dma_wait3A_214 = tpu.memref_slice %arg2[%dma_wait3A_213, %add3A_83] : memref<50x16384xi32, #tpu.memory_space<hbm>> -> memref<18x128xi32, #tpu.memory_space<hbm>>
      tpu.wait_dma2 semaphore(%run_scoped3A : memref<!tpu.dma_semaphore, #tpu.memory_space<semaphore_mem>>) src(%dma_wait3A_214 : memref<18x128xi32, #tpu.memory_space<hbm>>) dst(%dma_wait3A_212 : memref<18x128xi32, #tpu.memory_space<vmem>>)
      tpu.yield
    }) : () -> ()
    %scan3A_98 = arith.constant 0 : i32
    %scan3A_99 = arith.constant 0 : i32
    %scan3A_100 = arith.constant 18 : i32
    %scan3A_101 = arith.addi %scan3A_99, %scan3A_100 : i32
    %scan3A_102 = arith.constant 1 : i32
    %scan3A_103 = scf.for %scan3A_197 = %scan3A_99 to %scan3A_101 step %scan3A_102 iter_args(%scan3A_198 = %scan3A_98) -> (i32)  : i32 {
      %get3A = arith.index_cast %scan3A_197 : i32 to index
      %get3A_199 = arith.constant 0 : index
      %get3A_200 = tpu.vector_load %arg4[%get3A, %get3A_199] {strides = array<i32>} : memref<18x128xi32, #tpu.memory_space<vmem>>, vector<16xi32>,
      %get3A_201 = arith.index_cast %scan3A_197 : i32 to index
      %get3A_202 = arith.constant 16 : index
      %get3A_203 = tpu.vector_load %arg4[%get3A_201, %get3A_202] {strides = array<i32>} : memref<18x128xi32, #tpu.memory_space<vmem>>, vector<16xi32>,
      %get3A_204 = arith.index_cast %scan3A_197 : i32 to index
      %get3A_205 = arith.constant 32 : index
      %get3A_206 = tpu.vector_load %arg4[%get3A_204, %get3A_205] {strides = array<i32>} : memref<18x128xi32, #tpu.memory_space<vmem>>, vector<16xi32>,
      %get3A_207 = arith.index_cast %scan3A_197 : i32 to index
      %get3A_208 = arith.constant 48 : index
      %get3A_209 = tpu.vector_load %arg4[%get3A_207, %get3A_208] {strides = array<i32>} : memref<18x128xi32, #tpu.memory_space<vmem>>, vector<16xi32>,
      %get3A_210 = arith.index_cast %scan3A_197 : i32 to index
      %get3A_211 = arith.constant 64 : index
      %get3A_212 = tpu.vector_load %arg4[%get3A_210, %get3A_211] {strides = array<i32>} : memref<18x128xi32, #tpu.memory_space<vmem>>, vector<16xi32>,
      %get3A_213 = arith.index_cast %scan3A_197 : i32 to index
      %get3A_214 = arith.constant 80 : index
      %get3A_215 = tpu.vector_load %arg4[%get3A_213, %get3A_214] {strides = array<i32>} : memref<18x128xi32, #tpu.memory_space<vmem>>, vector<16xi32>,
      %get3A_216 = arith.index_cast %scan3A_197 : i32 to index
      %get3A_217 = arith.constant 96 : index
      %get3A_218 = tpu.vector_load %arg4[%get3A_216, %get3A_217] {strides = array<i32>} : memref<18x128xi32, #tpu.memory_space<vmem>>, vector<16xi32>,
      %get3A_219 = arith.index_cast %scan3A_197 : i32 to index
      %get3A_220 = arith.constant 112 : index
      %get3A_221 = tpu.vector_load %arg4[%get3A_219, %get3A_220] {strides = array<i32>} : memref<18x128xi32, #tpu.memory_space<vmem>>, vector<16xi32>,
      tpu.vector_store_idx %arg5[%get3A_200, %add3A_6], %broadcast_in_dim3A_1 : memref<1000x128xf32, #tpu.memory_space<vmem>>[vector<16xi32>, vector<16xi32>], vector<16xf32>,
      tpu.vector_store_idx %arg5[%get3A_203, %add3A_9], %broadcast_in_dim3A_1 : memref<1000x128xf32, #tpu.memory_space<vmem>>[vector<16xi32>, vector<16xi32>], vector<16xf32>,
      tpu.vector_store_idx %arg5[%get3A_206, %add3A_12], %broadcast_in_dim3A_1 : memref<1000x128xf32, #tpu.memory_space<vmem>>[vector<16xi32>, vector<16xi32>], vector<16xf32>,
      tpu.vector_store_idx %arg5[%get3A_209, %add3A_15], %broadcast_in_dim3A_1 : memref<1000x128xf32, #tpu.memory_space<vmem>>[vector<16xi32>, vector<16xi32>], vector<16xf32>,
      tpu.vector_store_idx %arg5[%get3A_212, %add3A_18], %broadcast_in_dim3A_1 : memref<1000x128xf32, #tpu.memory_space<vmem>>[vector<16xi32>, vector<16xi32>], vector<16xf32>,
      tpu.vector_store_idx %arg5[%get3A_215, %add3A_21], %broadcast_in_dim3A_1 : memref<1000x128xf32, #tpu.memory_space<vmem>>[vector<16xi32>, vector<16xi32>], vector<16xf32>,
      tpu.vector_store_idx %arg5[%get3A_218, %add3A_24], %broadcast_in_dim3A_1 : memref<1000x128xf32, #tpu.memory_space<vmem>>[vector<16xi32>, vector<16xi32>], vector<16xf32>,
      tpu.vector_store_idx %arg5[%get3A_221, %add3A_27], %broadcast_in_dim3A_1 : memref<1000x128xf32, #tpu.memory_space<vmem>>[vector<16xi32>, vector<16xi32>], vector<16xf32>,
      %scan3A_222 = arith.constant 0 : i32
      scf.yield %scan3A_222 : i32
    }
    %scan3A_104 = arith.constant 18 : i32
    "tpu.region"() ({
      %run_scoped3A = tpu.sem_alloc : memref<!tpu.dma_semaphore, #tpu.memory_space<semaphore_mem>>
      %dma_start3A = arith.constant 0 : i32
      %dma_start3A_197 = tpu.memref_slice %arg3[%dma_start3A, %add3A_83] : memref<1000x16384xf32, #tpu.memory_space<hbm>> -> memref<1000x128xf32, #tpu.memory_space<hbm>>
      %dma_start3A_198 = arith.constant 0 : i32
      %dma_start3A_199 = tpu.memref_slice %arg3[%dma_start3A_198, %add3A_83] : memref<1000x16384xf32, #tpu.memory_space<hbm>> -> memref<1000x128xf32, #tpu.memory_space<hbm>>
      tpu.enqueue_dma source(%arg5 : memref<1000x128xf32, #tpu.memory_space<vmem>>) target(%dma_start3A_199 : memref<1000x128xf32, #tpu.memory_space<hbm>>) target_semaphore(%run_scoped3A : memref<!tpu.dma_semaphore, #tpu.memory_space<semaphore_mem>>)
      %dma_wait3A = arith.constant 0 : i32
      %dma_wait3A_200 = tpu.memref_slice %arg3[%dma_wait3A, %add3A_83] : memref<1000x16384xf32, #tpu.memory_space<hbm>> -> memref<1000x128xf32, #tpu.memory_space<hbm>>
      %dma_wait3A_201 = arith.constant 0 : i32
      %dma_wait3A_202 = tpu.memref_slice %arg3[%dma_wait3A_201, %add3A_83] : memref<1000x16384xf32, #tpu.memory_space<hbm>> -> memref<1000x128xf32, #tpu.memory_space<hbm>>
      tpu.wait_dma2 semaphore(%run_scoped3A : memref<!tpu.dma_semaphore, #tpu.memory_space<semaphore_mem>>) src(%arg5 : memref<1000x128xf32, #tpu.memory_space<vmem>>) dst(%dma_wait3A_202 : memref<1000x128xf32, #tpu.memory_space<hbm>>)
      tpu.yield
    }) : () -> ()
    %scan3A_105 = arith.constant 0 : i32
    %scan3A_106 = arith.constant 0 : i32
    %scan3A_107 = arith.constant 18 : i32
    %scan3A_108 = arith.addi %scan3A_106, %scan3A_107 : i32
    %scan3A_109 = arith.constant 1 : i32
    %scan3A_110 = scf.for %scan3A_197 = %scan3A_106 to %scan3A_108 step %scan3A_109 iter_args(%scan3A_198 = %scan3A_105) -> (i32)  : i32 {
      %get3A = arith.index_cast %scan3A_197 : i32 to index
      %get3A_199 = arith.constant 0 : index
      %get3A_200 = tpu.vector_load %arg4[%get3A, %get3A_199] {strides = array<i32>} : memref<18x128xi32, #tpu.memory_space<vmem>>, vector<16xi32>,
      %get3A_201 = arith.index_cast %scan3A_197 : i32 to index
      %get3A_202 = arith.constant 16 : index
      %get3A_203 = tpu.vector_load %arg4[%get3A_201, %get3A_202] {strides = array<i32>} : memref<18x128xi32, #tpu.memory_space<vmem>>, vector<16xi32>,
      %get3A_204 = arith.index_cast %scan3A_197 : i32 to index
      %get3A_205 = arith.constant 32 : index
      %get3A_206 = tpu.vector_load %arg4[%get3A_204, %get3A_205] {strides = array<i32>} : memref<18x128xi32, #tpu.memory_space<vmem>>, vector<16xi32>,
      %get3A_207 = arith.index_cast %scan3A_197 : i32 to index
      %get3A_208 = arith.constant 48 : index
      %get3A_209 = tpu.vector_load %arg4[%get3A_207, %get3A_208] {strides = array<i32>} : memref<18x128xi32, #tpu.memory_space<vmem>>, vector<16xi32>,
      %get3A_210 = arith.index_cast %scan3A_197 : i32 to index
      %get3A_211 = arith.constant 64 : index
      %get3A_212 = tpu.vector_load %arg4[%get3A_210, %get3A_211] {strides = array<i32>} : memref<18x128xi32, #tpu.memory_space<vmem>>, vector<16xi32>,
      %get3A_213 = arith.index_cast %scan3A_197 : i32 to index
      %get3A_214 = arith.constant 80 : index
      %get3A_215 = tpu.vector_load %arg4[%get3A_213, %get3A_214] {strides = array<i32>} : memref<18x128xi32, #tpu.memory_space<vmem>>, vector<16xi32>,
      %get3A_216 = arith.index_cast %scan3A_197 : i32 to index
      %get3A_217 = arith.constant 96 : index
      %get3A_218 = tpu.vector_load %arg4[%get3A_216, %get3A_217] {strides = array<i32>} : memref<18x128xi32, #tpu.memory_space<vmem>>, vector<16xi32>,
      %get3A_219 = arith.index_cast %scan3A_197 : i32 to index
      %get3A_220 = arith.constant 112 : index
      %get3A_221 = tpu.vector_load %arg4[%get3A_219, %get3A_220] {strides = array<i32>} : memref<18x128xi32, #tpu.memory_space<vmem>>, vector<16xi32>,
      tpu.vector_store_idx %arg5[%get3A_200, %add3A_6], %broadcast_in_dim3A_3 : memref<1000x128xf32, #tpu.memory_space<vmem>>[vector<16xi32>, vector<16xi32>], vector<16xf32>,
      tpu.vector_store_idx %arg5[%get3A_203, %add3A_9], %broadcast_in_dim3A_3 : memref<1000x128xf32, #tpu.memory_space<vmem>>[vector<16xi32>, vector<16xi32>], vector<16xf32>,
      tpu.vector_store_idx %arg5[%get3A_206, %add3A_12], %broadcast_in_dim3A_3 : memref<1000x128xf32, #tpu.memory_space<vmem>>[vector<16xi32>, vector<16xi32>], vector<16xf32>,
      tpu.vector_store_idx %arg5[%get3A_209, %add3A_15], %broadcast_in_dim3A_3 : memref<1000x128xf32, #tpu.memory_space<vmem>>[vector<16xi32>, vector<16xi32>], vector<16xf32>,
      tpu.vector_store_idx %arg5[%get3A_212, %add3A_18], %broadcast_in_dim3A_3 : memref<1000x128xf32, #tpu.memory_space<vmem>>[vector<16xi32>, vector<16xi32>], vector<16xf32>,
      tpu.vector_store_idx %arg5[%get3A_215, %add3A_21], %broadcast_in_dim3A_3 : memref<1000x128xf32, #tpu.memory_space<vmem>>[vector<16xi32>, vector<16xi32>], vector<16xf32>,
      tpu.vector_store_idx %arg5[%get3A_218, %add3A_24], %broadcast_in_dim3A_3 : memref<1000x128xf32, #tpu.memory_space<vmem>>[vector<16xi32>, vector<16xi32>], vector<16xf32>,
      tpu.vector_store_idx %arg5[%get3A_221, %add3A_27], %broadcast_in_dim3A_3 : memref<1000x128xf32, #tpu.memory_space<vmem>>[vector<16xi32>, vector<16xi32>], vector<16xf32>,
      %scan3A_222 = arith.constant 0 : i32
      scf.yield %scan3A_222 : i32
    }
    %scan3A_111 = arith.constant 18 : i32
    "tpu.region"() ({
      %run_scoped3A = tpu.sem_alloc : memref<!tpu.dma_semaphore, #tpu.memory_space<semaphore_mem>>
      %dma_start3A = arith.constant 0 : i32
      %dma_start3A_197 = arith.constant 0 : i32
      %dma_start3A_198 = tpu.memref_slice %arg4[%dma_start3A, %dma_start3A_197] : memref<18x128xi32, #tpu.memory_space<vmem>> -> memref<16x128xi32, #tpu.memory_space<vmem>>
      %dma_start3A_199 = arith.constant 0 : i32
      %dma_start3A_200 = tpu.memref_slice %arg2[%dma_start3A_199, %add3A_83] : memref<50x16384xi32, #tpu.memory_space<hbm>> -> memref<16x128xi32, #tpu.memory_space<hbm>>
      %dma_start3A_201 = arith.constant 0 : i32
      %dma_start3A_202 = arith.constant 0 : i32
      %dma_start3A_203 = tpu.memref_slice %arg4[%dma_start3A_201, %dma_start3A_202] : memref<18x128xi32, #tpu.memory_space<vmem>> -> memref<16x128xi32, #tpu.memory_space<vmem>>
      %dma_start3A_204 = arith.constant 0 : i32
      %dma_start3A_205 = tpu.memref_slice %arg2[%dma_start3A_204, %add3A_83] : memref<50x16384xi32, #tpu.memory_space<hbm>> -> memref<16x128xi32, #tpu.memory_space<hbm>>
      tpu.enqueue_dma source(%dma_start3A_205 : memref<16x128xi32, #tpu.memory_space<hbm>>) target(%dma_start3A_203 : memref<16x128xi32, #tpu.memory_space<vmem>>) target_semaphore(%run_scoped3A : memref<!tpu.dma_semaphore, #tpu.memory_space<semaphore_mem>>)
      %dma_wait3A = arith.constant 0 : i32
      %dma_wait3A_206 = arith.constant 0 : i32
      %dma_wait3A_207 = tpu.memref_slice %arg4[%dma_wait3A, %dma_wait3A_206] : memref<18x128xi32, #tpu.memory_space<vmem>> -> memref<16x128xi32, #tpu.memory_space<vmem>>
      %dma_wait3A_208 = arith.constant 0 : i32
      %dma_wait3A_209 = tpu.memref_slice %arg2[%dma_wait3A_208, %add3A_83] : memref<50x16384xi32, #tpu.memory_space<hbm>> -> memref<16x128xi32, #tpu.memory_space<hbm>>
      %dma_wait3A_210 = arith.constant 0 : i32
      %dma_wait3A_211 = arith.constant 0 : i32
      %dma_wait3A_212 = tpu.memref_slice %arg4[%dma_wait3A_210, %dma_wait3A_211] : memref<18x128xi32, #tpu.memory_space<vmem>> -> memref<16x128xi32, #tpu.memory_space<vmem>>
      %dma_wait3A_213 = arith.constant 0 : i32
      %dma_wait3A_214 = tpu.memref_slice %arg2[%dma_wait3A_213, %add3A_83] : memref<50x16384xi32, #tpu.memory_space<hbm>> -> memref<16x128xi32, #tpu.memory_space<hbm>>
      tpu.wait_dma2 semaphore(%run_scoped3A : memref<!tpu.dma_semaphore, #tpu.memory_space<semaphore_mem>>) src(%dma_wait3A_214 : memref<16x128xi32, #tpu.memory_space<hbm>>) dst(%dma_wait3A_212 : memref<16x128xi32, #tpu.memory_space<vmem>>)
      tpu.yield
    }) : () -> ()
    %scan3A_112 = arith.constant 0 : i32
    %scan3A_113 = arith.constant 0 : i32
    %scan3A_114 = arith.constant 16 : i32
    %scan3A_115 = arith.addi %scan3A_113, %scan3A_114 : i32
    %scan3A_116 = arith.constant 1 : i32
    %scan3A_117 = scf.for %scan3A_197 = %scan3A_113 to %scan3A_115 step %scan3A_116 iter_args(%scan3A_198 = %scan3A_112) -> (i32)  : i32 {
      %get3A = arith.index_cast %scan3A_197 : i32 to index
      %get3A_199 = arith.constant 0 : index
      %get3A_200 = tpu.vector_load %arg4[%get3A, %get3A_199] {strides = array<i32>} : memref<18x128xi32, #tpu.memory_space<vmem>>, vector<16xi32>,
      %get3A_201 = arith.index_cast %scan3A_197 : i32 to index
      %get3A_202 = arith.constant 16 : index
      %get3A_203 = tpu.vector_load %arg4[%get3A_201, %get3A_202] {strides = array<i32>} : memref<18x128xi32, #tpu.memory_space<vmem>>, vector<16xi32>,
      %get3A_204 = arith.index_cast %scan3A_197 : i32 to index
      %get3A_205 = arith.constant 32 : index
      %get3A_206 = tpu.vector_load %arg4[%get3A_204, %get3A_205] {strides = array<i32>} : memref<18x128xi32, #tpu.memory_space<vmem>>, vector<16xi32>,
      %get3A_207 = arith.index_cast %scan3A_197 : i32 to index
      %get3A_208 = arith.constant 48 : index
      %get3A_209 = tpu.vector_load %arg4[%get3A_207, %get3A_208] {strides = array<i32>} : memref<18x128xi32, #tpu.memory_space<vmem>>, vector<16xi32>,
      %get3A_210 = arith.index_cast %scan3A_197 : i32 to index
      %get3A_211 = arith.constant 64 : index
      %get3A_212 = tpu.vector_load %arg4[%get3A_210, %get3A_211] {strides = array<i32>} : memref<18x128xi32, #tpu.memory_space<vmem>>, vector<16xi32>,
      %get3A_213 = arith.index_cast %scan3A_197 : i32 to index
      %get3A_214 = arith.constant 80 : index
      %get3A_215 = tpu.vector_load %arg4[%get3A_213, %get3A_214] {strides = array<i32>} : memref<18x128xi32, #tpu.memory_space<vmem>>, vector<16xi32>,
      %get3A_216 = arith.index_cast %scan3A_197 : i32 to index
      %get3A_217 = arith.constant 96 : index
      %get3A_218 = tpu.vector_load %arg4[%get3A_216, %get3A_217] {strides = array<i32>} : memref<18x128xi32, #tpu.memory_space<vmem>>, vector<16xi32>,
      %get3A_219 = arith.index_cast %scan3A_197 : i32 to index
      %get3A_220 = arith.constant 112 : index
      %get3A_221 = tpu.vector_load %arg4[%get3A_219, %get3A_220] {strides = array<i32>} : memref<18x128xi32, #tpu.memory_space<vmem>>, vector<16xi32>,
      tpu.vector_store_idx %arg5[%get3A_200, %add3A_6], %broadcast_in_dim3A_3 : memref<1000x128xf32, #tpu.memory_space<vmem>>[vector<16xi32>, vector<16xi32>], vector<16xf32>,
      tpu.vector_store_idx %arg5[%get3A_203, %add3A_9], %broadcast_in_dim3A_3 : memref<1000x128xf32, #tpu.memory_space<vmem>>[vector<16xi32>, vector<16xi32>], vector<16xf32>,
      tpu.vector_store_idx %arg5[%get3A_206, %add3A_12], %broadcast_in_dim3A_3 : memref<1000x128xf32, #tpu.memory_space<vmem>>[vector<16xi32>, vector<16xi32>], vector<16xf32>,
      tpu.vector_store_idx %arg5[%get3A_209, %add3A_15], %broadcast_in_dim3A_3 : memref<1000x128xf32, #tpu.memory_space<vmem>>[vector<16xi32>, vector<16xi32>], vector<16xf32>,
      tpu.vector_store_idx %arg5[%get3A_212, %add3A_18], %broadcast_in_dim3A_3 : memref<1000x128xf32, #tpu.memory_space<vmem>>[vector<16xi32>, vector<16xi32>], vector<16xf32>,
      tpu.vector_store_idx %arg5[%get3A_215, %add3A_21], %broadcast_in_dim3A_3 : memref<1000x128xf32, #tpu.memory_space<vmem>>[vector<16xi32>, vector<16xi32>], vector<16xf32>,
      tpu.vector_store_idx %arg5[%get3A_218, %add3A_24], %broadcast_in_dim3A_3 : memref<1000x128xf32, #tpu.memory_space<vmem>>[vector<16xi32>, vector<16xi32>], vector<16xf32>,
      tpu.vector_store_idx %arg5[%get3A_221, %add3A_27], %broadcast_in_dim3A_3 : memref<1000x128xf32, #tpu.memory_space<vmem>>[vector<16xi32>, vector<16xi32>], vector<16xf32>,
      %scan3A_222 = arith.constant 0 : i32
      scf.yield %scan3A_222 : i32
    }
    %scan3A_118 = arith.constant 16 : i32
    "tpu.region"() ({
      %run_scoped3A = tpu.sem_alloc : memref<!tpu.dma_semaphore, #tpu.memory_space<semaphore_mem>>
      %dma_start3A = arith.constant 0 : i32
      %dma_start3A_197 = arith.constant 0 : i32
      %dma_start3A_198 = tpu.memref_slice %arg4[%dma_start3A, %dma_start3A_197] : memref<18x128xi32, #tpu.memory_space<vmem>> -> memref<16x128xi32, #tpu.memory_space<vmem>>
      %dma_start3A_199 = arith.constant 16 : i32
      %dma_start3A_200 = tpu.memref_slice %arg2[%dma_start3A_199, %add3A_83] : memref<50x16384xi32, #tpu.memory_space<hbm>> -> memref<16x128xi32, #tpu.memory_space<hbm>>
      %dma_start3A_201 = arith.constant 0 : i32
      %dma_start3A_202 = arith.constant 0 : i32
      %dma_start3A_203 = tpu.memref_slice %arg4[%dma_start3A_201, %dma_start3A_202] : memref<18x128xi32, #tpu.memory_space<vmem>> -> memref<16x128xi32, #tpu.memory_space<vmem>>
      %dma_start3A_204 = arith.constant 16 : i32
      %dma_start3A_205 = tpu.memref_slice %arg2[%dma_start3A_204, %add3A_83] : memref<50x16384xi32, #tpu.memory_space<hbm>> -> memref<16x128xi32, #tpu.memory_space<hbm>>
      tpu.enqueue_dma source(%dma_start3A_205 : memref<16x128xi32, #tpu.memory_space<hbm>>) target(%dma_start3A_203 : memref<16x128xi32, #tpu.memory_space<vmem>>) target_semaphore(%run_scoped3A : memref<!tpu.dma_semaphore, #tpu.memory_space<semaphore_mem>>)
      %dma_wait3A = arith.constant 0 : i32
      %dma_wait3A_206 = arith.constant 0 : i32
      %dma_wait3A_207 = tpu.memref_slice %arg4[%dma_wait3A, %dma_wait3A_206] : memref<18x128xi32, #tpu.memory_space<vmem>> -> memref<16x128xi32, #tpu.memory_space<vmem>>
      %dma_wait3A_208 = arith.constant 16 : i32
      %dma_wait3A_209 = tpu.memref_slice %arg2[%dma_wait3A_208, %add3A_83] : memref<50x16384xi32, #tpu.memory_space<hbm>> -> memref<16x128xi32, #tpu.memory_space<hbm>>
      %dma_wait3A_210 = arith.constant 0 : i32
      %dma_wait3A_211 = arith.constant 0 : i32
      %dma_wait3A_212 = tpu.memref_slice %arg4[%dma_wait3A_210, %dma_wait3A_211] : memref<18x128xi32, #tpu.memory_space<vmem>> -> memref<16x128xi32, #tpu.memory_space<vmem>>
      %dma_wait3A_213 = arith.constant 16 : i32
      %dma_wait3A_214 = tpu.memref_slice %arg2[%dma_wait3A_213, %add3A_83] : memref<50x16384xi32, #tpu.memory_space<hbm>> -> memref<16x128xi32, #tpu.memory_space<hbm>>
      tpu.wait_dma2 semaphore(%run_scoped3A : memref<!tpu.dma_semaphore, #tpu.memory_space<semaphore_mem>>) src(%dma_wait3A_214 : memref<16x128xi32, #tpu.memory_space<hbm>>) dst(%dma_wait3A_212 : memref<16x128xi32, #tpu.memory_space<vmem>>)
      tpu.yield
    }) : () -> ()
    %scan3A_119 = arith.constant 0 : i32
    %scan3A_120 = arith.constant 0 : i32
    %scan3A_121 = arith.constant 16 : i32
    %scan3A_122 = arith.addi %scan3A_120, %scan3A_121 : i32
    %scan3A_123 = arith.constant 1 : i32
    %scan3A_124 = scf.for %scan3A_197 = %scan3A_120 to %scan3A_122 step %scan3A_123 iter_args(%scan3A_198 = %scan3A_119) -> (i32)  : i32 {
      %get3A = arith.index_cast %scan3A_197 : i32 to index
      %get3A_199 = arith.constant 0 : index
      %get3A_200 = tpu.vector_load %arg4[%get3A, %get3A_199] {strides = array<i32>} : memref<18x128xi32, #tpu.memory_space<vmem>>, vector<16xi32>,
      %get3A_201 = arith.index_cast %scan3A_197 : i32 to index
      %get3A_202 = arith.constant 16 : index
      %get3A_203 = tpu.vector_load %arg4[%get3A_201, %get3A_202] {strides = array<i32>} : memref<18x128xi32, #tpu.memory_space<vmem>>, vector<16xi32>,
      %get3A_204 = arith.index_cast %scan3A_197 : i32 to index
      %get3A_205 = arith.constant 32 : index
      %get3A_206 = tpu.vector_load %arg4[%get3A_204, %get3A_205] {strides = array<i32>} : memref<18x128xi32, #tpu.memory_space<vmem>>, vector<16xi32>,
      %get3A_207 = arith.index_cast %scan3A_197 : i32 to index
      %get3A_208 = arith.constant 48 : index
      %get3A_209 = tpu.vector_load %arg4[%get3A_207, %get3A_208] {strides = array<i32>} : memref<18x128xi32, #tpu.memory_space<vmem>>, vector<16xi32>,
      %get3A_210 = arith.index_cast %scan3A_197 : i32 to index
      %get3A_211 = arith.constant 64 : index
      %get3A_212 = tpu.vector_load %arg4[%get3A_210, %get3A_211] {strides = array<i32>} : memref<18x128xi32, #tpu.memory_space<vmem>>, vector<16xi32>,
      %get3A_213 = arith.index_cast %scan3A_197 : i32 to index
      %get3A_214 = arith.constant 80 : index
      %get3A_215 = tpu.vector_load %arg4[%get3A_213, %get3A_214] {strides = array<i32>} : memref<18x128xi32, #tpu.memory_space<vmem>>, vector<16xi32>,
      %get3A_216 = arith.index_cast %scan3A_197 : i32 to index
      %get3A_217 = arith.constant 96 : index
      %get3A_218 = tpu.vector_load %arg4[%get3A_216, %get3A_217] {strides = array<i32>} : memref<18x128xi32, #tpu.memory_space<vmem>>, vector<16xi32>,
      %get3A_219 = arith.index_cast %scan3A_197 : i32 to index
      %get3A_220 = arith.constant 112 : index
      %get3A_221 = tpu.vector_load %arg4[%get3A_219, %get3A_220] {strides = array<i32>} : memref<18x128xi32, #tpu.memory_space<vmem>>, vector<16xi32>,
      tpu.vector_store_idx %arg5[%get3A_200, %add3A_6], %broadcast_in_dim3A_3 : memref<1000x128xf32, #tpu.memory_space<vmem>>[vector<16xi32>, vector<16xi32>], vector<16xf32>,
      tpu.vector_store_idx %arg5[%get3A_203, %add3A_9], %broadcast_in_dim3A_3 : memref<1000x128xf32, #tpu.memory_space<vmem>>[vector<16xi32>, vector<16xi32>], vector<16xf32>,
      tpu.vector_store_idx %arg5[%get3A_206, %add3A_12], %broadcast_in_dim3A_3 : memref<1000x128xf32, #tpu.memory_space<vmem>>[vector<16xi32>, vector<16xi32>], vector<16xf32>,
      tpu.vector_store_idx %arg5[%get3A_209, %add3A_15], %broadcast_in_dim3A_3 : memref<1000x128xf32, #tpu.memory_space<vmem>>[vector<16xi32>, vector<16xi32>], vector<16xf32>,
      tpu.vector_store_idx %arg5[%get3A_212, %add3A_18], %broadcast_in_dim3A_3 : memref<1000x128xf32, #tpu.memory_space<vmem>>[vector<16xi32>, vector<16xi32>], vector<16xf32>,
      tpu.vector_store_idx %arg5[%get3A_215, %add3A_21], %broadcast_in_dim3A_3 : memref<1000x128xf32, #tpu.memory_space<vmem>>[vector<16xi32>, vector<16xi32>], vector<16xf32>,
      tpu.vector_store_idx %arg5[%get3A_218, %add3A_24], %broadcast_in_dim3A_3 : memref<1000x128xf32, #tpu.memory_space<vmem>>[vector<16xi32>, vector<16xi32>], vector<16xf32>,
      tpu.vector_store_idx %arg5[%get3A_221, %add3A_27], %broadcast_in_dim3A_3 : memref<1000x128xf32, #tpu.memory_space<vmem>>[vector<16xi32>, vector<16xi32>], vector<16xf32>,
      %scan3A_222 = arith.constant 0 : i32
      scf.yield %scan3A_222 : i32
    }
    %scan3A_125 = arith.constant 16 : i32
    %mul3A_126 = arith.constant 512 : i32
    %mul3A_127 = arith.muli %add3A, %mul3A_126 : i32
    %add3A_128 = arith.constant 256 : i32
    %add3A_129 = arith.addi %mul3A_127, %add3A_128 : i32
    "tpu.region"() ({
      %run_scoped3A = tpu.sem_alloc : memref<!tpu.dma_semaphore, #tpu.memory_space<semaphore_mem>>
      %dma_start3A = arith.constant 0 : i32
      %dma_start3A_197 = arith.constant 0 : i32
      %dma_start3A_198 = tpu.memref_slice %arg4[%dma_start3A, %dma_start3A_197] : memref<18x128xi32, #tpu.memory_space<vmem>> -> memref<16x128xi32, #tpu.memory_space<vmem>>
      %dma_start3A_199 = arith.constant 0 : i32
      %dma_start3A_200 = tpu.memref_slice %arg2[%dma_start3A_199, %add3A_129] : memref<50x16384xi32, #tpu.memory_space<hbm>> -> memref<16x128xi32, #tpu.memory_space<hbm>>
      %dma_start3A_201 = arith.constant 0 : i32
      %dma_start3A_202 = arith.constant 0 : i32
      %dma_start3A_203 = tpu.memref_slice %arg4[%dma_start3A_201, %dma_start3A_202] : memref<18x128xi32, #tpu.memory_space<vmem>> -> memref<16x128xi32, #tpu.memory_space<vmem>>
      %dma_start3A_204 = arith.constant 0 : i32
      %dma_start3A_205 = tpu.memref_slice %arg2[%dma_start3A_204, %add3A_129] : memref<50x16384xi32, #tpu.memory_space<hbm>> -> memref<16x128xi32, #tpu.memory_space<hbm>>
      tpu.enqueue_dma source(%dma_start3A_205 : memref<16x128xi32, #tpu.memory_space<hbm>>) target(%dma_start3A_203 : memref<16x128xi32, #tpu.memory_space<vmem>>) target_semaphore(%run_scoped3A : memref<!tpu.dma_semaphore, #tpu.memory_space<semaphore_mem>>)
      %dma_wait3A = arith.constant 0 : i32
      %dma_wait3A_206 = arith.constant 0 : i32
      %dma_wait3A_207 = tpu.memref_slice %arg4[%dma_wait3A, %dma_wait3A_206] : memref<18x128xi32, #tpu.memory_space<vmem>> -> memref<16x128xi32, #tpu.memory_space<vmem>>
      %dma_wait3A_208 = arith.constant 0 : i32
      %dma_wait3A_209 = tpu.memref_slice %arg2[%dma_wait3A_208, %add3A_129] : memref<50x16384xi32, #tpu.memory_space<hbm>> -> memref<16x128xi32, #tpu.memory_space<hbm>>
      %dma_wait3A_210 = arith.constant 0 : i32
      %dma_wait3A_211 = arith.constant 0 : i32
      %dma_wait3A_212 = tpu.memref_slice %arg4[%dma_wait3A_210, %dma_wait3A_211] : memref<18x128xi32, #tpu.memory_space<vmem>> -> memref<16x128xi32, #tpu.memory_space<vmem>>
      %dma_wait3A_213 = arith.constant 0 : i32
      %dma_wait3A_214 = tpu.memref_slice %arg2[%dma_wait3A_213, %add3A_129] : memref<50x16384xi32, #tpu.memory_space<hbm>> -> memref<16x128xi32, #tpu.memory_space<hbm>>
      tpu.wait_dma2 semaphore(%run_scoped3A : memref<!tpu.dma_semaphore, #tpu.memory_space<semaphore_mem>>) src(%dma_wait3A_214 : memref<16x128xi32, #tpu.memory_space<hbm>>) dst(%dma_wait3A_212 : memref<16x128xi32, #tpu.memory_space<vmem>>)
      tpu.yield
    }) : () -> ()
    %scan3A_130 = arith.constant 0 : i32
    %scan3A_131 = arith.constant 0 : i32
    %scan3A_132 = arith.constant 16 : i32
    %scan3A_133 = arith.addi %scan3A_131, %scan3A_132 : i32
    %scan3A_134 = arith.constant 1 : i32
    %scan3A_135 = scf.for %scan3A_197 = %scan3A_131 to %scan3A_133 step %scan3A_134 iter_args(%scan3A_198 = %scan3A_130) -> (i32)  : i32 {
      %get3A = arith.index_cast %scan3A_197 : i32 to index
      %get3A_199 = arith.constant 0 : index
      %get3A_200 = tpu.vector_load %arg4[%get3A, %get3A_199] {strides = array<i32>} : memref<18x128xi32, #tpu.memory_space<vmem>>, vector<16xi32>,
      %get3A_201 = arith.index_cast %scan3A_197 : i32 to index
      %get3A_202 = arith.constant 16 : index
      %get3A_203 = tpu.vector_load %arg4[%get3A_201, %get3A_202] {strides = array<i32>} : memref<18x128xi32, #tpu.memory_space<vmem>>, vector<16xi32>,
      %get3A_204 = arith.index_cast %scan3A_197 : i32 to index
      %get3A_205 = arith.constant 32 : index
      %get3A_206 = tpu.vector_load %arg4[%get3A_204, %get3A_205] {strides = array<i32>} : memref<18x128xi32, #tpu.memory_space<vmem>>, vector<16xi32>,
      %get3A_207 = arith.index_cast %scan3A_197 : i32 to index
      %get3A_208 = arith.constant 48 : index
      %get3A_209 = tpu.vector_load %arg4[%get3A_207, %get3A_208] {strides = array<i32>} : memref<18x128xi32, #tpu.memory_space<vmem>>, vector<16xi32>,
      %get3A_210 = arith.index_cast %scan3A_197 : i32 to index
      %get3A_211 = arith.constant 64 : index
      %get3A_212 = tpu.vector_load %arg4[%get3A_210, %get3A_211] {strides = array<i32>} : memref<18x128xi32, #tpu.memory_space<vmem>>, vector<16xi32>,
      %get3A_213 = arith.index_cast %scan3A_197 : i32 to index
      %get3A_214 = arith.constant 80 : index
      %get3A_215 = tpu.vector_load %arg4[%get3A_213, %get3A_214] {strides = array<i32>} : memref<18x128xi32, #tpu.memory_space<vmem>>, vector<16xi32>,
      %get3A_216 = arith.index_cast %scan3A_197 : i32 to index
      %get3A_217 = arith.constant 96 : index
      %get3A_218 = tpu.vector_load %arg4[%get3A_216, %get3A_217] {strides = array<i32>} : memref<18x128xi32, #tpu.memory_space<vmem>>, vector<16xi32>,
      %get3A_219 = arith.index_cast %scan3A_197 : i32 to index
      %get3A_220 = arith.constant 112 : index
      %get3A_221 = tpu.vector_load %arg4[%get3A_219, %get3A_220] {strides = array<i32>} : memref<18x128xi32, #tpu.memory_space<vmem>>, vector<16xi32>,
      tpu.vector_store_idx %arg5[%get3A_200, %add3A_6], %broadcast_in_dim3A_1 : memref<1000x128xf32, #tpu.memory_space<vmem>>[vector<16xi32>, vector<16xi32>], vector<16xf32>,
      tpu.vector_store_idx %arg5[%get3A_203, %add3A_9], %broadcast_in_dim3A_1 : memref<1000x128xf32, #tpu.memory_space<vmem>>[vector<16xi32>, vector<16xi32>], vector<16xf32>,
      tpu.vector_store_idx %arg5[%get3A_206, %add3A_12], %broadcast_in_dim3A_1 : memref<1000x128xf32, #tpu.memory_space<vmem>>[vector<16xi32>, vector<16xi32>], vector<16xf32>,
      tpu.vector_store_idx %arg5[%get3A_209, %add3A_15], %broadcast_in_dim3A_1 : memref<1000x128xf32, #tpu.memory_space<vmem>>[vector<16xi32>, vector<16xi32>], vector<16xf32>,
      tpu.vector_store_idx %arg5[%get3A_212, %add3A_18], %broadcast_in_dim3A_1 : memref<1000x128xf32, #tpu.memory_space<vmem>>[vector<16xi32>, vector<16xi32>], vector<16xf32>,
      tpu.vector_store_idx %arg5[%get3A_215, %add3A_21], %broadcast_in_dim3A_1 : memref<1000x128xf32, #tpu.memory_space<vmem>>[vector<16xi32>, vector<16xi32>], vector<16xf32>,
      tpu.vector_store_idx %arg5[%get3A_218, %add3A_24], %broadcast_in_dim3A_1 : memref<1000x128xf32, #tpu.memory_space<vmem>>[vector<16xi32>, vector<16xi32>], vector<16xf32>,
      tpu.vector_store_idx %arg5[%get3A_221, %add3A_27], %broadcast_in_dim3A_1 : memref<1000x128xf32, #tpu.memory_space<vmem>>[vector<16xi32>, vector<16xi32>], vector<16xf32>,
      %scan3A_222 = arith.constant 0 : i32
      scf.yield %scan3A_222 : i32
    }
    %scan3A_136 = arith.constant 16 : i32
    "tpu.region"() ({
      %run_scoped3A = tpu.sem_alloc : memref<!tpu.dma_semaphore, #tpu.memory_space<semaphore_mem>>
      %dma_start3A = arith.constant 0 : i32
      %dma_start3A_197 = arith.constant 0 : i32
      %dma_start3A_198 = tpu.memref_slice %arg4[%dma_start3A, %dma_start3A_197] : memref<18x128xi32, #tpu.memory_space<vmem>> -> memref<16x128xi32, #tpu.memory_space<vmem>>
      %dma_start3A_199 = arith.constant 16 : i32
      %dma_start3A_200 = tpu.memref_slice %arg2[%dma_start3A_199, %add3A_129] : memref<50x16384xi32, #tpu.memory_space<hbm>> -> memref<16x128xi32, #tpu.memory_space<hbm>>
      %dma_start3A_201 = arith.constant 0 : i32
      %dma_start3A_202 = arith.constant 0 : i32
      %dma_start3A_203 = tpu.memref_slice %arg4[%dma_start3A_201, %dma_start3A_202] : memref<18x128xi32, #tpu.memory_space<vmem>> -> memref<16x128xi32, #tpu.memory_space<vmem>>
      %dma_start3A_204 = arith.constant 16 : i32
      %dma_start3A_205 = tpu.memref_slice %arg2[%dma_start3A_204, %add3A_129] : memref<50x16384xi32, #tpu.memory_space<hbm>> -> memref<16x128xi32, #tpu.memory_space<hbm>>
      tpu.enqueue_dma source(%dma_start3A_205 : memref<16x128xi32, #tpu.memory_space<hbm>>) target(%dma_start3A_203 : memref<16x128xi32, #tpu.memory_space<vmem>>) target_semaphore(%run_scoped3A : memref<!tpu.dma_semaphore, #tpu.memory_space<semaphore_mem>>)
      %dma_wait3A = arith.constant 0 : i32
      %dma_wait3A_206 = arith.constant 0 : i32
      %dma_wait3A_207 = tpu.memref_slice %arg4[%dma_wait3A, %dma_wait3A_206] : memref<18x128xi32, #tpu.memory_space<vmem>> -> memref<16x128xi32, #tpu.memory_space<vmem>>
      %dma_wait3A_208 = arith.constant 16 : i32
      %dma_wait3A_209 = tpu.memref_slice %arg2[%dma_wait3A_208, %add3A_129] : memref<50x16384xi32, #tpu.memory_space<hbm>> -> memref<16x128xi32, #tpu.memory_space<hbm>>
      %dma_wait3A_210 = arith.constant 0 : i32
      %dma_wait3A_211 = arith.constant 0 : i32
      %dma_wait3A_212 = tpu.memref_slice %arg4[%dma_wait3A_210, %dma_wait3A_211] : memref<18x128xi32, #tpu.memory_space<vmem>> -> memref<16x128xi32, #tpu.memory_space<vmem>>
      %dma_wait3A_213 = arith.constant 16 : i32
      %dma_wait3A_214 = tpu.memref_slice %arg2[%dma_wait3A_213, %add3A_129] : memref<50x16384xi32, #tpu.memory_space<hbm>> -> memref<16x128xi32, #tpu.memory_space<hbm>>
      tpu.wait_dma2 semaphore(%run_scoped3A : memref<!tpu.dma_semaphore, #tpu.memory_space<semaphore_mem>>) src(%dma_wait3A_214 : memref<16x128xi32, #tpu.memory_space<hbm>>) dst(%dma_wait3A_212 : memref<16x128xi32, #tpu.memory_space<vmem>>)
      tpu.yield
    }) : () -> ()
    %scan3A_137 = arith.constant 0 : i32
    %scan3A_138 = arith.constant 0 : i32
    %scan3A_139 = arith.constant 16 : i32
    %scan3A_140 = arith.addi %scan3A_138, %scan3A_139 : i32
    %scan3A_141 = arith.constant 1 : i32
    %scan3A_142 = scf.for %scan3A_197 = %scan3A_138 to %scan3A_140 step %scan3A_141 iter_args(%scan3A_198 = %scan3A_137) -> (i32)  : i32 {
      %get3A = arith.index_cast %scan3A_197 : i32 to index
      %get3A_199 = arith.constant 0 : index
      %get3A_200 = tpu.vector_load %arg4[%get3A, %get3A_199] {strides = array<i32>} : memref<18x128xi32, #tpu.memory_space<vmem>>, vector<16xi32>,
      %get3A_201 = arith.index_cast %scan3A_197 : i32 to index
      %get3A_202 = arith.constant 16 : index
      %get3A_203 = tpu.vector_load %arg4[%get3A_201, %get3A_202] {strides = array<i32>} : memref<18x128xi32, #tpu.memory_space<vmem>>, vector<16xi32>,
      %get3A_204 = arith.index_cast %scan3A_197 : i32 to index
      %get3A_205 = arith.constant 32 : index
      %get3A_206 = tpu.vector_load %arg4[%get3A_204, %get3A_205] {strides = array<i32>} : memref<18x128xi32, #tpu.memory_space<vmem>>, vector<16xi32>,
      %get3A_207 = arith.index_cast %scan3A_197 : i32 to index
      %get3A_208 = arith.constant 48 : index
      %get3A_209 = tpu.vector_load %arg4[%get3A_207, %get3A_208] {strides = array<i32>} : memref<18x128xi32, #tpu.memory_space<vmem>>, vector<16xi32>,
      %get3A_210 = arith.index_cast %scan3A_197 : i32 to index
      %get3A_211 = arith.constant 64 : index
      %get3A_212 = tpu.vector_load %arg4[%get3A_210, %get3A_211] {strides = array<i32>} : memref<18x128xi32, #tpu.memory_space<vmem>>, vector<16xi32>,
      %get3A_213 = arith.index_cast %scan3A_197 : i32 to index
      %get3A_214 = arith.constant 80 : index
      %get3A_215 = tpu.vector_load %arg4[%get3A_213, %get3A_214] {strides = array<i32>} : memref<18x128xi32, #tpu.memory_space<vmem>>, vector<16xi32>,
      %get3A_216 = arith.index_cast %scan3A_197 : i32 to index
      %get3A_217 = arith.constant 96 : index
      %get3A_218 = tpu.vector_load %arg4[%get3A_216, %get3A_217] {strides = array<i32>} : memref<18x128xi32, #tpu.memory_space<vmem>>, vector<16xi32>,
      %get3A_219 = arith.index_cast %scan3A_197 : i32 to index
      %get3A_220 = arith.constant 112 : index
      %get3A_221 = tpu.vector_load %arg4[%get3A_219, %get3A_220] {strides = array<i32>} : memref<18x128xi32, #tpu.memory_space<vmem>>, vector<16xi32>,
      tpu.vector_store_idx %arg5[%get3A_200, %add3A_6], %broadcast_in_dim3A_1 : memref<1000x128xf32, #tpu.memory_space<vmem>>[vector<16xi32>, vector<16xi32>], vector<16xf32>,
      tpu.vector_store_idx %arg5[%get3A_203, %add3A_9], %broadcast_in_dim3A_1 : memref<1000x128xf32, #tpu.memory_space<vmem>>[vector<16xi32>, vector<16xi32>], vector<16xf32>,
      tpu.vector_store_idx %arg5[%get3A_206, %add3A_12], %broadcast_in_dim3A_1 : memref<1000x128xf32, #tpu.memory_space<vmem>>[vector<16xi32>, vector<16xi32>], vector<16xf32>,
      tpu.vector_store_idx %arg5[%get3A_209, %add3A_15], %broadcast_in_dim3A_1 : memref<1000x128xf32, #tpu.memory_space<vmem>>[vector<16xi32>, vector<16xi32>], vector<16xf32>,
      tpu.vector_store_idx %arg5[%get3A_212, %add3A_18], %broadcast_in_dim3A_1 : memref<1000x128xf32, #tpu.memory_space<vmem>>[vector<16xi32>, vector<16xi32>], vector<16xf32>,
      tpu.vector_store_idx %arg5[%get3A_215, %add3A_21], %broadcast_in_dim3A_1 : memref<1000x128xf32, #tpu.memory_space<vmem>>[vector<16xi32>, vector<16xi32>], vector<16xf32>,
      tpu.vector_store_idx %arg5[%get3A_218, %add3A_24], %broadcast_in_dim3A_1 : memref<1000x128xf32, #tpu.memory_space<vmem>>[vector<16xi32>, vector<16xi32>], vector<16xf32>,
      tpu.vector_store_idx %arg5[%get3A_221, %add3A_27], %broadcast_in_dim3A_1 : memref<1000x128xf32, #tpu.memory_space<vmem>>[vector<16xi32>, vector<16xi32>], vector<16xf32>,
      %scan3A_222 = arith.constant 0 : i32
      scf.yield %scan3A_222 : i32
    }
    %scan3A_143 = arith.constant 16 : i32
    "tpu.region"() ({
      %run_scoped3A = tpu.sem_alloc : memref<!tpu.dma_semaphore, #tpu.memory_space<semaphore_mem>>
      %dma_start3A = arith.constant 0 : i32
      %dma_start3A_197 = arith.constant 0 : i32
      %dma_start3A_198 = tpu.memref_slice %arg4[%dma_start3A, %dma_start3A_197] : memref<18x128xi32, #tpu.memory_space<vmem>> -> memref<18x128xi32, #tpu.memory_space<vmem>>
      %dma_start3A_199 = arith.constant 32 : i32
      %dma_start3A_200 = tpu.memref_slice %arg2[%dma_start3A_199, %add3A_129] : memref<50x16384xi32, #tpu.memory_space<hbm>> -> memref<18x128xi32, #tpu.memory_space<hbm>>
      %dma_start3A_201 = arith.constant 0 : i32
      %dma_start3A_202 = arith.constant 0 : i32
      %dma_start3A_203 = tpu.memref_slice %arg4[%dma_start3A_201, %dma_start3A_202] : memref<18x128xi32, #tpu.memory_space<vmem>> -> memref<18x128xi32, #tpu.memory_space<vmem>>
      %dma_start3A_204 = arith.constant 32 : i32
      %dma_start3A_205 = tpu.memref_slice %arg2[%dma_start3A_204, %add3A_129] : memref<50x16384xi32, #tpu.memory_space<hbm>> -> memref<18x128xi32, #tpu.memory_space<hbm>>
      tpu.enqueue_dma source(%dma_start3A_205 : memref<18x128xi32, #tpu.memory_space<hbm>>) target(%dma_start3A_203 : memref<18x128xi32, #tpu.memory_space<vmem>>) target_semaphore(%run_scoped3A : memref<!tpu.dma_semaphore, #tpu.memory_space<semaphore_mem>>)
      %dma_wait3A = arith.constant 0 : i32
      %dma_wait3A_206 = arith.constant 0 : i32
      %dma_wait3A_207 = tpu.memref_slice %arg4[%dma_wait3A, %dma_wait3A_206] : memref<18x128xi32, #tpu.memory_space<vmem>> -> memref<18x128xi32, #tpu.memory_space<vmem>>
      %dma_wait3A_208 = arith.constant 32 : i32
      %dma_wait3A_209 = tpu.memref_slice %arg2[%dma_wait3A_208, %add3A_129] : memref<50x16384xi32, #tpu.memory_space<hbm>> -> memref<18x128xi32, #tpu.memory_space<hbm>>
      %dma_wait3A_210 = arith.constant 0 : i32
      %dma_wait3A_211 = arith.constant 0 : i32
      %dma_wait3A_212 = tpu.memref_slice %arg4[%dma_wait3A_210, %dma_wait3A_211] : memref<18x128xi32, #tpu.memory_space<vmem>> -> memref<18x128xi32, #tpu.memory_space<vmem>>
      %dma_wait3A_213 = arith.constant 32 : i32
      %dma_wait3A_214 = tpu.memref_slice %arg2[%dma_wait3A_213, %add3A_129] : memref<50x16384xi32, #tpu.memory_space<hbm>> -> memref<18x128xi32, #tpu.memory_space<hbm>>
      tpu.wait_dma2 semaphore(%run_scoped3A : memref<!tpu.dma_semaphore, #tpu.memory_space<semaphore_mem>>) src(%dma_wait3A_214 : memref<18x128xi32, #tpu.memory_space<hbm>>) dst(%dma_wait3A_212 : memref<18x128xi32, #tpu.memory_space<vmem>>)
      tpu.yield
    }) : () -> ()
    %scan3A_144 = arith.constant 0 : i32
    %scan3A_145 = arith.constant 0 : i32
    %scan3A_146 = arith.constant 18 : i32
    %scan3A_147 = arith.addi %scan3A_145, %scan3A_146 : i32
    %scan3A_148 = arith.constant 1 : i32
    %scan3A_149 = scf.for %scan3A_197 = %scan3A_145 to %scan3A_147 step %scan3A_148 iter_args(%scan3A_198 = %scan3A_144) -> (i32)  : i32 {
      %get3A = arith.index_cast %scan3A_197 : i32 to index
      %get3A_199 = arith.constant 0 : index
      %get3A_200 = tpu.vector_load %arg4[%get3A, %get3A_199] {strides = array<i32>} : memref<18x128xi32, #tpu.memory_space<vmem>>, vector<16xi32>,
      %get3A_201 = arith.index_cast %scan3A_197 : i32 to index
      %get3A_202 = arith.constant 16 : index
      %get3A_203 = tpu.vector_load %arg4[%get3A_201, %get3A_202] {strides = array<i32>} : memref<18x128xi32, #tpu.memory_space<vmem>>, vector<16xi32>,
      %get3A_204 = arith.index_cast %scan3A_197 : i32 to index
      %get3A_205 = arith.constant 32 : index
      %get3A_206 = tpu.vector_load %arg4[%get3A_204, %get3A_205] {strides = array<i32>} : memref<18x128xi32, #tpu.memory_space<vmem>>, vector<16xi32>,
      %get3A_207 = arith.index_cast %scan3A_197 : i32 to index
      %get3A_208 = arith.constant 48 : index
      %get3A_209 = tpu.vector_load %arg4[%get3A_207, %get3A_208] {strides = array<i32>} : memref<18x128xi32, #tpu.memory_space<vmem>>, vector<16xi32>,
      %get3A_210 = arith.index_cast %scan3A_197 : i32 to index
      %get3A_211 = arith.constant 64 : index
      %get3A_212 = tpu.vector_load %arg4[%get3A_210, %get3A_211] {strides = array<i32>} : memref<18x128xi32, #tpu.memory_space<vmem>>, vector<16xi32>,
      %get3A_213 = arith.index_cast %scan3A_197 : i32 to index
      %get3A_214 = arith.constant 80 : index
      %get3A_215 = tpu.vector_load %arg4[%get3A_213, %get3A_214] {strides = array<i32>} : memref<18x128xi32, #tpu.memory_space<vmem>>, vector<16xi32>,
      %get3A_216 = arith.index_cast %scan3A_197 : i32 to index
      %get3A_217 = arith.constant 96 : index
      %get3A_218 = tpu.vector_load %arg4[%get3A_216, %get3A_217] {strides = array<i32>} : memref<18x128xi32, #tpu.memory_space<vmem>>, vector<16xi32>,
      %get3A_219 = arith.index_cast %scan3A_197 : i32 to index
      %get3A_220 = arith.constant 112 : index
      %get3A_221 = tpu.vector_load %arg4[%get3A_219, %get3A_220] {strides = array<i32>} : memref<18x128xi32, #tpu.memory_space<vmem>>, vector<16xi32>,
      tpu.vector_store_idx %arg5[%get3A_200, %add3A_6], %broadcast_in_dim3A_1 : memref<1000x128xf32, #tpu.memory_space<vmem>>[vector<16xi32>, vector<16xi32>], vector<16xf32>,
      tpu.vector_store_idx %arg5[%get3A_203, %add3A_9], %broadcast_in_dim3A_1 : memref<1000x128xf32, #tpu.memory_space<vmem>>[vector<16xi32>, vector<16xi32>], vector<16xf32>,
      tpu.vector_store_idx %arg5[%get3A_206, %add3A_12], %broadcast_in_dim3A_1 : memref<1000x128xf32, #tpu.memory_space<vmem>>[vector<16xi32>, vector<16xi32>], vector<16xf32>,
      tpu.vector_store_idx %arg5[%get3A_209, %add3A_15], %broadcast_in_dim3A_1 : memref<1000x128xf32, #tpu.memory_space<vmem>>[vector<16xi32>, vector<16xi32>], vector<16xf32>,
      tpu.vector_store_idx %arg5[%get3A_212, %add3A_18], %broadcast_in_dim3A_1 : memref<1000x128xf32, #tpu.memory_space<vmem>>[vector<16xi32>, vector<16xi32>], vector<16xf32>,
      tpu.vector_store_idx %arg5[%get3A_215, %add3A_21], %broadcast_in_dim3A_1 : memref<1000x128xf32, #tpu.memory_space<vmem>>[vector<16xi32>, vector<16xi32>], vector<16xf32>,
      tpu.vector_store_idx %arg5[%get3A_218, %add3A_24], %broadcast_in_dim3A_1 : memref<1000x128xf32, #tpu.memory_space<vmem>>[vector<16xi32>, vector<16xi32>], vector<16xf32>,
      tpu.vector_store_idx %arg5[%get3A_221, %add3A_27], %broadcast_in_dim3A_1 : memref<1000x128xf32, #tpu.memory_space<vmem>>[vector<16xi32>, vector<16xi32>], vector<16xf32>,
      %scan3A_222 = arith.constant 0 : i32
      scf.yield %scan3A_222 : i32
    }
    %scan3A_150 = arith.constant 18 : i32
    "tpu.region"() ({
      %run_scoped3A = tpu.sem_alloc : memref<!tpu.dma_semaphore, #tpu.memory_space<semaphore_mem>>
      %dma_start3A = arith.constant 0 : i32
      %dma_start3A_197 = tpu.memref_slice %arg3[%dma_start3A, %add3A_129] : memref<1000x16384xf32, #tpu.memory_space<hbm>> -> memref<1000x128xf32, #tpu.memory_space<hbm>>
      %dma_start3A_198 = arith.constant 0 : i32
      %dma_start3A_199 = tpu.memref_slice %arg3[%dma_start3A_198, %add3A_129] : memref<1000x16384xf32, #tpu.memory_space<hbm>> -> memref<1000x128xf32, #tpu.memory_space<hbm>>
      tpu.enqueue_dma source(%arg5 : memref<1000x128xf32, #tpu.memory_space<vmem>>) target(%dma_start3A_199 : memref<1000x128xf32, #tpu.memory_space<hbm>>) target_semaphore(%run_scoped3A : memref<!tpu.dma_semaphore, #tpu.memory_space<semaphore_mem>>)
      %dma_wait3A = arith.constant 0 : i32
      %dma_wait3A_200 = tpu.memref_slice %arg3[%dma_wait3A, %add3A_129] : memref<1000x16384xf32, #tpu.memory_space<hbm>> -> memref<1000x128xf32, #tpu.memory_space<hbm>>
      %dma_wait3A_201 = arith.constant 0 : i32
      %dma_wait3A_202 = tpu.memref_slice %arg3[%dma_wait3A_201, %add3A_129] : memref<1000x16384xf32, #tpu.memory_space<hbm>> -> memref<1000x128xf32, #tpu.memory_space<hbm>>
      tpu.wait_dma2 semaphore(%run_scoped3A : memref<!tpu.dma_semaphore, #tpu.memory_space<semaphore_mem>>) src(%arg5 : memref<1000x128xf32, #tpu.memory_space<vmem>>) dst(%dma_wait3A_202 : memref<1000x128xf32, #tpu.memory_space<hbm>>)
      tpu.yield
    }) : () -> ()
    %scan3A_151 = arith.constant 0 : i32
    %scan3A_152 = arith.constant 0 : i32
    %scan3A_153 = arith.constant 18 : i32
    %scan3A_154 = arith.addi %scan3A_152, %scan3A_153 : i32
    %scan3A_155 = arith.constant 1 : i32
    %scan3A_156 = scf.for %scan3A_197 = %scan3A_152 to %scan3A_154 step %scan3A_155 iter_args(%scan3A_198 = %scan3A_151) -> (i32)  : i32 {
      %get3A = arith.index_cast %scan3A_197 : i32 to index
      %get3A_199 = arith.constant 0 : index
      %get3A_200 = tpu.vector_load %arg4[%get3A, %get3A_199] {strides = array<i32>} : memref<18x128xi32, #tpu.memory_space<vmem>>, vector<16xi32>,
      %get3A_201 = arith.index_cast %scan3A_197 : i32 to index
      %get3A_202 = arith.constant 16 : index
      %get3A_203 = tpu.vector_load %arg4[%get3A_201, %get3A_202] {strides = array<i32>} : memref<18x128xi32, #tpu.memory_space<vmem>>, vector<16xi32>,
      %get3A_204 = arith.index_cast %scan3A_197 : i32 to index
      %get3A_205 = arith.constant 32 : index
      %get3A_206 = tpu.vector_load %arg4[%get3A_204, %get3A_205] {strides = array<i32>} : memref<18x128xi32, #tpu.memory_space<vmem>>, vector<16xi32>,
      %get3A_207 = arith.index_cast %scan3A_197 : i32 to index
      %get3A_208 = arith.constant 48 : index
      %get3A_209 = tpu.vector_load %arg4[%get3A_207, %get3A_208] {strides = array<i32>} : memref<18x128xi32, #tpu.memory_space<vmem>>, vector<16xi32>,
      %get3A_210 = arith.index_cast %scan3A_197 : i32 to index
      %get3A_211 = arith.constant 64 : index
      %get3A_212 = tpu.vector_load %arg4[%get3A_210, %get3A_211] {strides = array<i32>} : memref<18x128xi32, #tpu.memory_space<vmem>>, vector<16xi32>,
      %get3A_213 = arith.index_cast %scan3A_197 : i32 to index
      %get3A_214 = arith.constant 80 : index
      %get3A_215 = tpu.vector_load %arg4[%get3A_213, %get3A_214] {strides = array<i32>} : memref<18x128xi32, #tpu.memory_space<vmem>>, vector<16xi32>,
      %get3A_216 = arith.index_cast %scan3A_197 : i32 to index
      %get3A_217 = arith.constant 96 : index
      %get3A_218 = tpu.vector_load %arg4[%get3A_216, %get3A_217] {strides = array<i32>} : memref<18x128xi32, #tpu.memory_space<vmem>>, vector<16xi32>,
      %get3A_219 = arith.index_cast %scan3A_197 : i32 to index
      %get3A_220 = arith.constant 112 : index
      %get3A_221 = tpu.vector_load %arg4[%get3A_219, %get3A_220] {strides = array<i32>} : memref<18x128xi32, #tpu.memory_space<vmem>>, vector<16xi32>,
      tpu.vector_store_idx %arg5[%get3A_200, %add3A_6], %broadcast_in_dim3A_3 : memref<1000x128xf32, #tpu.memory_space<vmem>>[vector<16xi32>, vector<16xi32>], vector<16xf32>,
      tpu.vector_store_idx %arg5[%get3A_203, %add3A_9], %broadcast_in_dim3A_3 : memref<1000x128xf32, #tpu.memory_space<vmem>>[vector<16xi32>, vector<16xi32>], vector<16xf32>,
      tpu.vector_store_idx %arg5[%get3A_206, %add3A_12], %broadcast_in_dim3A_3 : memref<1000x128xf32, #tpu.memory_space<vmem>>[vector<16xi32>, vector<16xi32>], vector<16xf32>,
      tpu.vector_store_idx %arg5[%get3A_209, %add3A_15], %broadcast_in_dim3A_3 : memref<1000x128xf32, #tpu.memory_space<vmem>>[vector<16xi32>, vector<16xi32>], vector<16xf32>,
      tpu.vector_store_idx %arg5[%get3A_212, %add3A_18], %broadcast_in_dim3A_3 : memref<1000x128xf32, #tpu.memory_space<vmem>>[vector<16xi32>, vector<16xi32>], vector<16xf32>,
      tpu.vector_store_idx %arg5[%get3A_215, %add3A_21], %broadcast_in_dim3A_3 : memref<1000x128xf32, #tpu.memory_space<vmem>>[vector<16xi32>, vector<16xi32>], vector<16xf32>,
      tpu.vector_store_idx %arg5[%get3A_218, %add3A_24], %broadcast_in_dim3A_3 : memref<1000x128xf32, #tpu.memory_space<vmem>>[vector<16xi32>, vector<16xi32>], vector<16xf32>,
      tpu.vector_store_idx %arg5[%get3A_221, %add3A_27], %broadcast_in_dim3A_3 : memref<1000x128xf32, #tpu.memory_space<vmem>>[vector<16xi32>, vector<16xi32>], vector<16xf32>,
      %scan3A_222 = arith.constant 0 : i32
      scf.yield %scan3A_222 : i32
    }
    %scan3A_157 = arith.constant 18 : i32
    "tpu.region"() ({
      %run_scoped3A = tpu.sem_alloc : memref<!tpu.dma_semaphore, #tpu.memory_space<semaphore_mem>>
      %dma_start3A = arith.constant 0 : i32
      %dma_start3A_197 = arith.constant 0 : i32
      %dma_start3A_198 = tpu.memref_slice %arg4[%dma_start3A, %dma_start3A_197] : memref<18x128xi32, #tpu.memory_space<vmem>> -> memref<16x128xi32, #tpu.memory_space<vmem>>
      %dma_start3A_199 = arith.constant 0 : i32
      %dma_start3A_200 = tpu.memref_slice %arg2[%dma_start3A_199, %add3A_129] : memref<50x16384xi32, #tpu.memory_space<hbm>> -> memref<16x128xi32, #tpu.memory_space<hbm>>
      %dma_start3A_201 = arith.constant 0 : i32
      %dma_start3A_202 = arith.constant 0 : i32
      %dma_start3A_203 = tpu.memref_slice %arg4[%dma_start3A_201, %dma_start3A_202] : memref<18x128xi32, #tpu.memory_space<vmem>> -> memref<16x128xi32, #tpu.memory_space<vmem>>
      %dma_start3A_204 = arith.constant 0 : i32
      %dma_start3A_205 = tpu.memref_slice %arg2[%dma_start3A_204, %add3A_129] : memref<50x16384xi32, #tpu.memory_space<hbm>> -> memref<16x128xi32, #tpu.memory_space<hbm>>
      tpu.enqueue_dma source(%dma_start3A_205 : memref<16x128xi32, #tpu.memory_space<hbm>>) target(%dma_start3A_203 : memref<16x128xi32, #tpu.memory_space<vmem>>) target_semaphore(%run_scoped3A : memref<!tpu.dma_semaphore, #tpu.memory_space<semaphore_mem>>)
      %dma_wait3A = arith.constant 0 : i32
      %dma_wait3A_206 = arith.constant 0 : i32
      %dma_wait3A_207 = tpu.memref_slice %arg4[%dma_wait3A, %dma_wait3A_206] : memref<18x128xi32, #tpu.memory_space<vmem>> -> memref<16x128xi32, #tpu.memory_space<vmem>>
      %dma_wait3A_208 = arith.constant 0 : i32
      %dma_wait3A_209 = tpu.memref_slice %arg2[%dma_wait3A_208, %add3A_129] : memref<50x16384xi32, #tpu.memory_space<hbm>> -> memref<16x128xi32, #tpu.memory_space<hbm>>
      %dma_wait3A_210 = arith.constant 0 : i32
      %dma_wait3A_211 = arith.constant 0 : i32
      %dma_wait3A_212 = tpu.memref_slice %arg4[%dma_wait3A_210, %dma_wait3A_211] : memref<18x128xi32, #tpu.memory_space<vmem>> -> memref<16x128xi32, #tpu.memory_space<vmem>>
      %dma_wait3A_213 = arith.constant 0 : i32
      %dma_wait3A_214 = tpu.memref_slice %arg2[%dma_wait3A_213, %add3A_129] : memref<50x16384xi32, #tpu.memory_space<hbm>> -> memref<16x128xi32, #tpu.memory_space<hbm>>
      tpu.wait_dma2 semaphore(%run_scoped3A : memref<!tpu.dma_semaphore, #tpu.memory_space<semaphore_mem>>) src(%dma_wait3A_214 : memref<16x128xi32, #tpu.memory_space<hbm>>) dst(%dma_wait3A_212 : memref<16x128xi32, #tpu.memory_space<vmem>>)
      tpu.yield
    }) : () -> ()
    %scan3A_158 = arith.constant 0 : i32
    %scan3A_159 = arith.constant 0 : i32
    %scan3A_160 = arith.constant 16 : i32
    %scan3A_161 = arith.addi %scan3A_159, %scan3A_160 : i32
    %scan3A_162 = arith.constant 1 : i32
    %scan3A_163 = scf.for %scan3A_197 = %scan3A_159 to %scan3A_161 step %scan3A_162 iter_args(%scan3A_198 = %scan3A_158) -> (i32)  : i32 {
      %get3A = arith.index_cast %scan3A_197 : i32 to index
      %get3A_199 = arith.constant 0 : index
      %get3A_200 = tpu.vector_load %arg4[%get3A, %get3A_199] {strides = array<i32>} : memref<18x128xi32, #tpu.memory_space<vmem>>, vector<16xi32>,
      %get3A_201 = arith.index_cast %scan3A_197 : i32 to index
      %get3A_202 = arith.constant 16 : index
      %get3A_203 = tpu.vector_load %arg4[%get3A_201, %get3A_202] {strides = array<i32>} : memref<18x128xi32, #tpu.memory_space<vmem>>, vector<16xi32>,
      %get3A_204 = arith.index_cast %scan3A_197 : i32 to index
      %get3A_205 = arith.constant 32 : index
      %get3A_206 = tpu.vector_load %arg4[%get3A_204, %get3A_205] {strides = array<i32>} : memref<18x128xi32, #tpu.memory_space<vmem>>, vector<16xi32>,
      %get3A_207 = arith.index_cast %scan3A_197 : i32 to index
      %get3A_208 = arith.constant 48 : index
      %get3A_209 = tpu.vector_load %arg4[%get3A_207, %get3A_208] {strides = array<i32>} : memref<18x128xi32, #tpu.memory_space<vmem>>, vector<16xi32>,
      %get3A_210 = arith.index_cast %scan3A_197 : i32 to index
      %get3A_211 = arith.constant 64 : index
      %get3A_212 = tpu.vector_load %arg4[%get3A_210, %get3A_211] {strides = array<i32>} : memref<18x128xi32, #tpu.memory_space<vmem>>, vector<16xi32>,
      %get3A_213 = arith.index_cast %scan3A_197 : i32 to index
      %get3A_214 = arith.constant 80 : index
      %get3A_215 = tpu.vector_load %arg4[%get3A_213, %get3A_214] {strides = array<i32>} : memref<18x128xi32, #tpu.memory_space<vmem>>, vector<16xi32>,
      %get3A_216 = arith.index_cast %scan3A_197 : i32 to index
      %get3A_217 = arith.constant 96 : index
      %get3A_218 = tpu.vector_load %arg4[%get3A_216, %get3A_217] {strides = array<i32>} : memref<18x128xi32, #tpu.memory_space<vmem>>, vector<16xi32>,
      %get3A_219 = arith.index_cast %scan3A_197 : i32 to index
      %get3A_220 = arith.constant 112 : index
      %get3A_221 = tpu.vector_load %arg4[%get3A_219, %get3A_220] {strides = array<i32>} : memref<18x128xi32, #tpu.memory_space<vmem>>, vector<16xi32>,
      tpu.vector_store_idx %arg5[%get3A_200, %add3A_6], %broadcast_in_dim3A_3 : memref<1000x128xf32, #tpu.memory_space<vmem>>[vector<16xi32>, vector<16xi32>], vector<16xf32>,
      tpu.vector_store_idx %arg5[%get3A_203, %add3A_9], %broadcast_in_dim3A_3 : memref<1000x128xf32, #tpu.memory_space<vmem>>[vector<16xi32>, vector<16xi32>], vector<16xf32>,
      tpu.vector_store_idx %arg5[%get3A_206, %add3A_12], %broadcast_in_dim3A_3 : memref<1000x128xf32, #tpu.memory_space<vmem>>[vector<16xi32>, vector<16xi32>], vector<16xf32>,
      tpu.vector_store_idx %arg5[%get3A_209, %add3A_15], %broadcast_in_dim3A_3 : memref<1000x128xf32, #tpu.memory_space<vmem>>[vector<16xi32>, vector<16xi32>], vector<16xf32>,
      tpu.vector_store_idx %arg5[%get3A_212, %add3A_18], %broadcast_in_dim3A_3 : memref<1000x128xf32, #tpu.memory_space<vmem>>[vector<16xi32>, vector<16xi32>], vector<16xf32>,
      tpu.vector_store_idx %arg5[%get3A_215, %add3A_21], %broadcast_in_dim3A_3 : memref<1000x128xf32, #tpu.memory_space<vmem>>[vector<16xi32>, vector<16xi32>], vector<16xf32>,
      tpu.vector_store_idx %arg5[%get3A_218, %add3A_24], %broadcast_in_dim3A_3 : memref<1000x128xf32, #tpu.memory_space<vmem>>[vector<16xi32>, vector<16xi32>], vector<16xf32>,
      tpu.vector_store_idx %arg5[%get3A_221, %add3A_27], %broadcast_in_dim3A_3 : memref<1000x128xf32, #tpu.memory_space<vmem>>[vector<16xi32>, vector<16xi32>], vector<16xf32>,
      %scan3A_222 = arith.constant 0 : i32
      scf.yield %scan3A_222 : i32
    }
    %scan3A_164 = arith.constant 16 : i32
    "tpu.region"() ({
      %run_scoped3A = tpu.sem_alloc : memref<!tpu.dma_semaphore, #tpu.memory_space<semaphore_mem>>
      %dma_start3A = arith.constant 0 : i32
      %dma_start3A_197 = arith.constant 0 : i32
      %dma_start3A_198 = tpu.memref_slice %arg4[%dma_start3A, %dma_start3A_197] : memref<18x128xi32, #tpu.memory_space<vmem>> -> memref<16x128xi32, #tpu.memory_space<vmem>>
      %dma_start3A_199 = arith.constant 16 : i32
      %dma_start3A_200 = tpu.memref_slice %arg2[%dma_start3A_199, %add3A_129] : memref<50x16384xi32, #tpu.memory_space<hbm>> -> memref<16x128xi32, #tpu.memory_space<hbm>>
      %dma_start3A_201 = arith.constant 0 : i32
      %dma_start3A_202 = arith.constant 0 : i32
      %dma_start3A_203 = tpu.memref_slice %arg4[%dma_start3A_201, %dma_start3A_202] : memref<18x128xi32, #tpu.memory_space<vmem>> -> memref<16x128xi32, #tpu.memory_space<vmem>>
      %dma_start3A_204 = arith.constant 16 : i32
      %dma_start3A_205 = tpu.memref_slice %arg2[%dma_start3A_204, %add3A_129] : memref<50x16384xi32, #tpu.memory_space<hbm>> -> memref<16x128xi32, #tpu.memory_space<hbm>>
      tpu.enqueue_dma source(%dma_start3A_205 : memref<16x128xi32, #tpu.memory_space<hbm>>) target(%dma_start3A_203 : memref<16x128xi32, #tpu.memory_space<vmem>>) target_semaphore(%run_scoped3A : memref<!tpu.dma_semaphore, #tpu.memory_space<semaphore_mem>>)
      %dma_wait3A = arith.constant 0 : i32
      %dma_wait3A_206 = arith.constant 0 : i32
      %dma_wait3A_207 = tpu.memref_slice %arg4[%dma_wait3A, %dma_wait3A_206] : memref<18x128xi32, #tpu.memory_space<vmem>> -> memref<16x128xi32, #tpu.memory_space<vmem>>
      %dma_wait3A_208 = arith.constant 16 : i32
      %dma_wait3A_209 = tpu.memref_slice %arg2[%dma_wait3A_208, %add3A_129] : memref<50x16384xi32, #tpu.memory_space<hbm>> -> memref<16x128xi32, #tpu.memory_space<hbm>>
      %dma_wait3A_210 = arith.constant 0 : i32
      %dma_wait3A_211 = arith.constant 0 : i32
      %dma_wait3A_212 = tpu.memref_slice %arg4[%dma_wait3A_210, %dma_wait3A_211] : memref<18x128xi32, #tpu.memory_space<vmem>> -> memref<16x128xi32, #tpu.memory_space<vmem>>
      %dma_wait3A_213 = arith.constant 16 : i32
      %dma_wait3A_214 = tpu.memref_slice %arg2[%dma_wait3A_213, %add3A_129] : memref<50x16384xi32, #tpu.memory_space<hbm>> -> memref<16x128xi32, #tpu.memory_space<hbm>>
      tpu.wait_dma2 semaphore(%run_scoped3A : memref<!tpu.dma_semaphore, #tpu.memory_space<semaphore_mem>>) src(%dma_wait3A_214 : memref<16x128xi32, #tpu.memory_space<hbm>>) dst(%dma_wait3A_212 : memref<16x128xi32, #tpu.memory_space<vmem>>)
      tpu.yield
    }) : () -> ()
    %scan3A_165 = arith.constant 0 : i32
    %scan3A_166 = arith.constant 0 : i32
    %scan3A_167 = arith.constant 16 : i32
    %scan3A_168 = arith.addi %scan3A_166, %scan3A_167 : i32
    %scan3A_169 = arith.constant 1 : i32
    %scan3A_170 = scf.for %scan3A_197 = %scan3A_166 to %scan3A_168 step %scan3A_169 iter_args(%scan3A_198 = %scan3A_165) -> (i32)  : i32 {
      %get3A = arith.index_cast %scan3A_197 : i32 to index
      %get3A_199 = arith.constant 0 : index
      %get3A_200 = tpu.vector_load %arg4[%get3A, %get3A_199] {strides = array<i32>} : memref<18x128xi32, #tpu.memory_space<vmem>>, vector<16xi32>,
      %get3A_201 = arith.index_cast %scan3A_197 : i32 to index
      %get3A_202 = arith.constant 16 : index
      %get3A_203 = tpu.vector_load %arg4[%get3A_201, %get3A_202] {strides = array<i32>} : memref<18x128xi32, #tpu.memory_space<vmem>>, vector<16xi32>,
      %get3A_204 = arith.index_cast %scan3A_197 : i32 to index
      %get3A_205 = arith.constant 32 : index
      %get3A_206 = tpu.vector_load %arg4[%get3A_204, %get3A_205] {strides = array<i32>} : memref<18x128xi32, #tpu.memory_space<vmem>>, vector<16xi32>,
      %get3A_207 = arith.index_cast %scan3A_197 : i32 to index
      %get3A_208 = arith.constant 48 : index
      %get3A_209 = tpu.vector_load %arg4[%get3A_207, %get3A_208] {strides = array<i32>} : memref<18x128xi32, #tpu.memory_space<vmem>>, vector<16xi32>,
      %get3A_210 = arith.index_cast %scan3A_197 : i32 to index
      %get3A_211 = arith.constant 64 : index
      %get3A_212 = tpu.vector_load %arg4[%get3A_210, %get3A_211] {strides = array<i32>} : memref<18x128xi32, #tpu.memory_space<vmem>>, vector<16xi32>,
      %get3A_213 = arith.index_cast %scan3A_197 : i32 to index
      %get3A_214 = arith.constant 80 : index
      %get3A_215 = tpu.vector_load %arg4[%get3A_213, %get3A_214] {strides = array<i32>} : memref<18x128xi32, #tpu.memory_space<vmem>>, vector<16xi32>,
      %get3A_216 = arith.index_cast %scan3A_197 : i32 to index
      %get3A_217 = arith.constant 96 : index
      %get3A_218 = tpu.vector_load %arg4[%get3A_216, %get3A_217] {strides = array<i32>} : memref<18x128xi32, #tpu.memory_space<vmem>>, vector<16xi32>,
      %get3A_219 = arith.index_cast %scan3A_197 : i32 to index
      %get3A_220 = arith.constant 112 : index
      %get3A_221 = tpu.vector_load %arg4[%get3A_219, %get3A_220] {strides = array<i32>} : memref<18x128xi32, #tpu.memory_space<vmem>>, vector<16xi32>,
      tpu.vector_store_idx %arg5[%get3A_200, %add3A_6], %broadcast_in_dim3A_3 : memref<1000x128xf32, #tpu.memory_space<vmem>>[vector<16xi32>, vector<16xi32>], vector<16xf32>,
      tpu.vector_store_idx %arg5[%get3A_203, %add3A_9], %broadcast_in_dim3A_3 : memref<1000x128xf32, #tpu.memory_space<vmem>>[vector<16xi32>, vector<16xi32>], vector<16xf32>,
      tpu.vector_store_idx %arg5[%get3A_206, %add3A_12], %broadcast_in_dim3A_3 : memref<1000x128xf32, #tpu.memory_space<vmem>>[vector<16xi32>, vector<16xi32>], vector<16xf32>,
      tpu.vector_store_idx %arg5[%get3A_209, %add3A_15], %broadcast_in_dim3A_3 : memref<1000x128xf32, #tpu.memory_space<vmem>>[vector<16xi32>, vector<16xi32>], vector<16xf32>,
      tpu.vector_store_idx %arg5[%get3A_212, %add3A_18], %broadcast_in_dim3A_3 : memref<1000x128xf32, #tpu.memory_space<vmem>>[vector<16xi32>, vector<16xi32>], vector<16xf32>,
      tpu.vector_store_idx %arg5[%get3A_215, %add3A_21], %broadcast_in_dim3A_3 : memref<1000x128xf32, #tpu.memory_space<vmem>>[vector<16xi32>, vector<16xi32>], vector<16xf32>,
      tpu.vector_store_idx %arg5[%get3A_218, %add3A_24], %broadcast_in_dim3A_3 : memref<1000x128xf32, #tpu.memory_space<vmem>>[vector<16xi32>, vector<16xi32>], vector<16xf32>,
      tpu.vector_store_idx %arg5[%get3A_221, %add3A_27], %broadcast_in_dim3A_3 : memref<1000x128xf32, #tpu.memory_space<vmem>>[vector<16xi32>, vector<16xi32>], vector<16xf32>,
      %scan3A_222 = arith.constant 0 : i32
      scf.yield %scan3A_222 : i32
    }
    %scan3A_171 = arith.constant 16 : i32
    %mul3A_172 = arith.constant 512 : i32
    %mul3A_173 = arith.muli %add3A, %mul3A_172 : i32
    %add3A_174 = arith.constant 384 : i32
    %add3A_175 = arith.addi %mul3A_173, %add3A_174 : i32
    "tpu.region"() ({
      %run_scoped3A = tpu.sem_alloc : memref<!tpu.dma_semaphore, #tpu.memory_space<semaphore_mem>>
      %dma_start3A = arith.constant 0 : i32
      %dma_start3A_197 = arith.constant 0 : i32
      %dma_start3A_198 = tpu.memref_slice %arg4[%dma_start3A, %dma_start3A_197] : memref<18x128xi32, #tpu.memory_space<vmem>> -> memref<16x128xi32, #tpu.memory_space<vmem>>
      %dma_start3A_199 = arith.constant 0 : i32
      %dma_start3A_200 = tpu.memref_slice %arg2[%dma_start3A_199, %add3A_175] : memref<50x16384xi32, #tpu.memory_space<hbm>> -> memref<16x128xi32, #tpu.memory_space<hbm>>
      %dma_start3A_201 = arith.constant 0 : i32
      %dma_start3A_202 = arith.constant 0 : i32
      %dma_start3A_203 = tpu.memref_slice %arg4[%dma_start3A_201, %dma_start3A_202] : memref<18x128xi32, #tpu.memory_space<vmem>> -> memref<16x128xi32, #tpu.memory_space<vmem>>
      %dma_start3A_204 = arith.constant 0 : i32
      %dma_start3A_205 = tpu.memref_slice %arg2[%dma_start3A_204, %add3A_175] : memref<50x16384xi32, #tpu.memory_space<hbm>> -> memref<16x128xi32, #tpu.memory_space<hbm>>
      tpu.enqueue_dma source(%dma_start3A_205 : memref<16x128xi32, #tpu.memory_space<hbm>>) target(%dma_start3A_203 : memref<16x128xi32, #tpu.memory_space<vmem>>) target_semaphore(%run_scoped3A : memref<!tpu.dma_semaphore, #tpu.memory_space<semaphore_mem>>)
      %dma_wait3A = arith.constant 0 : i32
      %dma_wait3A_206 = arith.constant 0 : i32
      %dma_wait3A_207 = tpu.memref_slice %arg4[%dma_wait3A, %dma_wait3A_206] : memref<18x128xi32, #tpu.memory_space<vmem>> -> memref<16x128xi32, #tpu.memory_space<vmem>>
      %dma_wait3A_208 = arith.constant 0 : i32
      %dma_wait3A_209 = tpu.memref_slice %arg2[%dma_wait3A_208, %add3A_175] : memref<50x16384xi32, #tpu.memory_space<hbm>> -> memref<16x128xi32, #tpu.memory_space<hbm>>
      %dma_wait3A_210 = arith.constant 0 : i32
      %dma_wait3A_211 = arith.constant 0 : i32
      %dma_wait3A_212 = tpu.memref_slice %arg4[%dma_wait3A_210, %dma_wait3A_211] : memref<18x128xi32, #tpu.memory_space<vmem>> -> memref<16x128xi32, #tpu.memory_space<vmem>>
      %dma_wait3A_213 = arith.constant 0 : i32
      %dma_wait3A_214 = tpu.memref_slice %arg2[%dma_wait3A_213, %add3A_175] : memref<50x16384xi32, #tpu.memory_space<hbm>> -> memref<16x128xi32, #tpu.memory_space<hbm>>
      tpu.wait_dma2 semaphore(%run_scoped3A : memref<!tpu.dma_semaphore, #tpu.memory_space<semaphore_mem>>) src(%dma_wait3A_214 : memref<16x128xi32, #tpu.memory_space<hbm>>) dst(%dma_wait3A_212 : memref<16x128xi32, #tpu.memory_space<vmem>>)
      tpu.yield
    }) : () -> ()
    %scan3A_176 = arith.constant 0 : i32
    %scan3A_177 = arith.constant 0 : i32
    %scan3A_178 = arith.constant 16 : i32
    %scan3A_179 = arith.addi %scan3A_177, %scan3A_178 : i32
    %scan3A_180 = arith.constant 1 : i32
    %scan3A_181 = scf.for %scan3A_197 = %scan3A_177 to %scan3A_179 step %scan3A_180 iter_args(%scan3A_198 = %scan3A_176) -> (i32)  : i32 {
      %get3A = arith.index_cast %scan3A_197 : i32 to index
      %get3A_199 = arith.constant 0 : index
      %get3A_200 = tpu.vector_load %arg4[%get3A, %get3A_199] {strides = array<i32>} : memref<18x128xi32, #tpu.memory_space<vmem>>, vector<16xi32>,
      %get3A_201 = arith.index_cast %scan3A_197 : i32 to index
      %get3A_202 = arith.constant 16 : index
      %get3A_203 = tpu.vector_load %arg4[%get3A_201, %get3A_202] {strides = array<i32>} : memref<18x128xi32, #tpu.memory_space<vmem>>, vector<16xi32>,
      %get3A_204 = arith.index_cast %scan3A_197 : i32 to index
      %get3A_205 = arith.constant 32 : index
      %get3A_206 = tpu.vector_load %arg4[%get3A_204, %get3A_205] {strides = array<i32>} : memref<18x128xi32, #tpu.memory_space<vmem>>, vector<16xi32>,
      %get3A_207 = arith.index_cast %scan3A_197 : i32 to index
      %get3A_208 = arith.constant 48 : index
      %get3A_209 = tpu.vector_load %arg4[%get3A_207, %get3A_208] {strides = array<i32>} : memref<18x128xi32, #tpu.memory_space<vmem>>, vector<16xi32>,
      %get3A_210 = arith.index_cast %scan3A_197 : i32 to index
      %get3A_211 = arith.constant 64 : index
      %get3A_212 = tpu.vector_load %arg4[%get3A_210, %get3A_211] {strides = array<i32>} : memref<18x128xi32, #tpu.memory_space<vmem>>, vector<16xi32>,
      %get3A_213 = arith.index_cast %scan3A_197 : i32 to index
      %get3A_214 = arith.constant 80 : index
      %get3A_215 = tpu.vector_load %arg4[%get3A_213, %get3A_214] {strides = array<i32>} : memref<18x128xi32, #tpu.memory_space<vmem>>, vector<16xi32>,
      %get3A_216 = arith.index_cast %scan3A_197 : i32 to index
      %get3A_217 = arith.constant 96 : index
      %get3A_218 = tpu.vector_load %arg4[%get3A_216, %get3A_217] {strides = array<i32>} : memref<18x128xi32, #tpu.memory_space<vmem>>, vector<16xi32>,
      %get3A_219 = arith.index_cast %scan3A_197 : i32 to index
      %get3A_220 = arith.constant 112 : index
      %get3A_221 = tpu.vector_load %arg4[%get3A_219, %get3A_220] {strides = array<i32>} : memref<18x128xi32, #tpu.memory_space<vmem>>, vector<16xi32>,
      tpu.vector_store_idx %arg5[%get3A_200, %add3A_6], %broadcast_in_dim3A_1 : memref<1000x128xf32, #tpu.memory_space<vmem>>[vector<16xi32>, vector<16xi32>], vector<16xf32>,
      tpu.vector_store_idx %arg5[%get3A_203, %add3A_9], %broadcast_in_dim3A_1 : memref<1000x128xf32, #tpu.memory_space<vmem>>[vector<16xi32>, vector<16xi32>], vector<16xf32>,
      tpu.vector_store_idx %arg5[%get3A_206, %add3A_12], %broadcast_in_dim3A_1 : memref<1000x128xf32, #tpu.memory_space<vmem>>[vector<16xi32>, vector<16xi32>], vector<16xf32>,
      tpu.vector_store_idx %arg5[%get3A_209, %add3A_15], %broadcast_in_dim3A_1 : memref<1000x128xf32, #tpu.memory_space<vmem>>[vector<16xi32>, vector<16xi32>], vector<16xf32>,
      tpu.vector_store_idx %arg5[%get3A_212, %add3A_18], %broadcast_in_dim3A_1 : memref<1000x128xf32, #tpu.memory_space<vmem>>[vector<16xi32>, vector<16xi32>], vector<16xf32>,
      tpu.vector_store_idx %arg5[%get3A_215, %add3A_21], %broadcast_in_dim3A_1 : memref<1000x128xf32, #tpu.memory_space<vmem>>[vector<16xi32>, vector<16xi32>], vector<16xf32>,
      tpu.vector_store_idx %arg5[%get3A_218, %add3A_24], %broadcast_in_dim3A_1 : memref<1000x128xf32, #tpu.memory_space<vmem>>[vector<16xi32>, vector<16xi32>], vector<16xf32>,
      tpu.vector_store_idx %arg5[%get3A_221, %add3A_27], %broadcast_in_dim3A_1 : memref<1000x128xf32, #tpu.memory_space<vmem>>[vector<16xi32>, vector<16xi32>], vector<16xf32>,
      %scan3A_222 = arith.constant 0 : i32
      scf.yield %scan3A_222 : i32
    }
    %scan3A_182 = arith.constant 16 : i32
    "tpu.region"() ({
      %run_scoped3A = tpu.sem_alloc : memref<!tpu.dma_semaphore, #tpu.memory_space<semaphore_mem>>
      %dma_start3A = arith.constant 0 : i32
      %dma_start3A_197 = arith.constant 0 : i32
      %dma_start3A_198 = tpu.memref_slice %arg4[%dma_start3A, %dma_start3A_197] : memref<18x128xi32, #tpu.memory_space<vmem>> -> memref<16x128xi32, #tpu.memory_space<vmem>>
      %dma_start3A_199 = arith.constant 16 : i32
      %dma_start3A_200 = tpu.memref_slice %arg2[%dma_start3A_199, %add3A_175] : memref<50x16384xi32, #tpu.memory_space<hbm>> -> memref<16x128xi32, #tpu.memory_space<hbm>>
      %dma_start3A_201 = arith.constant 0 : i32
      %dma_start3A_202 = arith.constant 0 : i32
      %dma_start3A_203 = tpu.memref_slice %arg4[%dma_start3A_201, %dma_start3A_202] : memref<18x128xi32, #tpu.memory_space<vmem>> -> memref<16x128xi32, #tpu.memory_space<vmem>>
      %dma_start3A_204 = arith.constant 16 : i32
      %dma_start3A_205 = tpu.memref_slice %arg2[%dma_start3A_204, %add3A_175] : memref<50x16384xi32, #tpu.memory_space<hbm>> -> memref<16x128xi32, #tpu.memory_space<hbm>>
      tpu.enqueue_dma source(%dma_start3A_205 : memref<16x128xi32, #tpu.memory_space<hbm>>) target(%dma_start3A_203 : memref<16x128xi32, #tpu.memory_space<vmem>>) target_semaphore(%run_scoped3A : memref<!tpu.dma_semaphore, #tpu.memory_space<semaphore_mem>>)
      %dma_wait3A = arith.constant 0 : i32
      %dma_wait3A_206 = arith.constant 0 : i32
      %dma_wait3A_207 = tpu.memref_slice %arg4[%dma_wait3A, %dma_wait3A_206] : memref<18x128xi32, #tpu.memory_space<vmem>> -> memref<16x128xi32, #tpu.memory_space<vmem>>
      %dma_wait3A_208 = arith.constant 16 : i32
      %dma_wait3A_209 = tpu.memref_slice %arg2[%dma_wait3A_208, %add3A_175] : memref<50x16384xi32, #tpu.memory_space<hbm>> -> memref<16x128xi32, #tpu.memory_space<hbm>>
      %dma_wait3A_210 = arith.constant 0 : i32
      %dma_wait3A_211 = arith.constant 0 : i32
      %dma_wait3A_212 = tpu.memref_slice %arg4[%dma_wait3A_210, %dma_wait3A_211] : memref<18x128xi32, #tpu.memory_space<vmem>> -> memref<16x128xi32, #tpu.memory_space<vmem>>
      %dma_wait3A_213 = arith.constant 16 : i32
      %dma_wait3A_214 = tpu.memref_slice %arg2[%dma_wait3A_213, %add3A_175] : memref<50x16384xi32, #tpu.memory_space<hbm>> -> memref<16x128xi32, #tpu.memory_space<hbm>>
      tpu.wait_dma2 semaphore(%run_scoped3A : memref<!tpu.dma_semaphore, #tpu.memory_space<semaphore_mem>>) src(%dma_wait3A_214 : memref<16x128xi32, #tpu.memory_space<hbm>>) dst(%dma_wait3A_212 : memref<16x128xi32, #tpu.memory_space<vmem>>)
      tpu.yield
    }) : () -> ()
    %scan3A_183 = arith.constant 0 : i32
    %scan3A_184 = arith.constant 0 : i32
    %scan3A_185 = arith.constant 16 : i32
    %scan3A_186 = arith.addi %scan3A_184, %scan3A_185 : i32
    %scan3A_187 = arith.constant 1 : i32
    %scan3A_188 = scf.for %scan3A_197 = %scan3A_184 to %scan3A_186 step %scan3A_187 iter_args(%scan3A_198 = %scan3A_183) -> (i32)  : i32 {
      %get3A = arith.index_cast %scan3A_197 : i32 to index
      %get3A_199 = arith.constant 0 : index
      %get3A_200 = tpu.vector_load %arg4[%get3A, %get3A_199] {strides = array<i32>} : memref<18x128xi32, #tpu.memory_space<vmem>>, vector<16xi32>,
      %get3A_201 = arith.index_cast %scan3A_197 : i32 to index
      %get3A_202 = arith.constant 16 : index
      %get3A_203 = tpu.vector_load %arg4[%get3A_201, %get3A_202] {strides = array<i32>} : memref<18x128xi32, #tpu.memory_space<vmem>>, vector<16xi32>,
      %get3A_204 = arith.index_cast %scan3A_197 : i32 to index
      %get3A_205 = arith.constant 32 : index
      %get3A_206 = tpu.vector_load %arg4[%get3A_204, %get3A_205] {strides = array<i32>} : memref<18x128xi32, #tpu.memory_space<vmem>>, vector<16xi32>,
      %get3A_207 = arith.index_cast %scan3A_197 : i32 to index
      %get3A_208 = arith.constant 48 : index
      %get3A_209 = tpu.vector_load %arg4[%get3A_207, %get3A_208] {strides = array<i32>} : memref<18x128xi32, #tpu.memory_space<vmem>>, vector<16xi32>,
      %get3A_210 = arith.index_cast %scan3A_197 : i32 to index
      %get3A_211 = arith.constant 64 : index
      %get3A_212 = tpu.vector_load %arg4[%get3A_210, %get3A_211] {strides = array<i32>} : memref<18x128xi32, #tpu.memory_space<vmem>>, vector<16xi32>,
      %get3A_213 = arith.index_cast %scan3A_197 : i32 to index
      %get3A_214 = arith.constant 80 : index
      %get3A_215 = tpu.vector_load %arg4[%get3A_213, %get3A_214] {strides = array<i32>} : memref<18x128xi32, #tpu.memory_space<vmem>>, vector<16xi32>,
      %get3A_216 = arith.index_cast %scan3A_197 : i32 to index
      %get3A_217 = arith.constant 96 : index
      %get3A_218 = tpu.vector_load %arg4[%get3A_216, %get3A_217] {strides = array<i32>} : memref<18x128xi32, #tpu.memory_space<vmem>>, vector<16xi32>,
      %get3A_219 = arith.index_cast %scan3A_197 : i32 to index
      %get3A_220 = arith.constant 112 : index
      %get3A_221 = tpu.vector_load %arg4[%get3A_219, %get3A_220] {strides = array<i32>} : memref<18x128xi32, #tpu.memory_space<vmem>>, vector<16xi32>,
      tpu.vector_store_idx %arg5[%get3A_200, %add3A_6], %broadcast_in_dim3A_1 : memref<1000x128xf32, #tpu.memory_space<vmem>>[vector<16xi32>, vector<16xi32>], vector<16xf32>,
      tpu.vector_store_idx %arg5[%get3A_203, %add3A_9], %broadcast_in_dim3A_1 : memref<1000x128xf32, #tpu.memory_space<vmem>>[vector<16xi32>, vector<16xi32>], vector<16xf32>,
      tpu.vector_store_idx %arg5[%get3A_206, %add3A_12], %broadcast_in_dim3A_1 : memref<1000x128xf32, #tpu.memory_space<vmem>>[vector<16xi32>, vector<16xi32>], vector<16xf32>,
      tpu.vector_store_idx %arg5[%get3A_209, %add3A_15], %broadcast_in_dim3A_1 : memref<1000x128xf32, #tpu.memory_space<vmem>>[vector<16xi32>, vector<16xi32>], vector<16xf32>,
      tpu.vector_store_idx %arg5[%get3A_212, %add3A_18], %broadcast_in_dim3A_1 : memref<1000x128xf32, #tpu.memory_space<vmem>>[vector<16xi32>, vector<16xi32>], vector<16xf32>,
      tpu.vector_store_idx %arg5[%get3A_215, %add3A_21], %broadcast_in_dim3A_1 : memref<1000x128xf32, #tpu.memory_space<vmem>>[vector<16xi32>, vector<16xi32>], vector<16xf32>,
      tpu.vector_store_idx %arg5[%get3A_218, %add3A_24], %broadcast_in_dim3A_1 : memref<1000x128xf32, #tpu.memory_space<vmem>>[vector<16xi32>, vector<16xi32>], vector<16xf32>,
      tpu.vector_store_idx %arg5[%get3A_221, %add3A_27], %broadcast_in_dim3A_1 : memref<1000x128xf32, #tpu.memory_space<vmem>>[vector<16xi32>, vector<16xi32>], vector<16xf32>,
      %scan3A_222 = arith.constant 0 : i32
      scf.yield %scan3A_222 : i32
    }
    %scan3A_189 = arith.constant 16 : i32
    "tpu.region"() ({
      %run_scoped3A = tpu.sem_alloc : memref<!tpu.dma_semaphore, #tpu.memory_space<semaphore_mem>>
      %dma_start3A = arith.constant 0 : i32
      %dma_start3A_197 = arith.constant 0 : i32
      %dma_start3A_198 = tpu.memref_slice %arg4[%dma_start3A, %dma_start3A_197] : memref<18x128xi32, #tpu.memory_space<vmem>> -> memref<18x128xi32, #tpu.memory_space<vmem>>
      %dma_start3A_199 = arith.constant 32 : i32
      %dma_start3A_200 = tpu.memref_slice %arg2[%dma_start3A_199, %add3A_175] : memref<50x16384xi32, #tpu.memory_space<hbm>> -> memref<18x128xi32, #tpu.memory_space<hbm>>
      %dma_start3A_201 = arith.constant 0 : i32
      %dma_start3A_202 = arith.constant 0 : i32
      %dma_start3A_203 = tpu.memref_slice %arg4[%dma_start3A_201, %dma_start3A_202] : memref<18x128xi32, #tpu.memory_space<vmem>> -> memref<18x128xi32, #tpu.memory_space<vmem>>
      %dma_start3A_204 = arith.constant 32 : i32
      %dma_start3A_205 = tpu.memref_slice %arg2[%dma_start3A_204, %add3A_175] : memref<50x16384xi32, #tpu.memory_space<hbm>> -> memref<18x128xi32, #tpu.memory_space<hbm>>
      tpu.enqueue_dma source(%dma_start3A_205 : memref<18x128xi32, #tpu.memory_space<hbm>>) target(%dma_start3A_203 : memref<18x128xi32, #tpu.memory_space<vmem>>) target_semaphore(%run_scoped3A : memref<!tpu.dma_semaphore, #tpu.memory_space<semaphore_mem>>)
      %dma_wait3A = arith.constant 0 : i32
      %dma_wait3A_206 = arith.constant 0 : i32
      %dma_wait3A_207 = tpu.memref_slice %arg4[%dma_wait3A, %dma_wait3A_206] : memref<18x128xi32, #tpu.memory_space<vmem>> -> memref<18x128xi32, #tpu.memory_space<vmem>>
      %dma_wait3A_208 = arith.constant 32 : i32
      %dma_wait3A_209 = tpu.memref_slice %arg2[%dma_wait3A_208, %add3A_175] : memref<50x16384xi32, #tpu.memory_space<hbm>> -> memref<18x128xi32, #tpu.memory_space<hbm>>
      %dma_wait3A_210 = arith.constant 0 : i32
      %dma_wait3A_211 = arith.constant 0 : i32
      %dma_wait3A_212 = tpu.memref_slice %arg4[%dma_wait3A_210, %dma_wait3A_211] : memref<18x128xi32, #tpu.memory_space<vmem>> -> memref<18x128xi32, #tpu.memory_space<vmem>>
      %dma_wait3A_213 = arith.constant 32 : i32
      %dma_wait3A_214 = tpu.memref_slice %arg2[%dma_wait3A_213, %add3A_175] : memref<50x16384xi32, #tpu.memory_space<hbm>> -> memref<18x128xi32, #tpu.memory_space<hbm>>
      tpu.wait_dma2 semaphore(%run_scoped3A : memref<!tpu.dma_semaphore, #tpu.memory_space<semaphore_mem>>) src(%dma_wait3A_214 : memref<18x128xi32, #tpu.memory_space<hbm>>) dst(%dma_wait3A_212 : memref<18x128xi32, #tpu.memory_space<vmem>>)
      tpu.yield
    }) : () -> ()
    %scan3A_190 = arith.constant 0 : i32
    %scan3A_191 = arith.constant 0 : i32
    %scan3A_192 = arith.constant 18 : i32
    %scan3A_193 = arith.addi %scan3A_191, %scan3A_192 : i32
    %scan3A_194 = arith.constant 1 : i32
    %scan3A_195 = scf.for %scan3A_197 = %scan3A_191 to %scan3A_193 step %scan3A_194 iter_args(%scan3A_198 = %scan3A_190) -> (i32)  : i32 {
      %get3A = arith.index_cast %scan3A_197 : i32 to index
      %get3A_199 = arith.constant 0 : index
      %get3A_200 = tpu.vector_load %arg4[%get3A, %get3A_199] {strides = array<i32>} : memref<18x128xi32, #tpu.memory_space<vmem>>, vector<16xi32>,
      %get3A_201 = arith.index_cast %scan3A_197 : i32 to index
      %get3A_202 = arith.constant 16 : index
      %get3A_203 = tpu.vector_load %arg4[%get3A_201, %get3A_202] {strides = array<i32>} : memref<18x128xi32, #tpu.memory_space<vmem>>, vector<16xi32>,
      %get3A_204 = arith.index_cast %scan3A_197 : i32 to index
      %get3A_205 = arith.constant 32 : index
      %get3A_206 = tpu.vector_load %arg4[%get3A_204, %get3A_205] {strides = array<i32>} : memref<18x128xi32, #tpu.memory_space<vmem>>, vector<16xi32>,
      %get3A_207 = arith.index_cast %scan3A_197 : i32 to index
      %get3A_208 = arith.constant 48 : index
      %get3A_209 = tpu.vector_load %arg4[%get3A_207, %get3A_208] {strides = array<i32>} : memref<18x128xi32, #tpu.memory_space<vmem>>, vector<16xi32>,
      %get3A_210 = arith.index_cast %scan3A_197 : i32 to index
      %get3A_211 = arith.constant 64 : index
      %get3A_212 = tpu.vector_load %arg4[%get3A_210, %get3A_211] {strides = array<i32>} : memref<18x128xi32, #tpu.memory_space<vmem>>, vector<16xi32>,
      %get3A_213 = arith.index_cast %scan3A_197 : i32 to index
      %get3A_214 = arith.constant 80 : index
      %get3A_215 = tpu.vector_load %arg4[%get3A_213, %get3A_214] {strides = array<i32>} : memref<18x128xi32, #tpu.memory_space<vmem>>, vector<16xi32>,
      %get3A_216 = arith.index_cast %scan3A_197 : i32 to index
      %get3A_217 = arith.constant 96 : index
      %get3A_218 = tpu.vector_load %arg4[%get3A_216, %get3A_217] {strides = array<i32>} : memref<18x128xi32, #tpu.memory_space<vmem>>, vector<16xi32>,
      %get3A_219 = arith.index_cast %scan3A_197 : i32 to index
      %get3A_220 = arith.constant 112 : index
      %get3A_221 = tpu.vector_load %arg4[%get3A_219, %get3A_220] {strides = array<i32>} : memref<18x128xi32, #tpu.memory_space<vmem>>, vector<16xi32>,
      tpu.vector_store_idx %arg5[%get3A_200, %add3A_6], %broadcast_in_dim3A_1 : memref<1000x128xf32, #tpu.memory_space<vmem>>[vector<16xi32>, vector<16xi32>], vector<16xf32>,
      tpu.vector_store_idx %arg5[%get3A_203, %add3A_9], %broadcast_in_dim3A_1 : memref<1000x128xf32, #tpu.memory_space<vmem>>[vector<16xi32>, vector<16xi32>], vector<16xf32>,
      tpu.vector_store_idx %arg5[%get3A_206, %add3A_12], %broadcast_in_dim3A_1 : memref<1000x128xf32, #tpu.memory_space<vmem>>[vector<16xi32>, vector<16xi32>], vector<16xf32>,
      tpu.vector_store_idx %arg5[%get3A_209, %add3A_15], %broadcast_in_dim3A_1 : memref<1000x128xf32, #tpu.memory_space<vmem>>[vector<16xi32>, vector<16xi32>], vector<16xf32>,
      tpu.vector_store_idx %arg5[%get3A_212, %add3A_18], %broadcast_in_dim3A_1 : memref<1000x128xf32, #tpu.memory_space<vmem>>[vector<16xi32>, vector<16xi32>], vector<16xf32>,
      tpu.vector_store_idx %arg5[%get3A_215, %add3A_21], %broadcast_in_dim3A_1 : memref<1000x128xf32, #tpu.memory_space<vmem>>[vector<16xi32>, vector<16xi32>], vector<16xf32>,
      tpu.vector_store_idx %arg5[%get3A_218, %add3A_24], %broadcast_in_dim3A_1 : memref<1000x128xf32, #tpu.memory_space<vmem>>[vector<16xi32>, vector<16xi32>], vector<16xf32>,
      tpu.vector_store_idx %arg5[%get3A_221, %add3A_27], %broadcast_in_dim3A_1 : memref<1000x128xf32, #tpu.memory_space<vmem>>[vector<16xi32>, vector<16xi32>], vector<16xf32>,
      %scan3A_222 = arith.constant 0 : i32
      scf.yield %scan3A_222 : i32
    }
    %scan3A_196 = arith.constant 18 : i32
    "tpu.region"() ({
      %run_scoped3A = tpu.sem_alloc : memref<!tpu.dma_semaphore, #tpu.memory_space<semaphore_mem>>
      %dma_start3A = arith.constant 0 : i32
      %dma_start3A_197 = tpu.memref_slice %arg3[%dma_start3A, %add3A_175] : memref<1000x16384xf32, #tpu.memory_space<hbm>> -> memref<1000x128xf32, #tpu.memory_space<hbm>>
      %dma_start3A_198 = arith.constant 0 : i32
      %dma_start3A_199 = tpu.memref_slice %arg3[%dma_start3A_198, %add3A_175] : memref<1000x16384xf32, #tpu.memory_space<hbm>> -> memref<1000x128xf32, #tpu.memory_space<hbm>>
      tpu.enqueue_dma source(%arg5 : memref<1000x128xf32, #tpu.memory_space<vmem>>) target(%dma_start3A_199 : memref<1000x128xf32, #tpu.memory_space<hbm>>) target_semaphore(%run_scoped3A : memref<!tpu.dma_semaphore, #tpu.memory_space<semaphore_mem>>)
      %dma_wait3A = arith.constant 0 : i32
      %dma_wait3A_200 = tpu.memref_slice %arg3[%dma_wait3A, %add3A_175] : memref<1000x16384xf32, #tpu.memory_space<hbm>> -> memref<1000x128xf32, #tpu.memory_space<hbm>>
      %dma_wait3A_201 = arith.constant 0 : i32
      %dma_wait3A_202 = tpu.memref_slice %arg3[%dma_wait3A_201, %add3A_175] : memref<1000x16384xf32, #tpu.memory_space<hbm>> -> memref<1000x128xf32, #tpu.memory_space<hbm>>
      tpu.wait_dma2 semaphore(%run_scoped3A : memref<!tpu.dma_semaphore, #tpu.memory_space<semaphore_mem>>) src(%arg5 : memref<1000x128xf32, #tpu.memory_space<vmem>>) dst(%dma_wait3A_202 : memref<1000x128xf32, #tpu.memory_space<hbm>>)
      tpu.yield
    }) : () -> ()
    return
  }
}

</mosaic_0001>

<sc_bundles>
// kernel: _multihot_t.3.cloned.1.call-start
scs
__scs_entry_jumppad:
0x0: {  	(pc) =	sbr.rel $0x88, $3  }
0x1: {  	(tag) =	ssettag $0x0;
	lr =	simm.s32 $0x1  }
0x2: {  	[smem:$0x3FA0] =	sst lr;
	_ =	strace $0xD0000000  }
0x3: {  	_ = 	snop  }
0x4: {  	_ = 	snop  }
0x5: {  	_ = 	snop  }
0x6: {  	_ = 	snop  }
0x7: {  	_ = 	snop  }
__scs_overlays_trampoline_lowered:
0x8: {  	[smem:$0x3FAF] =	sst s0  }
0x9: {  	[smem:$0x3FB0] =	sst s1  }
0xa: {  	[smem:$0x3FB1] =	sst s2  }
0xb: {  	[smem:$0x3FB2] =	sst s3  }
0xc: {  	[smem:$0x3FB3] =	sst s4  }
0xd: {  	[smem:$0x3FB4] =	sst s5  }
0xe: {  	[smem:$0x3FB5] =	sst s6  }
0xf: {  	[smem:$0x3FB6] =	sst s7  }
0x10: {  	[smem:$0x3FB7] =	sst s8  }
0x11: {  	[smem:$0x3FB8] =	sst s9;
	s0 =	simm.s32 @!p0 $0x0  }
0x12: {  	s1 =	sld [smem:$0x3F9E];
	s0 =	simm.s32 @p0 $0x1  }
0x13: {  	[smem:$0x3FB9] =	sst s0;
	s0 =	simm.s32 @!p1 $0x0  }
0x14: {  	s2 =	sld [smem:$0x3F9D];
	s0 =	simm.s32 @p1 $0x1  }
0x15: {  	[smem:$0x3FBA] =	sst s0;
	s0 =	simm.s32 @!p2 $0x0  }
0x16: {  	s3 =	sld [smem:$0x3FDB];
	s0 =	simm.s32 @p2 $0x1  }
0x17: {  	s4 =	simm.s32 $0x1BF5;
	[smem:$0x3FBC] =	sst s0  }
0x18: {  	s0 =	sld [smem:$0x3F9F];
	_ =	swait.ge [sflag:s4], $0x0  }
0x19: {  	s7 =	sld [smem:$0x3FA0]  }
0x1a: {  	s8 =	sadd.s32 $0xFFFFE003, lr  }
0x1b: {  	s9 =	sadd.s32 $0xFFFFFEF7, lr;
	s5 =	simm.s32 $0xFFFFFFFF;
	p2 =	slt.u32 s8, $0xFFFFF086  }
0x1c: {  	p1 =	slt.u32 s9, $0xF7A;
	s5 =	simm.s32 @!p2 $0x0  }
0x1d: {  	s5 =	simm.s32 @p1 $0x1;
	p0 =	seq.s32 s7, s2  }
0x1e: {  	s7 =	smul.u32 @!p0 $0xF7A, s2;
	p2 =	seq.s32 @!p0 s5, $0x0  }
0x1f: {  	s9 =	smul.u32 $0xF7A, s1;
	s8 =	simm.s32 @!p0 $0x1BF5;
	p2 =	por !p2, p0  }
0x20: {  	[sflag:s8] =	ssyncset.s32 @!p0 $0xFFFFF086;
	s6 =	sadd.s32 @!p0 s3, s7;
	s7 =	simm.s32 @!p0 $0x108  }
0x21: {  	s3 =	sadd.s32 s3, s9;
	s6 =	sadd.s32 @!p0 $0x88, s6;
	s7 =	simm.s32 @p2 $0x1082  }
0x22: {  	[simem:s7], [sflag:s8] =	dma.local @!p0 [hbm:s6], $0xF7A  }
0x23: {  	s9 =	sor.u32 $0xD0000000, s2;
	s6 =	simm.s32 $0x108;
	_ =	swait.ge @!p0 [sflag:s8], $0x0  }
0x24: {  	s3 =	sadd.s32 $0x88, s3;
	s6 =	simm.s32 @!p1 $0x1082;
	[sflag:s4] =	ssyncset.s32 $0xFFFFF086  }
0x25: {  	[simem:s6], [sflag:s4] =	dma.local [hbm:s3], $0xF7A  }
0x26: {  	[smem:$0x3FA0] =	sst s1;
	(tag) =	ssettag s2;
	_ =	strace s9  }
0x27: {  	s1 =	sld [smem:$0x3FB0]  }
0x28: {  	s2 =	sld [smem:$0x3FB1]  }
0x29: {  	s4 =	sld [smem:$0x3FB3]  }
0x2a: {  	p0 =	seq.s32 s5, $0x0;
	s5 =	sld [smem:$0x3FB4]  }
0x2b: {  	s6 =	sld [smem:$0x3FB5]  }
0x2c: {  	s7 =	sld [smem:$0x3FB6]  }
0x2d: {  	s3 =	simm.s32 $0x108;
	s8 =	sld [smem:$0x3FB7]  }
0x2e: {  	s3 =	simm.s32 @!p0 $0x1082;
	s9 =	sld [smem:$0x3FB8]  }
0x2f: {  	lr =	sadd.s32 s0, s3;
	s0 =	sld [smem:$0x3FAF]  }
0x30: {  	s3 =	sld [smem:$0x3FB2]  }
0x31: {  	[smem:$0x3FBB] =	sst s10  }
0x32: {  	s10 =	sld [smem:$0x3FB9];
	_ =	sdelay $0x3  }
0x33: {  	p0 =	seq.s32 s10, $0x1;
	s10 =	sld [smem:$0x3FBB];
	_ =	sdelay $0x3  }
0x34: {  	[smem:$0x3FBB] =	sst s10  }
0x35: {  	s10 =	sld [smem:$0x3FBA];
	_ =	sdelay $0x3  }
0x36: {  	p1 =	seq.s32 s10, $0x1;
	s10 =	sld [smem:$0x3FBB];
	_ =	sdelay $0x3  }
0x37: {  	[smem:$0x3FBB] =	sst s10  }
0x38: {  	s10 =	sld [smem:$0x3FBC]  }
0x39: {  	_ = 	snop;
	(pc) =	sbr.ind lr, $3  }
0x3a: {  	_ = 	snop  }
0x3b: {  	_ = 	snop  }
0x3c: {  	p2 =	seq.s32 s10, $0x1;
	s10 =	sld [smem:$0x3FBB]  }
0x3d: {  	_ =	shalt  }
0x3e: {  	_ =	shalt  }
0x3f: {  	_ =	shalt  }
0x40: {  	_ =	shalt  }
0x41: {  	_ =	shalt  }
0x42: {  	_ =	shalt  }
0x43: {  	_ =	shalt  }
0x44: {  	_ =	shalt  }
0x45: {  	_ =	shalt  }
0x46: {  	_ =	shalt  }
0x47: {  	_ =	shalt  }
0x48: {  	_ =	shalt  }
0x49: {  	_ =	shalt  }
0x4a: {  	_ =	shalt  }
0x4b: {  	_ =	shalt  }
0x4c: {  	_ =	shalt  }
0x4d: {  	_ =	shalt  }
0x4e: {  	_ =	shalt  }
0x4f: {  	_ =	shalt  }
0x50: {  	_ =	shalt  }
0x51: {  	_ =	shalt  }
0x52: {  	_ =	shalt  }
0x53: {  	_ =	shalt  }
0x54: {  	_ =	shalt  }
0x55: {  	_ =	shalt  }
0x56: {  	_ =	shalt  }
0x57: {  	_ =	shalt  }
0x58: {  	_ =	shalt  }
0x59: {  	_ =	shalt  }
0x5a: {  	_ =	shalt  }
0x5b: {  	_ =	shalt  }
0x5c: {  	_ =	shalt  }
0x5d: {  	_ =	shalt  }
0x5e: {  	_ =	shalt  }
0x5f: {  	_ =	shalt  }
0x60: {  	_ =	shalt  }
0x61: {  	_ =	shalt  }
0x62: {  	_ =	shalt  }
0x63: {  	_ =	shalt  }
0x64: {  	_ =	shalt  }
0x65: {  	_ =	shalt  }
0x66: {  	_ =	shalt  }
0x67: {  	_ =	shalt  }
0x68: {  	_ =	shalt  }
0x69: {  	_ =	shalt  }
0x6a: {  	_ =	shalt  }
0x6b: {  	_ =	shalt  }
0x6c: {  	_ =	shalt  }
0x6d: {  	_ =	shalt  }
0x6e: {  	_ =	shalt  }
0x6f: {  	_ =	shalt  }
0x70: {  	_ =	shalt  }
0x71: {  	_ =	shalt  }
0x72: {  	_ =	shalt  }
0x73: {  	_ =	shalt  }
0x74: {  	_ =	shalt  }
0x75: {  	_ =	shalt  }
0x76: {  	_ =	shalt  }
0x77: {  	_ =	shalt  }
0x78: {  	_ =	shalt  }
0x79: {  	_ =	shalt  }
0x7a: {  	_ =	shalt  }
0x7b: {  	_ =	shalt  }
0x7c: {  	_ =	shalt  }
0x7d: {  	_ =	shalt  }
0x7e: {  	_ =	shalt  }
0x7f: {  	_ =	shalt  }
0x80: {  	_ =	shalt  }
0x81: {  	_ =	shalt  }
0x82: {  	_ =	shalt  }
0x83: {  	_ =	shalt  }
0x84: {  	_ =	shalt  }
0x85: {  	_ =	shalt  }
0x86: {  	_ =	shalt  }
0x87: {  	_ =	shalt  }
.Lfunc_end0:
.L_simem_size_0:
called_computation_lowered:
.L_overlay_start_0:
0x88: {  	s2 =	sld [smem:$0x3FD9]  }
0x89: {  	s3 =	sld [smem:$0x3FFE];
	_ =	sdelay $0x1  }
0x8a: {  	s1 =	srdreg.scid  }
0x8b: {  	s0 =	sand.u32 $0x1, s1  }
0x8c: {  	s18 =	sshll.u32 s0, $0xA;
	s2 =	sadd.s32 s3, s2  }
0x8d: {  	s2 =	sadd.s32 s2, s18  }
0x8e: {  	[smem:$0x3FC7] =	sst s2  }
0x8f: {  	_ = 	snop  }
0x90: {  	s2 =	sld [smem:$0x3FC9]  }
0x91: {  	s19 =	sld [smem:$0x3FD0];
	(tm) =	ssettm $0x1  }
0x92: {  	s4 =	sld [smem:$0x3FFB];
	_ =	sdelay $0x3  }
0x93: {  	_ =	strace s4  }
0x94: {  	s4 =	sld [smem:$0x3FFC];
	_ =	sdelay $0x3  }
0x95: {  	_ =	strace s4  }
0x96: {  	s4 =	sld [smem:$0x3FFD];
	_ =	sdelay $0x3  }
0x97: {  	_ =	strace s4  }
0x98: {  	_ =	strace $0x8FFFFFFF  }
0x99: {  	s20 =	sld [smem:$0x3FDB];
	_ =	sdelay $0x1  }
0x9a: {  	s5 =	simm.s32 $_scs_section_size  }
0x9b: {  	s6 =	simm.s32 $_size__tile_overlayer_lowered;
	s7 =	simm.s32 $_tile_overlayer_lowered  }
0x9c: {  	s23 =	simm.s32 $0x1BFF;
	s22 =	sshll.u32 s7, $0x1;
	s4 =	sadd.s32 s5, s20  }
0x9d: {  	s8 =	simm.s32 $0x0;
	s21 =	sshll.u32 s6, $0x1;
	s6 =	sadd.s32 s22, s4  }
0x9e: {  	[timem:s8], [sflag:s23] =	dma.local [hbm:s6], s21  }
0x9f: {  	_ =	swait.ge [sflag:s23], s21  }
0xa0: {  	s5 =	ssub.s32 $0x0, s21;
	[sflag:s23] =	ssyncset.done $0x0  }
0xa1: {  	[sflag:s23] =	ssyncadd.s32 s5;
	_ =	sdelay $0x1  }
0xa2: {  	s24 =	simm.s32 $0x1B8B  }
0xa3: {  	_ =	swait.ge [sflag:s24], $0x1  }
0xa4: {  	[sflag:s24] =	ssyncset.done $0x0  }
0xa5: {  	s25 =	simm.s32 $0x1B8E;
	[sflag:s24] =	ssyncadd.s32 $0xFFFFFFFF  }
0xa6: {  	s26 =	simm.s32 $execute0_lowered;
	[smem:$0x3FD2] =	sst s25  }
0xa7: {  	s5 =	sshll.u32 s26, $0x1;
	_ =	strace $0x80000046;
	[dreg:$0x1] =	wrdreg $0xFFFFFFFF  }
0xa8: {  	s28 =	simm.s32 $_size_execute0_lowered;
	s4 =	sadd.s32 s4, s5;
	[dreg:$0x0] =	wrdreg $0x0  }
0xa9: {  	s5 =	sshll.u32 s28, $0x1;
	[dreg:$0x2] =	wrdreg s4  }
0xaa: {  	[dreg:$0x3] =	wrdreg s5  }
0xab: {  	[dreg:$0x4] =	wrdreg $0xC0  }
0xac: {  	_ =	task [dreg:s8], $0x5FFFF  }
0xad: {  	[dreg:$0x1] =	wrdreg $0xFFFFFFFF  }
0xae: {  	[dreg:$0x0] =	wrdreg $0x60  }
0xaf: {  	[dreg:$0x2] =	wrdreg s2  }
0xb0: {  	[dreg:$0x3] =	wrdreg s19  }
0xb1: {  	[dreg:$0x4] =	wrdreg $0x9  }
0xb2: {  	_ =	task.clear_ibuf [dreg:s8], $0x5FFFF;
	_ =	strace $0x90000046  }
0xb3: {  	s29 =	simm.s32 $0x9;
	_ =	strace $0x80000048  }
0xb4: {  	_ =	swait.ge [sflag:s29], $0x1  }
0xb5: {  	[sflag:s29] =	ssyncadd.s32 $0xFFFFFFFF  }
0xb6: {  	_ =	strace $0x90000048  }
0xb7: {  	_ =	sfence  }
0xb8: {  	s30 =	sld [smem:$0x0];
	_ =	sdelay $0x2  }
0xb9: {  	s31 =	sshll.u32 s1, $0xD;
	s1 =	sshrl.u32 s1, $0x2  }
0xba: {  	s3 =	sand.u32 $0x4000, s31;
	s1 =	sadd.s32 s1, s30  }
0xbb: {  	s0 =	sor.u32 s3, s0;
	s1 =	sshll.u32 s1, $0x11  }
0xbc: {  	s0 =	sor.u32 s1, s0  }
0xbd: {  	s0 =	sadd.s32 $0x8F2B, s0  }
0xbe: {  	[sflag:s0] =	ssyncadd.remote.s32 $0x1  }
0xbf: {  	_ =	sfence.sel $0xFFFF  }
0xc0: {  	[dreg:$0x0] =	wrdreg $0xFFFFFFFF;
	(pc) =	sbr.abs _section_cstart, $3  }
0xc1: {  	[dreg:$0x1] =	wrdreg $0xFFFFFFFF  }
0xc2: {  	_ =	task.clear_ibuf [dreg:s8], $0x2FFFF;
	_ =	strace $0x9FFFFFFF  }
0xc3: {  	(tm) =	ssettm $0x7FFFFFFF  }
tec
execute0_lowered:
.L_overlay_start_1:
0x0: {  	(tag) =	ssettag $0x1  }
0x1: {  	s17 =	rddreg [dreg:$0x0]  }
0x2: {  	s18 =	rddreg [dreg:$0x1]  }
0x3: {  	s0 =	rddreg [dreg:$0x2];
	s3 =	srdreg.scid  }
0x4: {  	s2 =	simm.s32 $0x0;
	s1 =	stileid.u32;
	s21 =	simm.s32 $0x20000  }
0x5: {  	s22 =	simm.s32 $0x1;
	s23 =	simm.s32 $0xC00;
	s3 =	sand.u32 $0x1, s3  }
0x6: {  	s24 =	simm.s32 $0x800;
	s5 =	sshll.u32 s1, $0xA;
	s4 =	ssub.s32 $0x2, s3  }
0x7: {  	[smem:$0x7FF] =	sst s2;
	s3 =	sshll.u32 s3, $0x9;
	s6 =	sshrl.u32 s4, $0x1  }
0x8: {  	_ =	strace $0x80000047;
	s14 =	sor.u32 s3, s5;
	s19 =	ssub.s32 s4, s6  }
0x9: {  	s3 =	sadd.s32 s17, s14;
	s10 =	sor.u32 $0x80, s14;
	s6 =	sadd.s32 s18, s14  }
0xa: {  	s16 =	sor.u32 $0x100, s14;
	s20 =	sor.u32 $0x180, s14;
	s4 =	sadd.s32 $0x8000, s3  }
0xb: {  	s5 =	sadd.s32 $0x10000, s3;
	s7 =	sadd.s32 s17, s10;
	s8 =	sadd.s32 $0x8080, s3  }
0xc: {  	v0 =	vlaneseq.u32;
	v1 =	vimm.f32 $9.999999740e-05;
	v2 =	vimm.f32 $9.000999930e-01;
	s9 =	sadd.s32 $0x10080, s3;
	s10 =	sadd.s32 s18, s10;
	s11 =	sadd.s32 s17, s16  }
0xd: {  	v3 =	vor.u32 $0x10, v0;
	s12 =	sadd.s32 $0x8100, s3;
	s13 =	sadd.s32 $0x10100, s3;
	s14 =	sadd.s32 $0x8180, s3  }
0xe: {  	v4 =	vor.u32 $0x20, v0;
	v5 =	vor.u32 $0x30, v0;
	v6 =	vor.u32 $0x40, v0;
	s15 =	sadd.s32 $0x10180, s3;
	s16 =	sadd.s32 s18, s16;
	s17 =	sadd.s32 s17, s20  }
0xf: {  	v7 =	vor.u32 $0x50, v0;
	v8 =	vor.u32 $0x60, v0;
	v9 =	vor.u32 $0x70, v0;
	s18 =	sadd.s32 s18, s20;
	s19 =	smax.u32 s19, $0x1;
	s20 =	simm.s32 $0x400  }
.LBB2_1:
0x10: {  	s25 =	simm.s32 $0x70;
	s26 =	simm.s32 $0x3C0  }
.LBB2_2:
0x11: {  	p0 =	sne.s32 s26, $0x7CFC0;
	[tilespmem:s25+$0xC00] =	vst v1  }
0x12: {  	[tilespmem:s25+$0xB90] =	vst v1  }
0x13: {  	[tilespmem:s25+$0xBA0] =	vst v1  }
.Ltmp0:
0x14: {  	[tilespmem:s25+$0xBB0] =	vst v1;
	(pc) =	sbr.rel @p0 .LBB2_2-.Ltmp0, $4  }
0x15: {  	[tilespmem:s25+$0xBC0] =	vst v1  }
0x16: {  	[tilespmem:s25+$0xBD0] =	vst v1  }
0x17: {  	[tilespmem:s25+$0xBE0] =	vst v1  }
0x18: {  	[tilespmem:s25+$0xBF0] =	vst v1;
	s25 =	sshra.s32 s26, $0x2;
	s26 =	sadd.s32 $0x200, s26  }
0x19: {  	[tilespmem:s25+$0xC00] =	vst v1  }
0x1a: {  	[tilespmem:s25+$0xB90] =	vst v1  }
0x1b: {  	[tilespmem:s25+$0xBA0] =	vst v1  }
0x1c: {  	[tilespmem:s25+$0xBB0] =	vst v1  }
0x1d: {  	[tilespmem:s25+$0xBC0] =	vst v1  }
0x1e: {  	[tilespmem:s25+$0xBD0] =	vst v1  }
0x1f: {  	[tilespmem:s25+$0xBE0] =	vst v1  }
0x20: {  	[tilespmem:s25+$0xBF0] =	vst v1;
	s30 =	simm.s32 $0x0  }
0x21: {  	[tilespmem:s30], [sflag:$0x1] =	stream.strided.gather [hbm4b:s3+s20], $0x800, s21, s20, $0x38;
	v63 =	vld [tilespmem:$0x0]  }
0x22: {  	_ =	swait.ge [sflag:s22], $0x800  }
0x23: {  	[sflag:s22] =	ssyncset.done $0x0  }
0x24: {  	s31 =	simm.s32 $0x0;
	[sflag:s22] =	ssyncadd.s32 $0xFFFFF800  }
0x25: {  	v10 =	vld [tilespmem:s31+$0x0]  }
0x26: {  	v11 =	vld [tilespmem:s31+$0x10]  }
0x27: {  	v12 =	vld [tilespmem:s31+$0x20]  }
0x28: {  	v13 =	vld [tilespmem:s31+$0x30]  }
0x29: {  	v14 =	vld [tilespmem:s31+$0x40]  }
0x2a: {  	v15 =	vld [tilespmem:s31+$0x50];
	v10 =	vshll.u32 v10, $0x7  }
0x2b: {  	v11 =	vshll.u32 v11, $0x7;
	v10 =	vor.u32 v0, v10  }
0x2c: {  	v12 =	vshll.u32 v12, $0x7;
	v11 =	vor.u32 v3, v11  }
0x2d: {  	v16 =	vld [tilespmem:s31+$0x60];
	v13 =	vshll.u32 v13, $0x7;
	v12 =	vor.u32 v4, v12  }
0x2e: {  	v14 =	vshll.u32 v14, $0x7;
	v13 =	vor.u32 v5, v13  }
0x2f: {  	v17 =	vld [tilespmem:s31+$0x70];
	v15 =	vshll.u32 v15, $0x7;
	v14 =	vor.u32 v6, v14  }
0x30: {  	[tilespmem:v10+s23+$0x0] =	vst.idx.msk $0xffff, v2;
	v10 =	vor.u32 v7, v15  }
0x31: {  	[tilespmem:v11+s23+$0x0] =	vst.idx.msk $0xffff, v2  }
0x32: {  	v61 =	vshll.u32 v16, $0x7;
	[tilespmem:v12+s23+$0x0] =	vst.idx.msk $0xffff, v2  }
0x33: {  	v11 =	vor.u32 v8, v61;
	[tilespmem:v13+s23+$0x0] =	vst.idx.msk $0xffff, v2  }
0x34: {  	v62 =	vshll.u32 v17, $0x7;
	[tilespmem:v14+s23+$0x0] =	vst.idx.msk $0xffff, v2  }
0x35: {  	[tilespmem:v10+s23+$0x0] =	vst.idx.msk $0xffff, v2;
	v10 =	vor.u32 v9, v62;
	_ =	sdelay $0x2  }
0x36: {  	s25 =	simm.s32 $0x200;
	s26 =	simm.s32 $0x400;
	[tilespmem:v11+s23+$0x0] =	vst.idx.msk $0xffff, v2  }
.LBB2_4:
0x37: {  	p0 =	sne.s32 s26, $0x1E00  }
0x38: {  	s28 =	sshra.s32 s25, $0x2;
	[tilespmem:v10+s23+$0x0] =	vst.idx.msk $0xffff, v2;
	s25 =	smov.u32 s26;
	s26 =	sadd.s32 $0x200, s26  }
0x39: {  	v10 =	vld [tilespmem:s28+$0x0]  }
0x3a: {  	v11 =	vld [tilespmem:s28+$0x10]  }
0x3b: {  	v12 =	vld [tilespmem:s28+$0x20]  }
0x3c: {  	v13 =	vld [tilespmem:s28+$0x30]  }
0x3d: {  	v14 =	vld [tilespmem:s28+$0x40]  }
0x3e: {  	v15 =	vld [tilespmem:s28+$0x50];
	v10 =	vshll.u32 v10, $0x7  }
0x3f: {  	v16 =	vld [tilespmem:s28+$0x60];
	v10 =	vor.u32 v0, v10;
	v11 =	vshll.u32 v11, $0x7  }
0x40: {  	v17 =	vld [tilespmem:s28+$0x70];
	v11 =	vor.u32 v3, v11;
	v12 =	vshll.u32 v12, $0x7  }
0x41: {  	v12 =	vor.u32 v4, v12;
	v13 =	vshll.u32 v13, $0x7  }
0x42: {  	v13 =	vor.u32 v5, v13;
	v14 =	vshll.u32 v14, $0x7  }
0x43: {  	v14 =	vor.u32 v6, v14;
	v15 =	vshll.u32 v15, $0x7  }
0x44: {  	[tilespmem:v10+s23+$0x0] =	vst.idx.msk $0xffff, v2;
	v15 =	vor.u32 v7, v15;
	v10 =	vshll.u32 v16, $0x7  }
0x45: {  	[tilespmem:v11+s23+$0x0] =	vst.idx.msk $0xffff, v2;
	v11 =	vor.u32 v8, v10;
	v10 =	vshll.u32 v17, $0x7  }
.Ltmp1:
0x46: {  	[tilespmem:v12+s23+$0x0] =	vst.idx.msk $0xffff, v2;
	v10 =	vor.u32 v9, v10;
	(pc) =	sbr.rel @p0 .LBB2_4-.Ltmp1, $4  }
0x47: {  	[tilespmem:v13+s23+$0x0] =	vst.idx.msk $0xffff, v2  }
0x48: {  	[tilespmem:v14+s23+$0x0] =	vst.idx.msk $0xffff, v2  }
0x49: {  	[tilespmem:v15+s23+$0x0] =	vst.idx.msk $0xffff, v2  }
0x4a: {  	[tilespmem:v11+s23+$0x0] =	vst.idx.msk $0xffff, v2  }
0x4b: {  	_ =	sdelay $0x3  }
0x4c: {  	s25 =	sshra.s32 s25, $0x2;
	[tilespmem:v10+s23+$0x0] =	vst.idx.msk $0xffff, v2  }
0x4d: {  	v10 =	vld [tilespmem:s25+$0x0]  }
0x4e: {  	v11 =	vld [tilespmem:s25+$0x10]  }
0x4f: {  	v12 =	vld [tilespmem:s25+$0x20]  }
0x50: {  	v13 =	vld [tilespmem:s25+$0x30]  }
0x51: {  	v14 =	vld [tilespmem:s25+$0x40]  }
0x52: {  	v15 =	vld [tilespmem:s25+$0x50];
	v10 =	vshll.u32 v10, $0x7  }
0x53: {  	v16 =	vld [tilespmem:s25+$0x60];
	v11 =	vshll.u32 v11, $0x7;
	v10 =	vor.u32 v0, v10  }
0x54: {  	v17 =	vld [tilespmem:s25+$0x70];
	v12 =	vshll.u32 v12, $0x7;
	v11 =	vor.u32 v3, v11  }
0x55: {  	v13 =	vshll.u32 v13, $0x7;
	v12 =	vor.u32 v4, v12  }
0x56: {  	v14 =	vshll.u32 v14, $0x7;
	v13 =	vor.u32 v5, v13  }
0x57: {  	v15 =	vshll.u32 v15, $0x7;
	v14 =	vor.u32 v6, v14  }
0x58: {  	v52 =	vshll.u32 v16, $0x7;
	[tilespmem:v10+s23+$0x0] =	vst.idx.msk $0xffff, v2;
	v10 =	vor.u32 v7, v15  }
0x59: {  	v53 =	vshll.u32 v17, $0x7;
	[tilespmem:v11+s23+$0x0] =	vst.idx.msk $0xffff, v2;
	v11 =	vor.u32 v8, v52  }
0x5a: {  	v54 =	vor.u32 v9, v53;
	[tilespmem:v12+s23+$0x0] =	vst.idx.msk $0xffff, v2  }
0x5b: {  	[tilespmem:v13+s23+$0x0] =	vst.idx.msk $0xffff, v2  }
0x5c: {  	[tilespmem:v14+s23+$0x0] =	vst.idx.msk $0xffff, v2  }
0x5d: {  	[tilespmem:v10+s23+$0x0] =	vst.idx.msk $0xffff, v2  }
0x5e: {  	[tilespmem:v11+s23+$0x0] =	vst.idx.msk $0xffff, v2  }
0x5f: {  	s30 =	simm.s32 $0x0;
	[tilespmem:v54+s23+$0x0] =	vst.idx.msk $0xffff, v2  }
0x60: {  	[tilespmem:s30], [sflag:$0x1] =	stream.strided.gather [hbm4b:s4+s20], $0x800, s21, s20, $0x38;
	v63 =	vld [tilespmem:$0x0]  }
0x61: {  	_ =	swait.ge [sflag:s22], $0x800  }
0x62: {  	[sflag:s22] =	ssyncset.done $0x0  }
0x63: {  	s31 =	simm.s32 $0x0;
	[sflag:s22] =	ssyncadd.s32 $0xFFFFF800  }
0x64: {  	v10 =	vld [tilespmem:s31+$0x0]  }
0x65: {  	v11 =	vld [tilespmem:s31+$0x10]  }
0x66: {  	v55 =	vld [tilespmem:s31+$0x20]  }
0x67: {  	v56 =	vld [tilespmem:s31+$0x30]  }
0x68: {  	v57 =	vld [tilespmem:s31+$0x40]  }
0x69: {  	v58 =	vld [tilespmem:s31+$0x50];
	v10 =	vshll.u32 v10, $0x7  }
0x6a: {  	v11 =	vshll.u32 v11, $0x7;
	v10 =	vor.u32 v0, v10  }
0x6b: {  	v12 =	vshll.u32 v55, $0x7;
	v11 =	vor.u32 v3, v11  }
0x6c: {  	v59 =	vld [tilespmem:s31+$0x60];
	v13 =	vshll.u32 v56, $0x7;
	v12 =	vor.u32 v4, v12  }
0x6d: {  	v14 =	vshll.u32 v57, $0x7;
	v13 =	vor.u32 v5, v13  }
0x6e: {  	v60 =	vld [tilespmem:s31+$0x70];
	v15 =	vshll.u32 v58, $0x7;
	v14 =	vor.u32 v6, v14  }
0x6f: {  	[tilespmem:v10+s23+$0x0] =	vst.idx.msk $0xffff, v2;
	v10 =	vor.u32 v7, v15  }
0x70: {  	[tilespmem:v11+s23+$0x0] =	vst.idx.msk $0xffff, v2  }
0x71: {  	v61 =	vshll.u32 v59, $0x7;
	[tilespmem:v12+s23+$0x0] =	vst.idx.msk $0xffff, v2  }
0x72: {  	v11 =	vor.u32 v8, v61;
	[tilespmem:v13+s23+$0x0] =	vst.idx.msk $0xffff, v2  }
0x73: {  	v62 =	vshll.u32 v60, $0x7;
	[tilespmem:v14+s23+$0x0] =	vst.idx.msk $0xffff, v2  }
0x74: {  	[tilespmem:v10+s23+$0x0] =	vst.idx.msk $0xffff, v2;
	v10 =	vor.u32 v9, v62;
	_ =	sdelay $0x2  }
0x75: {  	s26 =	simm.s32 $0x400;
	s25 =	simm.s32 $0x200;
	[tilespmem:v11+s23+$0x0] =	vst.idx.msk $0xffff, v2  }
.LBB2_6:
0x76: {  	p0 =	sne.s32 s26, $0x1E00  }
0x77: {  	s28 =	sshra.s32 s25, $0x2;
	[tilespmem:v10+s23+$0x0] =	vst.idx.msk $0xffff, v2;
	s25 =	smov.u32 s26;
	s26 =	sadd.s32 $0x200, s26  }
0x78: {  	v10 =	vld [tilespmem:s28+$0x0]  }
0x79: {  	v11 =	vld [tilespmem:s28+$0x10]  }
0x7a: {  	v12 =	vld [tilespmem:s28+$0x20]  }
0x7b: {  	v13 =	vld [tilespmem:s28+$0x30]  }
0x7c: {  	v14 =	vld [tilespmem:s28+$0x40]  }
0x7d: {  	v15 =	vld [tilespmem:s28+$0x50];
	v10 =	vshll.u32 v10, $0x7  }
0x7e: {  	v16 =	vld [tilespmem:s28+$0x60];
	v10 =	vor.u32 v0, v10;
	v11 =	vshll.u32 v11, $0x7  }
0x7f: {  	v17 =	vld [tilespmem:s28+$0x70];
	v11 =	vor.u32 v3, v11;
	v12 =	vshll.u32 v12, $0x7  }
0x80: {  	v12 =	vor.u32 v4, v12;
	v13 =	vshll.u32 v13, $0x7  }
0x81: {  	v13 =	vor.u32 v5, v13;
	v14 =	vshll.u32 v14, $0x7  }
0x82: {  	v14 =	vor.u32 v6, v14;
	v15 =	vshll.u32 v15, $0x7  }
0x83: {  	[tilespmem:v10+s23+$0x0] =	vst.idx.msk $0xffff, v2;
	v15 =	vor.u32 v7, v15;
	v10 =	vshll.u32 v16, $0x7  }
0x84: {  	[tilespmem:v11+s23+$0x0] =	vst.idx.msk $0xffff, v2;
	v11 =	vor.u32 v8, v10;
	v10 =	vshll.u32 v17, $0x7  }
.Ltmp2:
0x85: {  	[tilespmem:v12+s23+$0x0] =	vst.idx.msk $0xffff, v2;
	v10 =	vor.u32 v9, v10;
	(pc) =	sbr.rel @p0 .LBB2_6-.Ltmp2, $4  }
0x86: {  	[tilespmem:v13+s23+$0x0] =	vst.idx.msk $0xffff, v2  }
0x87: {  	[tilespmem:v14+s23+$0x0] =	vst.idx.msk $0xffff, v2  }
0x88: {  	[tilespmem:v15+s23+$0x0] =	vst.idx.msk $0xffff, v2  }
0x89: {  	[tilespmem:v11+s23+$0x0] =	vst.idx.msk $0xffff, v2  }
0x8a: {  	_ =	sdelay $0x3  }
0x8b: {  	s25 =	sshra.s32 s25, $0x2;
	[tilespmem:v10+s23+$0x0] =	vst.idx.msk $0xffff, v2  }
0x8c: {  	v10 =	vld [tilespmem:s25+$0x0]  }
0x8d: {  	v11 =	vld [tilespmem:s25+$0x10]  }
0x8e: {  	v12 =	vld [tilespmem:s25+$0x20]  }
0x8f: {  	v13 =	vld [tilespmem:s25+$0x30]  }
0x90: {  	v14 =	vld [tilespmem:s25+$0x40]  }
0x91: {  	v15 =	vld [tilespmem:s25+$0x50];
	v10 =	vshll.u32 v10, $0x7  }
0x92: {  	v16 =	vld [tilespmem:s25+$0x60];
	v11 =	vshll.u32 v11, $0x7;
	v10 =	vor.u32 v0, v10  }
0x93: {  	v17 =	vld [tilespmem:s25+$0x70];
	v12 =	vshll.u32 v12, $0x7;
	v11 =	vor.u32 v3, v11  }
0x94: {  	v13 =	vshll.u32 v13, $0x7;
	v12 =	vor.u32 v4, v12  }
0x95: {  	v14 =	vshll.u32 v14, $0x7;
	v13 =	vor.u32 v5, v13  }
0x96: {  	v15 =	vshll.u32 v15, $0x7;
	v14 =	vor.u32 v6, v14  }
0x97: {  	v52 =	vshll.u32 v16, $0x7;
	[tilespmem:v10+s23+$0x0] =	vst.idx.msk $0xffff, v2;
	v10 =	vor.u32 v7, v15  }
0x98: {  	v53 =	vshll.u32 v17, $0x7;
	[tilespmem:v11+s23+$0x0] =	vst.idx.msk $0xffff, v2;
	v11 =	vor.u32 v8, v52  }
0x99: {  	v54 =	vor.u32 v9, v53;
	[tilespmem:v12+s23+$0x0] =	vst.idx.msk $0xffff, v2  }
0x9a: {  	[tilespmem:v13+s23+$0x0] =	vst.idx.msk $0xffff, v2  }
0x9b: {  	[tilespmem:v14+s23+$0x0] =	vst.idx.msk $0xffff, v2  }
0x9c: {  	[tilespmem:v10+s23+$0x0] =	vst.idx.msk $0xffff, v2  }
0x9d: {  	[tilespmem:v11+s23+$0x0] =	vst.idx.msk $0xffff, v2  }
0x9e: {  	s30 =	simm.s32 $0x0;
	[tilespmem:v54+s23+$0x0] =	vst.idx.msk $0xffff, v2  }
0x9f: {  	[tilespmem:s30], [sflag:$0x1] =	stream.strided.gather [hbm4b:s5+s20], $0x800, s21, s20, $0x38;
	v63 =	vld [tilespmem:$0x0]  }
0xa0: {  	s26 =	sadd.s32 $0x8000, s5  }
0xa1: {  	[tilespmem:s24], [sflag:$0x1] =	stream.linear.gather [hbm4b:s26+s30], $0x100, $0x38;
	v63 =	vld [tilespmem:$0x0]  }
0xa2: {  	_ =	swait.ge [sflag:s22], $0x900  }
0xa3: {  	[sflag:s22] =	ssyncset.done $0x0  }
0xa4: {  	s31 =	simm.s32 $0x0;
	[sflag:s22] =	ssyncadd.s32 $0xFFFFF700  }
0xa5: {  	v10 =	vld [tilespmem:s31+$0x0]  }
0xa6: {  	v11 =	vld [tilespmem:s31+$0x10]  }
0xa7: {  	v55 =	vld [tilespmem:s31+$0x20]  }
0xa8: {  	v56 =	vld [tilespmem:s31+$0x30]  }
0xa9: {  	v57 =	vld [tilespmem:s31+$0x40]  }
0xaa: {  	v58 =	vld [tilespmem:s31+$0x50];
	v10 =	vshll.u32 v10, $0x7  }
0xab: {  	v11 =	vshll.u32 v11, $0x7;
	v10 =	vor.u32 v0, v10  }
0xac: {  	v12 =	vshll.u32 v55, $0x7;
	v11 =	vor.u32 v3, v11  }
0xad: {  	v59 =	vld [tilespmem:s31+$0x60];
	v13 =	vshll.u32 v56, $0x7;
	v12 =	vor.u32 v4, v12  }
0xae: {  	v14 =	vshll.u32 v57, $0x7;
	v13 =	vor.u32 v5, v13  }
0xaf: {  	v60 =	vld [tilespmem:s31+$0x70];
	v15 =	vshll.u32 v58, $0x7;
	v14 =	vor.u32 v6, v14  }
0xb0: {  	[tilespmem:v10+s23+$0x0] =	vst.idx.msk $0xffff, v2;
	v10 =	vor.u32 v7, v15  }
0xb1: {  	[tilespmem:v11+s23+$0x0] =	vst.idx.msk $0xffff, v2  }
0xb2: {  	v61 =	vshll.u32 v59, $0x7;
	[tilespmem:v12+s23+$0x0] =	vst.idx.msk $0xffff, v2  }
0xb3: {  	v11 =	vor.u32 v8, v61;
	[tilespmem:v13+s23+$0x0] =	vst.idx.msk $0xffff, v2  }
0xb4: {  	v62 =	vshll.u32 v60, $0x7;
	[tilespmem:v14+s23+$0x0] =	vst.idx.msk $0xffff, v2  }
0xb5: {  	[tilespmem:v10+s23+$0x0] =	vst.idx.msk $0xffff, v2;
	v10 =	vor.u32 v9, v62;
	_ =	sdelay $0x2  }
0xb6: {  	s25 =	simm.s32 $0x200;
	s26 =	simm.s32 $0x400;
	[tilespmem:v11+s23+$0x0] =	vst.idx.msk $0xffff, v2  }
.LBB2_8:
0xb7: {  	p0 =	sne.s32 s26, $0x2200  }
0xb8: {  	s28 =	sshra.s32 s25, $0x2;
	[tilespmem:v10+s23+$0x0] =	vst.idx.msk $0xffff, v2;
	s25 =	smov.u32 s26;
	s26 =	sadd.s32 $0x200, s26  }
0xb9: {  	v10 =	vld [tilespmem:s28+$0x0]  }
0xba: {  	v11 =	vld [tilespmem:s28+$0x10]  }
0xbb: {  	v12 =	vld [tilespmem:s28+$0x20]  }
0xbc: {  	v13 =	vld [tilespmem:s28+$0x30]  }
0xbd: {  	v14 =	vld [tilespmem:s28+$0x40]  }
0xbe: {  	v15 =	vld [tilespmem:s28+$0x50];
	v10 =	vshll.u32 v10, $0x7  }
0xbf: {  	v16 =	vld [tilespmem:s28+$0x60];
	v10 =	vor.u32 v0, v10;
	v11 =	vshll.u32 v11, $0x7  }
0xc0: {  	v17 =	vld [tilespmem:s28+$0x70];
	v11 =	vor.u32 v3, v11;
	v12 =	vshll.u32 v12, $0x7  }
0xc1: {  	v12 =	vor.u32 v4, v12;
	v13 =	vshll.u32 v13, $0x7  }
0xc2: {  	v13 =	vor.u32 v5, v13;
	v14 =	vshll.u32 v14, $0x7  }
0xc3: {  	v14 =	vor.u32 v6, v14;
	v15 =	vshll.u32 v15, $0x7  }
0xc4: {  	[tilespmem:v10+s23+$0x0] =	vst.idx.msk $0xffff, v2;
	v15 =	vor.u32 v7, v15;
	v10 =	vshll.u32 v16, $0x7  }
0xc5: {  	[tilespmem:v11+s23+$0x0] =	vst.idx.msk $0xffff, v2;
	v11 =	vor.u32 v8, v10;
	v10 =	vshll.u32 v17, $0x7  }
.Ltmp3:
0xc6: {  	[tilespmem:v12+s23+$0x0] =	vst.idx.msk $0xffff, v2;
	v10 =	vor.u32 v9, v10;
	(pc) =	sbr.rel @p0 .LBB2_8-.Ltmp3, $4  }
0xc7: {  	[tilespmem:v13+s23+$0x0] =	vst.idx.msk $0xffff, v2  }
0xc8: {  	[tilespmem:v14+s23+$0x0] =	vst.idx.msk $0xffff, v2  }
0xc9: {  	[tilespmem:v15+s23+$0x0] =	vst.idx.msk $0xffff, v2  }
0xca: {  	[tilespmem:v11+s23+$0x0] =	vst.idx.msk $0xffff, v2  }
0xcb: {  	_ =	sdelay $0x3  }
0xcc: {  	s25 =	sshra.s32 s25, $0x2;
	[tilespmem:v10+s23+$0x0] =	vst.idx.msk $0xffff, v2  }
0xcd: {  	v10 =	vld [tilespmem:s25+$0x0]  }
0xce: {  	v11 =	vld [tilespmem:s25+$0x10]  }
0xcf: {  	v12 =	vld [tilespmem:s25+$0x20]  }
0xd0: {  	v13 =	vld [tilespmem:s25+$0x30]  }
0xd1: {  	v14 =	vld [tilespmem:s25+$0x40]  }
0xd2: {  	v15 =	vld [tilespmem:s25+$0x50];
	v10 =	vshll.u32 v10, $0x7  }
0xd3: {  	v16 =	vld [tilespmem:s25+$0x60];
	v11 =	vshll.u32 v11, $0x7;
	v10 =	vor.u32 v0, v10  }
0xd4: {  	v17 =	vld [tilespmem:s25+$0x70];
	v12 =	vshll.u32 v12, $0x7;
	v11 =	vor.u32 v3, v11  }
0xd5: {  	v13 =	vshll.u32 v13, $0x7;
	v12 =	vor.u32 v4, v12  }
0xd6: {  	v14 =	vshll.u32 v14, $0x7;
	v13 =	vor.u32 v5, v13  }
0xd7: {  	v15 =	vshll.u32 v15, $0x7;
	v14 =	vor.u32 v6, v14  }
0xd8: {  	v52 =	vshll.u32 v16, $0x7;
	[tilespmem:v10+s23+$0x0] =	vst.idx.msk $0xffff, v2;
	v10 =	vor.u32 v7, v15  }
0xd9: {  	v53 =	vshll.u32 v17, $0x7;
	[tilespmem:v11+s23+$0x0] =	vst.idx.msk $0xffff, v2;
	v11 =	vor.u32 v8, v52  }
0xda: {  	v54 =	vor.u32 v9, v53;
	[tilespmem:v12+s23+$0x0] =	vst.idx.msk $0xffff, v2  }
0xdb: {  	[tilespmem:v13+s23+$0x0] =	vst.idx.msk $0xffff, v2  }
0xdc: {  	[tilespmem:v14+s23+$0x0] =	vst.idx.msk $0xffff, v2  }
0xdd: {  	[tilespmem:v10+s23+$0x0] =	vst.idx.msk $0xffff, v2  }
0xde: {  	[tilespmem:v11+s23+$0x0] =	vst.idx.msk $0xffff, v2  }
0xdf: {  	[tilespmem:v54+s23+$0x0] =	vst.idx.msk $0xffff, v2  }
0xe0: {  	[hbm4b:s6+s20] =	stream.strided.scatter [tilespmem:s23], [sflag:$0x1], $0x1F400, s21, s20, $0x38;
	v63 =	vld [tilespmem:$0x0]  }
0xe1: {  	_ =	swait.ge [sflag:s22], $0x1F400  }
0xe2: {  	[sflag:s22] =	ssyncset.done $0x0  }
0xe3: {  	s31 =	simm.s32 $0x0;
	[sflag:s22] =	ssyncadd.s32 $0xFFFE0C00  }
0xe4: {  	v10 =	vld [tilespmem:s31+$0x0]  }
0xe5: {  	v11 =	vld [tilespmem:s31+$0x10]  }
0xe6: {  	v55 =	vld [tilespmem:s31+$0x20]  }
0xe7: {  	v56 =	vld [tilespmem:s31+$0x30]  }
0xe8: {  	v57 =	vld [tilespmem:s31+$0x40]  }
0xe9: {  	v58 =	vld [tilespmem:s31+$0x50];
	v10 =	vshll.u32 v10, $0x7  }
0xea: {  	v11 =	vshll.u32 v11, $0x7;
	v10 =	vor.u32 v0, v10  }
0xeb: {  	v12 =	vshll.u32 v55, $0x7;
	v11 =	vor.u32 v3, v11  }
0xec: {  	v59 =	vld [tilespmem:s31+$0x60];
	v13 =	vshll.u32 v56, $0x7;
	v12 =	vor.u32 v4, v12  }
0xed: {  	v14 =	vshll.u32 v57, $0x7;
	v13 =	vor.u32 v5, v13  }
0xee: {  	v60 =	vld [tilespmem:s31+$0x70];
	v15 =	vshll.u32 v58, $0x7;
	v14 =	vor.u32 v6, v14  }
0xef: {  	[tilespmem:v10+s23+$0x0] =	vst.idx.msk $0xffff, v1;
	v10 =	vor.u32 v7, v15  }
0xf0: {  	[tilespmem:v11+s23+$0x0] =	vst.idx.msk $0xffff, v1  }
0xf1: {  	v61 =	vshll.u32 v59, $0x7;
	[tilespmem:v12+s23+$0x0] =	vst.idx.msk $0xffff, v1  }
0xf2: {  	v11 =	vor.u32 v8, v61;
	[tilespmem:v13+s23+$0x0] =	vst.idx.msk $0xffff, v1  }
0xf3: {  	v62 =	vshll.u32 v60, $0x7;
	[tilespmem:v14+s23+$0x0] =	vst.idx.msk $0xffff, v1  }
0xf4: {  	[tilespmem:v10+s23+$0x0] =	vst.idx.msk $0xffff, v1;
	v10 =	vor.u32 v9, v62;
	_ =	sdelay $0x2  }
0xf5: {  	s26 =	simm.s32 $0x400;
	s25 =	simm.s32 $0x200;
	[tilespmem:v11+s23+$0x0] =	vst.idx.msk $0xffff, v1  }
.LBB2_10:
0xf6: {  	p0 =	sne.s32 s26, $0x2200  }
0xf7: {  	s28 =	sshra.s32 s25, $0x2;
	[tilespmem:v10+s23+$0x0] =	vst.idx.msk $0xffff, v1;
	s25 =	smov.u32 s26;
	s26 =	sadd.s32 $0x200, s26  }
0xf8: {  	v10 =	vld [tilespmem:s28+$0x0]  }
0xf9: {  	v11 =	vld [tilespmem:s28+$0x10]  }
0xfa: {  	v12 =	vld [tilespmem:s28+$0x20]  }
0xfb: {  	v13 =	vld [tilespmem:s28+$0x30]  }
0xfc: {  	v14 =	vld [tilespmem:s28+$0x40]  }
0xfd: {  	v15 =	vld [tilespmem:s28+$0x50];
	v10 =	vshll.u32 v10, $0x7  }
0xfe: {  	v16 =	vld [tilespmem:s28+$0x60];
	v10 =	vor.u32 v0, v10;
	v11 =	vshll.u32 v11, $0x7  }
0xff: {  	v17 =	vld [tilespmem:s28+$0x70];
	v11 =	vor.u32 v3, v11;
	v12 =	vshll.u32 v12, $0x7  }
0x100: {  	v12 =	vor.u32 v4, v12;
	v13 =	vshll.u32 v13, $0x7  }
0x101: {  	v13 =	vor.u32 v5, v13;
	v14 =	vshll.u32 v14, $0x7  }
0x102: {  	v14 =	vor.u32 v6, v14;
	v15 =	vshll.u32 v15, $0x7  }
0x103: {  	[tilespmem:v10+s23+$0x0] =	vst.idx.msk $0xffff, v1;
	v15 =	vor.u32 v7, v15;
	v10 =	vshll.u32 v16, $0x7  }
0x104: {  	[tilespmem:v11+s23+$0x0] =	vst.idx.msk $0xffff, v1;
	v11 =	vor.u32 v8, v10;
	v10 =	vshll.u32 v17, $0x7  }
.Ltmp4:
0x105: {  	[tilespmem:v12+s23+$0x0] =	vst.idx.msk $0xffff, v1;
	v10 =	vor.u32 v9, v10;
	(pc) =	sbr.rel @p0 .LBB2_10-.Ltmp4, $4  }
0x106: {  	[tilespmem:v13+s23+$0x0] =	vst.idx.msk $0xffff, v1  }
0x107: {  	[tilespmem:v14+s23+$0x0] =	vst.idx.msk $0xffff, v1  }
0x108: {  	[tilespmem:v15+s23+$0x0] =	vst.idx.msk $0xffff, v1  }
0x109: {  	[tilespmem:v11+s23+$0x0] =	vst.idx.msk $0xffff, v1  }
0x10a: {  	_ =	sdelay $0x3  }
0x10b: {  	s25 =	sshra.s32 s25, $0x2;
	[tilespmem:v10+s23+$0x0] =	vst.idx.msk $0xffff, v1  }
0x10c: {  	v10 =	vld [tilespmem:s25+$0x0]  }
0x10d: {  	v11 =	vld [tilespmem:s25+$0x10]  }
0x10e: {  	v12 =	vld [tilespmem:s25+$0x20]  }
0x10f: {  	v13 =	vld [tilespmem:s25+$0x30]  }
0x110: {  	v14 =	vld [tilespmem:s25+$0x40]  }
0x111: {  	v15 =	vld [tilespmem:s25+$0x50];
	v10 =	vshll.u32 v10, $0x7  }
0x112: {  	v16 =	vld [tilespmem:s25+$0x60];
	v11 =	vshll.u32 v11, $0x7;
	v10 =	vor.u32 v0, v10  }
0x113: {  	v17 =	vld [tilespmem:s25+$0x70];
	v12 =	vshll.u32 v12, $0x7;
	v11 =	vor.u32 v3, v11  }
0x114: {  	v13 =	vshll.u32 v13, $0x7;
	v12 =	vor.u32 v4, v12  }
0x115: {  	v14 =	vshll.u32 v14, $0x7;
	v13 =	vor.u32 v5, v13  }
0x116: {  	v15 =	vshll.u32 v15, $0x7;
	v14 =	vor.u32 v6, v14  }
0x117: {  	v52 =	vshll.u32 v16, $0x7;
	[tilespmem:v10+s23+$0x0] =	vst.idx.msk $0xffff, v1;
	v10 =	vor.u32 v7, v15  }
0x118: {  	v53 =	vshll.u32 v17, $0x7;
	[tilespmem:v11+s23+$0x0] =	vst.idx.msk $0xffff, v1;
	v11 =	vor.u32 v8, v52  }
0x119: {  	v54 =	vor.u32 v9, v53;
	[tilespmem:v12+s23+$0x0] =	vst.idx.msk $0xffff, v1  }
0x11a: {  	[tilespmem:v13+s23+$0x0] =	vst.idx.msk $0xffff, v1  }
0x11b: {  	[tilespmem:v14+s23+$0x0] =	vst.idx.msk $0xffff, v1  }
0x11c: {  	[tilespmem:v10+s23+$0x0] =	vst.idx.msk $0xffff, v1  }
0x11d: {  	[tilespmem:v11+s23+$0x0] =	vst.idx.msk $0xffff, v1  }
0x11e: {  	s30 =	simm.s32 $0x0;
	[tilespmem:v54+s23+$0x0] =	vst.idx.msk $0xffff, v1  }
0x11f: {  	[tilespmem:s30], [sflag:$0x1] =	stream.strided.gather [hbm4b:s3+s20], $0x800, s21, s20, $0x38;
	v63 =	vld [tilespmem:$0x0]  }
0x120: {  	_ =	swait.ge [sflag:s22], $0x800  }
0x121: {  	[sflag:s22] =	ssyncset.done $0x0  }
0x122: {  	s31 =	simm.s32 $0x0;
	[sflag:s22] =	ssyncadd.s32 $0xFFFFF800  }
0x123: {  	v10 =	vld [tilespmem:s31+$0x0]  }
0x124: {  	v11 =	vld [tilespmem:s31+$0x10]  }
0x125: {  	v55 =	vld [tilespmem:s31+$0x20]  }
0x126: {  	v56 =	vld [tilespmem:s31+$0x30]  }
0x127: {  	v57 =	vld [tilespmem:s31+$0x40]  }
0x128: {  	v58 =	vld [tilespmem:s31+$0x50];
	v10 =	vshll.u32 v10, $0x7  }
0x129: {  	v11 =	vshll.u32 v11, $0x7;
	v10 =	vor.u32 v0, v10  }
0x12a: {  	v12 =	vshll.u32 v55, $0x7;
	v11 =	vor.u32 v3, v11  }
0x12b: {  	v59 =	vld [tilespmem:s31+$0x60];
	v13 =	vshll.u32 v56, $0x7;
	v12 =	vor.u32 v4, v12  }
0x12c: {  	v14 =	vshll.u32 v57, $0x7;
	v13 =	vor.u32 v5, v13  }
0x12d: {  	v60 =	vld [tilespmem:s31+$0x70];
	v15 =	vshll.u32 v58, $0x7;
	v14 =	vor.u32 v6, v14  }
0x12e: {  	[tilespmem:v10+s23+$0x0] =	vst.idx.msk $0xffff, v1;
	v10 =	vor.u32 v7, v15  }
0x12f: {  	[tilespmem:v11+s23+$0x0] =	vst.idx.msk $0xffff, v1  }
0x130: {  	v61 =	vshll.u32 v59, $0x7;
	[tilespmem:v12+s23+$0x0] =	vst.idx.msk $0xffff, v1  }
0x131: {  	v11 =	vor.u32 v8, v61;
	[tilespmem:v13+s23+$0x0] =	vst.idx.msk $0xffff, v1  }
0x132: {  	v62 =	vshll.u32 v60, $0x7;
	[tilespmem:v14+s23+$0x0] =	vst.idx.msk $0xffff, v1  }
0x133: {  	[tilespmem:v10+s23+$0x0] =	vst.idx.msk $0xffff, v1;
	v10 =	vor.u32 v9, v62;
	_ =	sdelay $0x2  }
0x134: {  	s26 =	simm.s32 $0x400;
	s25 =	simm.s32 $0x200;
	[tilespmem:v11+s23+$0x0] =	vst.idx.msk $0xffff, v1  }
.LBB2_12:
0x135: {  	p0 =	sne.s32 s26, $0x1E00  }
0x136: {  	s28 =	sshra.s32 s25, $0x2;
	[tilespmem:v10+s23+$0x0] =	vst.idx.msk $0xffff, v1;
	s25 =	smov.u32 s26;
	s26 =	sadd.s32 $0x200, s26  }
0x137: {  	v10 =	vld [tilespmem:s28+$0x0]  }
0x138: {  	v11 =	vld [tilespmem:s28+$0x10]  }
0x139: {  	v12 =	vld [tilespmem:s28+$0x20]  }
0x13a: {  	v13 =	vld [tilespmem:s28+$0x30]  }
0x13b: {  	v14 =	vld [tilespmem:s28+$0x40]  }
0x13c: {  	v15 =	vld [tilespmem:s28+$0x50];
	v10 =	vshll.u32 v10, $0x7  }
0x13d: {  	v16 =	vld [tilespmem:s28+$0x60];
	v10 =	vor.u32 v0, v10;
	v11 =	vshll.u32 v11, $0x7  }
0x13e: {  	v17 =	vld [tilespmem:s28+$0x70];
	v11 =	vor.u32 v3, v11;
	v12 =	vshll.u32 v12, $0x7  }
0x13f: {  	v12 =	vor.u32 v4, v12;
	v13 =	vshll.u32 v13, $0x7  }
0x140: {  	v13 =	vor.u32 v5, v13;
	v14 =	vshll.u32 v14, $0x7  }
0x141: {  	v14 =	vor.u32 v6, v14;
	v15 =	vshll.u32 v15, $0x7  }
0x142: {  	[tilespmem:v10+s23+$0x0] =	vst.idx.msk $0xffff, v1;
	v15 =	vor.u32 v7, v15;
	v10 =	vshll.u32 v16, $0x7  }
0x143: {  	[tilespmem:v11+s23+$0x0] =	vst.idx.msk $0xffff, v1;
	v11 =	vor.u32 v8, v10;
	v10 =	vshll.u32 v17, $0x7  }
.Ltmp5:
0x144: {  	[tilespmem:v12+s23+$0x0] =	vst.idx.msk $0xffff, v1;
	v10 =	vor.u32 v9, v10;
	(pc) =	sbr.rel @p0 .LBB2_12-.Ltmp5, $4  }
0x145: {  	[tilespmem:v13+s23+$0x0] =	vst.idx.msk $0xffff, v1  }
0x146: {  	[tilespmem:v14+s23+$0x0] =	vst.idx.msk $0xffff, v1  }
0x147: {  	[tilespmem:v15+s23+$0x0] =	vst.idx.msk $0xffff, v1  }
0x148: {  	[tilespmem:v11+s23+$0x0] =	vst.idx.msk $0xffff, v1  }
0x149: {  	_ =	sdelay $0x3  }
0x14a: {  	s25 =	sshra.s32 s25, $0x2;
	[tilespmem:v10+s23+$0x0] =	vst.idx.msk $0xffff, v1  }
0x14b: {  	v10 =	vld [tilespmem:s25+$0x0]  }
0x14c: {  	v11 =	vld [tilespmem:s25+$0x10]  }
0x14d: {  	v12 =	vld [tilespmem:s25+$0x20]  }
0x14e: {  	v13 =	vld [tilespmem:s25+$0x30]  }
0x14f: {  	v14 =	vld [tilespmem:s25+$0x40]  }
0x150: {  	v15 =	vld [tilespmem:s25+$0x50];
	v10 =	vshll.u32 v10, $0x7  }
0x151: {  	v16 =	vld [tilespmem:s25+$0x60];
	v11 =	vshll.u32 v11, $0x7;
	v10 =	vor.u32 v0, v10  }
0x152: {  	v17 =	vld [tilespmem:s25+$0x70];
	v12 =	vshll.u32 v12, $0x7;
	v11 =	vor.u32 v3, v11  }
0x153: {  	v13 =	vshll.u32 v13, $0x7;
	v12 =	vor.u32 v4, v12  }
0x154: {  	v14 =	vshll.u32 v14, $0x7;
	v13 =	vor.u32 v5, v13  }
0x155: {  	v15 =	vshll.u32 v15, $0x7;
	v14 =	vor.u32 v6, v14  }
0x156: {  	v52 =	vshll.u32 v16, $0x7;
	[tilespmem:v10+s23+$0x0] =	vst.idx.msk $0xffff, v1;
	v10 =	vor.u32 v7, v15  }
0x157: {  	v53 =	vshll.u32 v17, $0x7;
	[tilespmem:v11+s23+$0x0] =	vst.idx.msk $0xffff, v1;
	v11 =	vor.u32 v8, v52  }
0x158: {  	v54 =	vor.u32 v9, v53;
	[tilespmem:v12+s23+$0x0] =	vst.idx.msk $0xffff, v1  }
0x159: {  	[tilespmem:v13+s23+$0x0] =	vst.idx.msk $0xffff, v1  }
0x15a: {  	[tilespmem:v14+s23+$0x0] =	vst.idx.msk $0xffff, v1  }
0x15b: {  	[tilespmem:v10+s23+$0x0] =	vst.idx.msk $0xffff, v1  }
0x15c: {  	[tilespmem:v11+s23+$0x0] =	vst.idx.msk $0xffff, v1  }
0x15d: {  	s30 =	simm.s32 $0x0;
	[tilespmem:v54+s23+$0x0] =	vst.idx.msk $0xffff, v1  }
0x15e: {  	[tilespmem:s30], [sflag:$0x1] =	stream.strided.gather [hbm4b:s4+s20], $0x800, s21, s20, $0x38;
	v63 =	vld [tilespmem:$0x0]  }
0x15f: {  	_ =	swait.ge [sflag:s22], $0x800  }
0x160: {  	[sflag:s22] =	ssyncset.done $0x0  }
0x161: {  	s31 =	simm.s32 $0x0;
	[sflag:s22] =	ssyncadd.s32 $0xFFFFF800  }
0x162: {  	v10 =	vld [tilespmem:s31+$0x0]  }
0x163: {  	v11 =	vld [tilespmem:s31+$0x10]  }
0x164: {  	v55 =	vld [tilespmem:s31+$0x20]  }
0x165: {  	v56 =	vld [tilespmem:s31+$0x30]  }
0x166: {  	v57 =	vld [tilespmem:s31+$0x40]  }
0x167: {  	v58 =	vld [tilespmem:s31+$0x50];
	v10 =	vshll.u32 v10, $0x7  }
0x168: {  	v11 =	vshll.u32 v11, $0x7;
	v10 =	vor.u32 v0, v10  }
0x169: {  	v12 =	vshll.u32 v55, $0x7;
	v11 =	vor.u32 v3, v11  }
0x16a: {  	v59 =	vld [tilespmem:s31+$0x60];
	v13 =	vshll.u32 v56, $0x7;
	v12 =	vor.u32 v4, v12  }
0x16b: {  	v14 =	vshll.u32 v57, $0x7;
	v13 =	vor.u32 v5, v13  }
0x16c: {  	v60 =	vld [tilespmem:s31+$0x70];
	v15 =	vshll.u32 v58, $0x7;
	v14 =	vor.u32 v6, v14  }
0x16d: {  	[tilespmem:v10+s23+$0x0] =	vst.idx.msk $0xffff, v1;
	v10 =	vor.u32 v7, v15  }
0x16e: {  	[tilespmem:v11+s23+$0x0] =	vst.idx.msk $0xffff, v1  }
0x16f: {  	v61 =	vshll.u32 v59, $0x7;
	[tilespmem:v12+s23+$0x0] =	vst.idx.msk $0xffff, v1  }
0x170: {  	v11 =	vor.u32 v8, v61;
	[tilespmem:v13+s23+$0x0] =	vst.idx.msk $0xffff, v1  }
0x171: {  	v62 =	vshll.u32 v60, $0x7;
	[tilespmem:v14+s23+$0x0] =	vst.idx.msk $0xffff, v1  }
0x172: {  	[tilespmem:v10+s23+$0x0] =	vst.idx.msk $0xffff, v1;
	v10 =	vor.u32 v9, v62;
	_ =	sdelay $0x2  }
0x173: {  	s26 =	simm.s32 $0x400;
	s25 =	simm.s32 $0x200;
	[tilespmem:v11+s23+$0x0] =	vst.idx.msk $0xffff, v1  }
.LBB2_14:
0x174: {  	p0 =	sne.s32 s26, $0x1E00  }
0x175: {  	s28 =	sshra.s32 s25, $0x2;
	[tilespmem:v10+s23+$0x0] =	vst.idx.msk $0xffff, v1;
	s25 =	smov.u32 s26;
	s26 =	sadd.s32 $0x200, s26  }
0x176: {  	v10 =	vld [tilespmem:s28+$0x0]  }
0x177: {  	v11 =	vld [tilespmem:s28+$0x10]  }
0x178: {  	v12 =	vld [tilespmem:s28+$0x20]  }
0x179: {  	v13 =	vld [tilespmem:s28+$0x30]  }
0x17a: {  	v14 =	vld [tilespmem:s28+$0x40]  }
0x17b: {  	v15 =	vld [tilespmem:s28+$0x50];
	v10 =	vshll.u32 v10, $0x7  }
0x17c: {  	v16 =	vld [tilespmem:s28+$0x60];
	v10 =	vor.u32 v0, v10;
	v11 =	vshll.u32 v11, $0x7  }
0x17d: {  	v17 =	vld [tilespmem:s28+$0x70];
	v11 =	vor.u32 v3, v11;
	v12 =	vshll.u32 v12, $0x7  }
0x17e: {  	v12 =	vor.u32 v4, v12;
	v13 =	vshll.u32 v13, $0x7  }
0x17f: {  	v13 =	vor.u32 v5, v13;
	v14 =	vshll.u32 v14, $0x7  }
0x180: {  	v14 =	vor.u32 v6, v14;
	v15 =	vshll.u32 v15, $0x7  }
0x181: {  	[tilespmem:v10+s23+$0x0] =	vst.idx.msk $0xffff, v1;
	v15 =	vor.u32 v7, v15;
	v10 =	vshll.u32 v16, $0x7  }
0x182: {  	[tilespmem:v11+s23+$0x0] =	vst.idx.msk $0xffff, v1;
	v11 =	vor.u32 v8, v10;
	v10 =	vshll.u32 v17, $0x7  }
.Ltmp6:
0x183: {  	[tilespmem:v12+s23+$0x0] =	vst.idx.msk $0xffff, v1;
	v10 =	vor.u32 v9, v10;
	(pc) =	sbr.rel @p0 .LBB2_14-.Ltmp6, $4  }
0x184: {  	[tilespmem:v13+s23+$0x0] =	vst.idx.msk $0xffff, v1  }
0x185: {  	[tilespmem:v14+s23+$0x0] =	vst.idx.msk $0xffff, v1  }
0x186: {  	[tilespmem:v15+s23+$0x0] =	vst.idx.msk $0xffff, v1  }
0x187: {  	[tilespmem:v11+s23+$0x0] =	vst.idx.msk $0xffff, v1  }
0x188: {  	_ =	sdelay $0x3  }
0x189: {  	s25 =	sshra.s32 s25, $0x2;
	[tilespmem:v10+s23+$0x0] =	vst.idx.msk $0xffff, v1  }
0x18a: {  	v10 =	vld [tilespmem:s25+$0x0]  }
0x18b: {  	v11 =	vld [tilespmem:s25+$0x10]  }
0x18c: {  	v12 =	vld [tilespmem:s25+$0x20]  }
0x18d: {  	v13 =	vld [tilespmem:s25+$0x30]  }
0x18e: {  	v14 =	vld [tilespmem:s25+$0x40]  }
0x18f: {  	v15 =	vld [tilespmem:s25+$0x50];
	v10 =	vshll.u32 v10, $0x7  }
0x190: {  	v16 =	vld [tilespmem:s25+$0x60];
	v11 =	vshll.u32 v11, $0x7;
	v10 =	vor.u32 v0, v10  }
0x191: {  	v17 =	vld [tilespmem:s25+$0x70];
	v12 =	vshll.u32 v12, $0x7;
	v11 =	vor.u32 v3, v11  }
0x192: {  	v13 =	vshll.u32 v13, $0x7;
	v12 =	vor.u32 v4, v12  }
0x193: {  	v14 =	vshll.u32 v14, $0x7;
	v13 =	vor.u32 v5, v13  }
0x194: {  	v15 =	vshll.u32 v15, $0x7;
	v14 =	vor.u32 v6, v14  }
0x195: {  	v52 =	vshll.u32 v16, $0x7;
	[tilespmem:v10+s23+$0x0] =	vst.idx.msk $0xffff, v1;
	v10 =	vor.u32 v7, v15  }
0x196: {  	v53 =	vshll.u32 v17, $0x7;
	[tilespmem:v11+s23+$0x0] =	vst.idx.msk $0xffff, v1;
	v11 =	vor.u32 v8, v52  }
0x197: {  	v54 =	vor.u32 v9, v53;
	[tilespmem:v12+s23+$0x0] =	vst.idx.msk $0xffff, v1  }
0x198: {  	[tilespmem:v13+s23+$0x0] =	vst.idx.msk $0xffff, v1  }
0x199: {  	[tilespmem:v14+s23+$0x0] =	vst.idx.msk $0xffff, v1  }
0x19a: {  	[tilespmem:v10+s23+$0x0] =	vst.idx.msk $0xffff, v1  }
0x19b: {  	[tilespmem:v11+s23+$0x0] =	vst.idx.msk $0xffff, v1  }
0x19c: {  	s30 =	simm.s32 $0x0;
	[tilespmem:v54+s23+$0x0] =	vst.idx.msk $0xffff, v1  }
0x19d: {  	[tilespmem:s30], [sflag:$0x1] =	stream.strided.gather [hbm4b:s7+s20], $0x800, s21, s20, $0x38;
	v63 =	vld [tilespmem:$0x0]  }
0x19e: {  	_ =	swait.ge [sflag:s22], $0x800  }
0x19f: {  	[sflag:s22] =	ssyncset.done $0x0  }
0x1a0: {  	s31 =	simm.s32 $0x0;
	[sflag:s22] =	ssyncadd.s32 $0xFFFFF800  }
0x1a1: {  	v10 =	vld [tilespmem:s31+$0x0]  }
0x1a2: {  	v11 =	vld [tilespmem:s31+$0x10]  }
0x1a3: {  	v55 =	vld [tilespmem:s31+$0x20]  }
0x1a4: {  	v56 =	vld [tilespmem:s31+$0x30]  }
0x1a5: {  	v57 =	vld [tilespmem:s31+$0x40]  }
0x1a6: {  	v58 =	vld [tilespmem:s31+$0x50];
	v10 =	vshll.u32 v10, $0x7  }
0x1a7: {  	v11 =	vshll.u32 v11, $0x7;
	v10 =	vor.u32 v0, v10  }
0x1a8: {  	v12 =	vshll.u32 v55, $0x7;
	v11 =	vor.u32 v3, v11  }
0x1a9: {  	v59 =	vld [tilespmem:s31+$0x60];
	v13 =	vshll.u32 v56, $0x7;
	v12 =	vor.u32 v4, v12  }
0x1aa: {  	v14 =	vshll.u32 v57, $0x7;
	v13 =	vor.u32 v5, v13  }
0x1ab: {  	v60 =	vld [tilespmem:s31+$0x70];
	v15 =	vshll.u32 v58, $0x7;
	v14 =	vor.u32 v6, v14  }
0x1ac: {  	[tilespmem:v10+s23+$0x0] =	vst.idx.msk $0xffff, v2;
	v10 =	vor.u32 v7, v15  }
0x1ad: {  	[tilespmem:v11+s23+$0x0] =	vst.idx.msk $0xffff, v2  }
0x1ae: {  	v61 =	vshll.u32 v59, $0x7;
	[tilespmem:v12+s23+$0x0] =	vst.idx.msk $0xffff, v2  }
0x1af: {  	v11 =	vor.u32 v8, v61;
	[tilespmem:v13+s23+$0x0] =	vst.idx.msk $0xffff, v2  }
0x1b0: {  	v62 =	vshll.u32 v60, $0x7;
	[tilespmem:v14+s23+$0x0] =	vst.idx.msk $0xffff, v2  }
0x1b1: {  	[tilespmem:v10+s23+$0x0] =	vst.idx.msk $0xffff, v2;
	v10 =	vor.u32 v9, v62;
	_ =	sdelay $0x2  }
0x1b2: {  	s26 =	simm.s32 $0x400;
	s25 =	simm.s32 $0x200;
	[tilespmem:v11+s23+$0x0] =	vst.idx.msk $0xffff, v2  }
.LBB2_16:
0x1b3: {  	p0 =	sne.s32 s26, $0x1E00  }
0x1b4: {  	s28 =	sshra.s32 s25, $0x2;
	[tilespmem:v10+s23+$0x0] =	vst.idx.msk $0xffff, v2;
	s25 =	smov.u32 s26;
	s26 =	sadd.s32 $0x200, s26  }
0x1b5: {  	v10 =	vld [tilespmem:s28+$0x0]  }
0x1b6: {  	v11 =	vld [tilespmem:s28+$0x10]  }
0x1b7: {  	v12 =	vld [tilespmem:s28+$0x20]  }
0x1b8: {  	v13 =	vld [tilespmem:s28+$0x30]  }
0x1b9: {  	v14 =	vld [tilespmem:s28+$0x40]  }
0x1ba: {  	v15 =	vld [tilespmem:s28+$0x50];
	v10 =	vshll.u32 v10, $0x7  }
0x1bb: {  	v16 =	vld [tilespmem:s28+$0x60];
	v10 =	vor.u32 v0, v10;
	v11 =	vshll.u32 v11, $0x7  }
0x1bc: {  	v17 =	vld [tilespmem:s28+$0x70];
	v11 =	vor.u32 v3, v11;
	v12 =	vshll.u32 v12, $0x7  }
0x1bd: {  	v12 =	vor.u32 v4, v12;
	v13 =	vshll.u32 v13, $0x7  }
0x1be: {  	v13 =	vor.u32 v5, v13;
	v14 =	vshll.u32 v14, $0x7  }
0x1bf: {  	v14 =	vor.u32 v6, v14;
	v15 =	vshll.u32 v15, $0x7  }
0x1c0: {  	[tilespmem:v10+s23+$0x0] =	vst.idx.msk $0xffff, v2;
	v15 =	vor.u32 v7, v15;
	v10 =	vshll.u32 v16, $0x7  }
0x1c1: {  	[tilespmem:v11+s23+$0x0] =	vst.idx.msk $0xffff, v2;
	v11 =	vor.u32 v8, v10;
	v10 =	vshll.u32 v17, $0x7  }
.Ltmp7:
0x1c2: {  	[tilespmem:v12+s23+$0x0] =	vst.idx.msk $0xffff, v2;
	v10 =	vor.u32 v9, v10;
	(pc) =	sbr.rel @p0 .LBB2_16-.Ltmp7, $4  }
0x1c3: {  	[tilespmem:v13+s23+$0x0] =	vst.idx.msk $0xffff, v2  }
0x1c4: {  	[tilespmem:v14+s23+$0x0] =	vst.idx.msk $0xffff, v2  }
0x1c5: {  	[tilespmem:v15+s23+$0x0] =	vst.idx.msk $0xffff, v2  }
0x1c6: {  	[tilespmem:v11+s23+$0x0] =	vst.idx.msk $0xffff, v2  }
0x1c7: {  	_ =	sdelay $0x3  }
0x1c8: {  	s25 =	sshra.s32 s25, $0x2;
	[tilespmem:v10+s23+$0x0] =	vst.idx.msk $0xffff, v2  }
0x1c9: {  	v10 =	vld [tilespmem:s25+$0x0]  }
0x1ca: {  	v11 =	vld [tilespmem:s25+$0x10]  }
0x1cb: {  	v12 =	vld [tilespmem:s25+$0x20]  }
0x1cc: {  	v13 =	vld [tilespmem:s25+$0x30]  }
0x1cd: {  	v14 =	vld [tilespmem:s25+$0x40]  }
0x1ce: {  	v15 =	vld [tilespmem:s25+$0x50];
	v10 =	vshll.u32 v10, $0x7  }
0x1cf: {  	v16 =	vld [tilespmem:s25+$0x60];
	v11 =	vshll.u32 v11, $0x7;
	v10 =	vor.u32 v0, v10  }
0x1d0: {  	v17 =	vld [tilespmem:s25+$0x70];
	v12 =	vshll.u32 v12, $0x7;
	v11 =	vor.u32 v3, v11  }
0x1d1: {  	v13 =	vshll.u32 v13, $0x7;
	v12 =	vor.u32 v4, v12  }
0x1d2: {  	v14 =	vshll.u32 v14, $0x7;
	v13 =	vor.u32 v5, v13  }
0x1d3: {  	v15 =	vshll.u32 v15, $0x7;
	v14 =	vor.u32 v6, v14  }
0x1d4: {  	v52 =	vshll.u32 v16, $0x7;
	[tilespmem:v10+s23+$0x0] =	vst.idx.msk $0xffff, v2;
	v10 =	vor.u32 v7, v15  }
0x1d5: {  	v53 =	vshll.u32 v17, $0x7;
	[tilespmem:v11+s23+$0x0] =	vst.idx.msk $0xffff, v2;
	v11 =	vor.u32 v8, v52  }
0x1d6: {  	v54 =	vor.u32 v9, v53;
	[tilespmem:v12+s23+$0x0] =	vst.idx.msk $0xffff, v2  }
0x1d7: {  	[tilespmem:v13+s23+$0x0] =	vst.idx.msk $0xffff, v2  }
0x1d8: {  	[tilespmem:v14+s23+$0x0] =	vst.idx.msk $0xffff, v2  }
0x1d9: {  	[tilespmem:v10+s23+$0x0] =	vst.idx.msk $0xffff, v2  }
0x1da: {  	[tilespmem:v11+s23+$0x0] =	vst.idx.msk $0xffff, v2  }
0x1db: {  	s30 =	simm.s32 $0x0;
	[tilespmem:v54+s23+$0x0] =	vst.idx.msk $0xffff, v2  }
0x1dc: {  	[tilespmem:s30], [sflag:$0x1] =	stream.strided.gather [hbm4b:s8+s20], $0x800, s21, s20, $0x38;
	v63 =	vld [tilespmem:$0x0]  }
0x1dd: {  	_ =	swait.ge [sflag:s22], $0x800  }
0x1de: {  	[sflag:s22] =	ssyncset.done $0x0  }
0x1df: {  	s31 =	simm.s32 $0x0;
	[sflag:s22] =	ssyncadd.s32 $0xFFFFF800  }
0x1e0: {  	v10 =	vld [tilespmem:s31+$0x0]  }
0x1e1: {  	v11 =	vld [tilespmem:s31+$0x10]  }
0x1e2: {  	v55 =	vld [tilespmem:s31+$0x20]  }
0x1e3: {  	v56 =	vld [tilespmem:s31+$0x30]  }
0x1e4: {  	v57 =	vld [tilespmem:s31+$0x40]  }
0x1e5: {  	v58 =	vld [tilespmem:s31+$0x50];
	v10 =	vshll.u32 v10, $0x7  }
0x1e6: {  	v11 =	vshll.u32 v11, $0x7;
	v10 =	vor.u32 v0, v10  }
0x1e7: {  	v12 =	vshll.u32 v55, $0x7;
	v11 =	vor.u32 v3, v11  }
0x1e8: {  	v59 =	vld [tilespmem:s31+$0x60];
	v13 =	vshll.u32 v56, $0x7;
	v12 =	vor.u32 v4, v12  }
0x1e9: {  	v14 =	vshll.u32 v57, $0x7;
	v13 =	vor.u32 v5, v13  }
0x1ea: {  	v60 =	vld [tilespmem:s31+$0x70];
	v15 =	vshll.u32 v58, $0x7;
	v14 =	vor.u32 v6, v14  }
0x1eb: {  	[tilespmem:v10+s23+$0x0] =	vst.idx.msk $0xffff, v2;
	v10 =	vor.u32 v7, v15  }
0x1ec: {  	[tilespmem:v11+s23+$0x0] =	vst.idx.msk $0xffff, v2  }
0x1ed: {  	v61 =	vshll.u32 v59, $0x7;
	[tilespmem:v12+s23+$0x0] =	vst.idx.msk $0xffff, v2  }
0x1ee: {  	v11 =	vor.u32 v8, v61;
	[tilespmem:v13+s23+$0x0] =	vst.idx.msk $0xffff, v2  }
0x1ef: {  	v62 =	vshll.u32 v60, $0x7;
	[tilespmem:v14+s23+$0x0] =	vst.idx.msk $0xffff, v2  }
0x1f0: {  	[tilespmem:v10+s23+$0x0] =	vst.idx.msk $0xffff, v2;
	v10 =	vor.u32 v9, v62;
	_ =	sdelay $0x2  }
0x1f1: {  	s26 =	simm.s32 $0x400;
	s25 =	simm.s32 $0x200;
	[tilespmem:v11+s23+$0x0] =	vst.idx.msk $0xffff, v2  }
.LBB2_18:
0x1f2: {  	p0 =	sne.s32 s26, $0x1E00  }
0x1f3: {  	s28 =	sshra.s32 s25, $0x2;
	[tilespmem:v10+s23+$0x0] =	vst.idx.msk $0xffff, v2;
	s25 =	smov.u32 s26;
	s26 =	sadd.s32 $0x200, s26  }
0x1f4: {  	v10 =	vld [tilespmem:s28+$0x0]  }
0x1f5: {  	v11 =	vld [tilespmem:s28+$0x10]  }
0x1f6: {  	v12 =	vld [tilespmem:s28+$0x20]  }
0x1f7: {  	v13 =	vld [tilespmem:s28+$0x30]  }
0x1f8: {  	v14 =	vld [tilespmem:s28+$0x40]  }
0x1f9: {  	v15 =	vld [tilespmem:s28+$0x50];
	v10 =	vshll.u32 v10, $0x7  }
0x1fa: {  	v16 =	vld [tilespmem:s28+$0x60];
	v10 =	vor.u32 v0, v10;
	v11 =	vshll.u32 v11, $0x7  }
0x1fb: {  	v17 =	vld [tilespmem:s28+$0x70];
	v11 =	vor.u32 v3, v11;
	v12 =	vshll.u32 v12, $0x7  }
0x1fc: {  	v12 =	vor.u32 v4, v12;
	v13 =	vshll.u32 v13, $0x7  }
0x1fd: {  	v13 =	vor.u32 v5, v13;
	v14 =	vshll.u32 v14, $0x7  }
0x1fe: {  	v14 =	vor.u32 v6, v14;
	v15 =	vshll.u32 v15, $0x7  }
0x1ff: {  	[tilespmem:v10+s23+$0x0] =	vst.idx.msk $0xffff, v2;
	v15 =	vor.u32 v7, v15;
	v10 =	vshll.u32 v16, $0x7  }
0x200: {  	[tilespmem:v11+s23+$0x0] =	vst.idx.msk $0xffff, v2;
	v11 =	vor.u32 v8, v10;
	v10 =	vshll.u32 v17, $0x7  }
.Ltmp8:
0x201: {  	[tilespmem:v12+s23+$0x0] =	vst.idx.msk $0xffff, v2;
	v10 =	vor.u32 v9, v10;
	(pc) =	sbr.rel @p0 .LBB2_18-.Ltmp8, $4  }
0x202: {  	[tilespmem:v13+s23+$0x0] =	vst.idx.msk $0xffff, v2  }
0x203: {  	[tilespmem:v14+s23+$0x0] =	vst.idx.msk $0xffff, v2  }
0x204: {  	[tilespmem:v15+s23+$0x0] =	vst.idx.msk $0xffff, v2  }
0x205: {  	[tilespmem:v11+s23+$0x0] =	vst.idx.msk $0xffff, v2  }
0x206: {  	_ =	sdelay $0x3  }
0x207: {  	s25 =	sshra.s32 s25, $0x2;
	[tilespmem:v10+s23+$0x0] =	vst.idx.msk $0xffff, v2  }
0x208: {  	v10 =	vld [tilespmem:s25+$0x0]  }
0x209: {  	v11 =	vld [tilespmem:s25+$0x10]  }
0x20a: {  	v12 =	vld [tilespmem:s25+$0x20]  }
0x20b: {  	v13 =	vld [tilespmem:s25+$0x30]  }
0x20c: {  	v14 =	vld [tilespmem:s25+$0x40]  }
0x20d: {  	v15 =	vld [tilespmem:s25+$0x50];
	v10 =	vshll.u32 v10, $0x7  }
0x20e: {  	v16 =	vld [tilespmem:s25+$0x60];
	v11 =	vshll.u32 v11, $0x7;
	v10 =	vor.u32 v0, v10  }
0x20f: {  	v17 =	vld [tilespmem:s25+$0x70];
	v12 =	vshll.u32 v12, $0x7;
	v11 =	vor.u32 v3, v11  }
0x210: {  	v13 =	vshll.u32 v13, $0x7;
	v12 =	vor.u32 v4, v12  }
0x211: {  	v14 =	vshll.u32 v14, $0x7;
	v13 =	vor.u32 v5, v13  }
0x212: {  	v15 =	vshll.u32 v15, $0x7;
	v14 =	vor.u32 v6, v14  }
0x213: {  	v52 =	vshll.u32 v16, $0x7;
	[tilespmem:v10+s23+$0x0] =	vst.idx.msk $0xffff, v2;
	v10 =	vor.u32 v7, v15  }
0x214: {  	v53 =	vshll.u32 v17, $0x7;
	[tilespmem:v11+s23+$0x0] =	vst.idx.msk $0xffff, v2;
	v11 =	vor.u32 v8, v52  }
0x215: {  	v54 =	vor.u32 v9, v53;
	[tilespmem:v12+s23+$0x0] =	vst.idx.msk $0xffff, v2  }
0x216: {  	[tilespmem:v13+s23+$0x0] =	vst.idx.msk $0xffff, v2  }
0x217: {  	[tilespmem:v14+s23+$0x0] =	vst.idx.msk $0xffff, v2  }
0x218: {  	[tilespmem:v10+s23+$0x0] =	vst.idx.msk $0xffff, v2  }
0x219: {  	[tilespmem:v11+s23+$0x0] =	vst.idx.msk $0xffff, v2  }
0x21a: {  	s30 =	simm.s32 $0x0;
	[tilespmem:v54+s23+$0x0] =	vst.idx.msk $0xffff, v2  }
0x21b: {  	[tilespmem:s30], [sflag:$0x1] =	stream.strided.gather [hbm4b:s9+s20], $0x800, s21, s20, $0x38;
	v63 =	vld [tilespmem:$0x0]  }
0x21c: {  	s26 =	sadd.s32 $0x8000, s9  }
0x21d: {  	[tilespmem:s24], [sflag:$0x1] =	stream.linear.gather [hbm4b:s26+s30], $0x100, $0x38;
	v63 =	vld [tilespmem:$0x0]  }
0x21e: {  	_ =	swait.ge [sflag:s22], $0x900  }
0x21f: {  	[sflag:s22] =	ssyncset.done $0x0  }
0x220: {  	s31 =	simm.s32 $0x0;
	[sflag:s22] =	ssyncadd.s32 $0xFFFFF700  }
0x221: {  	v10 =	vld [tilespmem:s31+$0x0]  }
0x222: {  	v11 =	vld [tilespmem:s31+$0x10]  }
0x223: {  	v55 =	vld [tilespmem:s31+$0x20]  }
0x224: {  	v56 =	vld [tilespmem:s31+$0x30]  }
0x225: {  	v57 =	vld [tilespmem:s31+$0x40]  }
0x226: {  	v58 =	vld [tilespmem:s31+$0x50];
	v10 =	vshll.u32 v10, $0x7  }
0x227: {  	v11 =	vshll.u32 v11, $0x7;
	v10 =	vor.u32 v0, v10  }
0x228: {  	v12 =	vshll.u32 v55, $0x7;
	v11 =	vor.u32 v3, v11  }
0x229: {  	v59 =	vld [tilespmem:s31+$0x60];
	v13 =	vshll.u32 v56, $0x7;
	v12 =	vor.u32 v4, v12  }
0x22a: {  	v14 =	vshll.u32 v57, $0x7;
	v13 =	vor.u32 v5, v13  }
0x22b: {  	v60 =	vld [tilespmem:s31+$0x70];
	v15 =	vshll.u32 v58, $0x7;
	v14 =	vor.u32 v6, v14  }
0x22c: {  	[tilespmem:v10+s23+$0x0] =	vst.idx.msk $0xffff, v2;
	v10 =	vor.u32 v7, v15  }
0x22d: {  	[tilespmem:v11+s23+$0x0] =	vst.idx.msk $0xffff, v2  }
0x22e: {  	v61 =	vshll.u32 v59, $0x7;
	[tilespmem:v12+s23+$0x0] =	vst.idx.msk $0xffff, v2  }
0x22f: {  	v11 =	vor.u32 v8, v61;
	[tilespmem:v13+s23+$0x0] =	vst.idx.msk $0xffff, v2  }
0x230: {  	v62 =	vshll.u32 v60, $0x7;
	[tilespmem:v14+s23+$0x0] =	vst.idx.msk $0xffff, v2  }
0x231: {  	[tilespmem:v10+s23+$0x0] =	vst.idx.msk $0xffff, v2;
	v10 =	vor.u32 v9, v62;
	_ =	sdelay $0x2  }
0x232: {  	s25 =	simm.s32 $0x200;
	s26 =	simm.s32 $0x400;
	[tilespmem:v11+s23+$0x0] =	vst.idx.msk $0xffff, v2  }
.LBB2_20:
0x233: {  	p0 =	sne.s32 s26, $0x2200  }
0x234: {  	s28 =	sshra.s32 s25, $0x2;
	[tilespmem:v10+s23+$0x0] =	vst.idx.msk $0xffff, v2;
	s25 =	smov.u32 s26;
	s26 =	sadd.s32 $0x200, s26  }
0x235: {  	v10 =	vld [tilespmem:s28+$0x0]  }
0x236: {  	v11 =	vld [tilespmem:s28+$0x10]  }
0x237: {  	v12 =	vld [tilespmem:s28+$0x20]  }
0x238: {  	v13 =	vld [tilespmem:s28+$0x30]  }
0x239: {  	v14 =	vld [tilespmem:s28+$0x40]  }
0x23a: {  	v15 =	vld [tilespmem:s28+$0x50];
	v10 =	vshll.u32 v10, $0x7  }
0x23b: {  	v16 =	vld [tilespmem:s28+$0x60];
	v10 =	vor.u32 v0, v10;
	v11 =	vshll.u32 v11, $0x7  }
0x23c: {  	v17 =	vld [tilespmem:s28+$0x70];
	v11 =	vor.u32 v3, v11;
	v12 =	vshll.u32 v12, $0x7  }
0x23d: {  	v12 =	vor.u32 v4, v12;
	v13 =	vshll.u32 v13, $0x7  }
0x23e: {  	v13 =	vor.u32 v5, v13;
	v14 =	vshll.u32 v14, $0x7  }
0x23f: {  	v14 =	vor.u32 v6, v14;
	v15 =	vshll.u32 v15, $0x7  }
0x240: {  	[tilespmem:v10+s23+$0x0] =	vst.idx.msk $0xffff, v2;
	v15 =	vor.u32 v7, v15;
	v10 =	vshll.u32 v16, $0x7  }
0x241: {  	[tilespmem:v11+s23+$0x0] =	vst.idx.msk $0xffff, v2;
	v11 =	vor.u32 v8, v10;
	v10 =	vshll.u32 v17, $0x7  }
.Ltmp9:
0x242: {  	[tilespmem:v12+s23+$0x0] =	vst.idx.msk $0xffff, v2;
	v10 =	vor.u32 v9, v10;
	(pc) =	sbr.rel @p0 .LBB2_20-.Ltmp9, $4  }
0x243: {  	[tilespmem:v13+s23+$0x0] =	vst.idx.msk $0xffff, v2  }
0x244: {  	[tilespmem:v14+s23+$0x0] =	vst.idx.msk $0xffff, v2  }
0x245: {  	[tilespmem:v15+s23+$0x0] =	vst.idx.msk $0xffff, v2  }
0x246: {  	[tilespmem:v11+s23+$0x0] =	vst.idx.msk $0xffff, v2  }
0x247: {  	_ =	sdelay $0x3  }
0x248: {  	s25 =	sshra.s32 s25, $0x2;
	[tilespmem:v10+s23+$0x0] =	vst.idx.msk $0xffff, v2  }
0x249: {  	v10 =	vld [tilespmem:s25+$0x0]  }
0x24a: {  	v11 =	vld [tilespmem:s25+$0x10]  }
0x24b: {  	v12 =	vld [tilespmem:s25+$0x20]  }
0x24c: {  	v13 =	vld [tilespmem:s25+$0x30]  }
0x24d: {  	v14 =	vld [tilespmem:s25+$0x40]  }
0x24e: {  	v15 =	vld [tilespmem:s25+$0x50];
	v10 =	vshll.u32 v10, $0x7  }
0x24f: {  	v16 =	vld [tilespmem:s25+$0x60];
	v11 =	vshll.u32 v11, $0x7;
	v10 =	vor.u32 v0, v10  }
0x250: {  	v17 =	vld [tilespmem:s25+$0x70];
	v12 =	vshll.u32 v12, $0x7;
	v11 =	vor.u32 v3, v11  }
0x251: {  	v13 =	vshll.u32 v13, $0x7;
	v12 =	vor.u32 v4, v12  }
0x252: {  	v14 =	vshll.u32 v14, $0x7;
	v13 =	vor.u32 v5, v13  }
0x253: {  	v15 =	vshll.u32 v15, $0x7;
	v14 =	vor.u32 v6, v14  }
0x254: {  	v52 =	vshll.u32 v16, $0x7;
	[tilespmem:v10+s23+$0x0] =	vst.idx.msk $0xffff, v2;
	v10 =	vor.u32 v7, v15  }
0x255: {  	v53 =	vshll.u32 v17, $0x7;
	[tilespmem:v11+s23+$0x0] =	vst.idx.msk $0xffff, v2;
	v11 =	vor.u32 v8, v52  }
0x256: {  	v54 =	vor.u32 v9, v53;
	[tilespmem:v12+s23+$0x0] =	vst.idx.msk $0xffff, v2  }
0x257: {  	[tilespmem:v13+s23+$0x0] =	vst.idx.msk $0xffff, v2  }
0x258: {  	[tilespmem:v14+s23+$0x0] =	vst.idx.msk $0xffff, v2  }
0x259: {  	[tilespmem:v10+s23+$0x0] =	vst.idx.msk $0xffff, v2  }
0x25a: {  	[tilespmem:v11+s23+$0x0] =	vst.idx.msk $0xffff, v2  }
0x25b: {  	[tilespmem:v54+s23+$0x0] =	vst.idx.msk $0xffff, v2  }
0x25c: {  	[hbm4b:s10+s20] =	stream.strided.scatter [tilespmem:s23], [sflag:$0x1], $0x1F400, s21, s20, $0x38;
	v63 =	vld [tilespmem:$0x0]  }
0x25d: {  	_ =	swait.ge [sflag:s22], $0x1F400  }
0x25e: {  	[sflag:s22] =	ssyncset.done $0x0  }
0x25f: {  	s31 =	simm.s32 $0x0;
	[sflag:s22] =	ssyncadd.s32 $0xFFFE0C00  }
0x260: {  	v10 =	vld [tilespmem:s31+$0x0]  }
0x261: {  	v11 =	vld [tilespmem:s31+$0x10]  }
0x262: {  	v55 =	vld [tilespmem:s31+$0x20]  }
0x263: {  	v56 =	vld [tilespmem:s31+$0x30]  }
0x264: {  	v57 =	vld [tilespmem:s31+$0x40]  }
0x265: {  	v58 =	vld [tilespmem:s31+$0x50];
	v10 =	vshll.u32 v10, $0x7  }
0x266: {  	v11 =	vshll.u32 v11, $0x7;
	v10 =	vor.u32 v0, v10  }
0x267: {  	v12 =	vshll.u32 v55, $0x7;
	v11 =	vor.u32 v3, v11  }
0x268: {  	v59 =	vld [tilespmem:s31+$0x60];
	v13 =	vshll.u32 v56, $0x7;
	v12 =	vor.u32 v4, v12  }
0x269: {  	v14 =	vshll.u32 v57, $0x7;
	v13 =	vor.u32 v5, v13  }
0x26a: {  	v60 =	vld [tilespmem:s31+$0x70];
	v15 =	vshll.u32 v58, $0x7;
	v14 =	vor.u32 v6, v14  }
0x26b: {  	[tilespmem:v10+s23+$0x0] =	vst.idx.msk $0xffff, v1;
	v10 =	vor.u32 v7, v15  }
0x26c: {  	[tilespmem:v11+s23+$0x0] =	vst.idx.msk $0xffff, v1  }
0x26d: {  	v61 =	vshll.u32 v59, $0x7;
	[tilespmem:v12+s23+$0x0] =	vst.idx.msk $0xffff, v1  }
0x26e: {  	v11 =	vor.u32 v8, v61;
	[tilespmem:v13+s23+$0x0] =	vst.idx.msk $0xffff, v1  }
0x26f: {  	v62 =	vshll.u32 v60, $0x7;
	[tilespmem:v14+s23+$0x0] =	vst.idx.msk $0xffff, v1  }
0x270: {  	[tilespmem:v10+s23+$0x0] =	vst.idx.msk $0xffff, v1;
	v10 =	vor.u32 v9, v62;
	_ =	sdelay $0x2  }
0x271: {  	s26 =	simm.s32 $0x400;
	s25 =	simm.s32 $0x200;
	[tilespmem:v11+s23+$0x0] =	vst.idx.msk $0xffff, v1  }
.LBB2_22:
0x272: {  	p0 =	sne.s32 s26, $0x2200  }
0x273: {  	s28 =	sshra.s32 s25, $0x2;
	[tilespmem:v10+s23+$0x0] =	vst.idx.msk $0xffff, v1;
	s25 =	smov.u32 s26;
	s26 =	sadd.s32 $0x200, s26  }
0x274: {  	v10 =	vld [tilespmem:s28+$0x0]  }
0x275: {  	v11 =	vld [tilespmem:s28+$0x10]  }
0x276: {  	v12 =	vld [tilespmem:s28+$0x20]  }
0x277: {  	v13 =	vld [tilespmem:s28+$0x30]  }
0x278: {  	v14 =	vld [tilespmem:s28+$0x40]  }
0x279: {  	v15 =	vld [tilespmem:s28+$0x50];
	v10 =	vshll.u32 v10, $0x7  }
0x27a: {  	v16 =	vld [tilespmem:s28+$0x60];
	v10 =	vor.u32 v0, v10;
	v11 =	vshll.u32 v11, $0x7  }
0x27b: {  	v17 =	vld [tilespmem:s28+$0x70];
	v11 =	vor.u32 v3, v11;
	v12 =	vshll.u32 v12, $0x7  }
0x27c: {  	v12 =	vor.u32 v4, v12;
	v13 =	vshll.u32 v13, $0x7  }
0x27d: {  	v13 =	vor.u32 v5, v13;
	v14 =	vshll.u32 v14, $0x7  }
0x27e: {  	v14 =	vor.u32 v6, v14;
	v15 =	vshll.u32 v15, $0x7  }
0x27f: {  	[tilespmem:v10+s23+$0x0] =	vst.idx.msk $0xffff, v1;
	v15 =	vor.u32 v7, v15;
	v10 =	vshll.u32 v16, $0x7  }
0x280: {  	[tilespmem:v11+s23+$0x0] =	vst.idx.msk $0xffff, v1;
	v11 =	vor.u32 v8, v10;
	v10 =	vshll.u32 v17, $0x7  }
.Ltmp10:
0x281: {  	[tilespmem:v12+s23+$0x0] =	vst.idx.msk $0xffff, v1;
	v10 =	vor.u32 v9, v10;
	(pc) =	sbr.rel @p0 .LBB2_22-.Ltmp10, $4  }
0x282: {  	[tilespmem:v13+s23+$0x0] =	vst.idx.msk $0xffff, v1  }
0x283: {  	[tilespmem:v14+s23+$0x0] =	vst.idx.msk $0xffff, v1  }
0x284: {  	[tilespmem:v15+s23+$0x0] =	vst.idx.msk $0xffff, v1  }
0x285: {  	[tilespmem:v11+s23+$0x0] =	vst.idx.msk $0xffff, v1  }
0x286: {  	_ =	sdelay $0x3  }
0x287: {  	s25 =	sshra.s32 s25, $0x2;
	[tilespmem:v10+s23+$0x0] =	vst.idx.msk $0xffff, v1  }
0x288: {  	v10 =	vld [tilespmem:s25+$0x0]  }
0x289: {  	v11 =	vld [tilespmem:s25+$0x10]  }
0x28a: {  	v12 =	vld [tilespmem:s25+$0x20]  }
0x28b: {  	v13 =	vld [tilespmem:s25+$0x30]  }
0x28c: {  	v14 =	vld [tilespmem:s25+$0x40]  }
0x28d: {  	v15 =	vld [tilespmem:s25+$0x50];
	v10 =	vshll.u32 v10, $0x7  }
0x28e: {  	v16 =	vld [tilespmem:s25+$0x60];
	v11 =	vshll.u32 v11, $0x7;
	v10 =	vor.u32 v0, v10  }
0x28f: {  	v17 =	vld [tilespmem:s25+$0x70];
	v12 =	vshll.u32 v12, $0x7;
	v11 =	vor.u32 v3, v11  }
0x290: {  	v13 =	vshll.u32 v13, $0x7;
	v12 =	vor.u32 v4, v12  }
0x291: {  	v14 =	vshll.u32 v14, $0x7;
	v13 =	vor.u32 v5, v13  }
0x292: {  	v15 =	vshll.u32 v15, $0x7;
	v14 =	vor.u32 v6, v14  }
0x293: {  	v52 =	vshll.u32 v16, $0x7;
	[tilespmem:v10+s23+$0x0] =	vst.idx.msk $0xffff, v1;
	v10 =	vor.u32 v7, v15  }
0x294: {  	v53 =	vshll.u32 v17, $0x7;
	[tilespmem:v11+s23+$0x0] =	vst.idx.msk $0xffff, v1;
	v11 =	vor.u32 v8, v52  }
0x295: {  	v54 =	vor.u32 v9, v53;
	[tilespmem:v12+s23+$0x0] =	vst.idx.msk $0xffff, v1  }
0x296: {  	[tilespmem:v13+s23+$0x0] =	vst.idx.msk $0xffff, v1  }
0x297: {  	[tilespmem:v14+s23+$0x0] =	vst.idx.msk $0xffff, v1  }
0x298: {  	[tilespmem:v10+s23+$0x0] =	vst.idx.msk $0xffff, v1  }
0x299: {  	[tilespmem:v11+s23+$0x0] =	vst.idx.msk $0xffff, v1  }
0x29a: {  	s30 =	simm.s32 $0x0;
	[tilespmem:v54+s23+$0x0] =	vst.idx.msk $0xffff, v1  }
0x29b: {  	[tilespmem:s30], [sflag:$0x1] =	stream.strided.gather [hbm4b:s7+s20], $0x800, s21, s20, $0x38;
	v63 =	vld [tilespmem:$0x0]  }
0x29c: {  	_ =	swait.ge [sflag:s22], $0x800  }
0x29d: {  	[sflag:s22] =	ssyncset.done $0x0  }
0x29e: {  	s31 =	simm.s32 $0x0;
	[sflag:s22] =	ssyncadd.s32 $0xFFFFF800  }
0x29f: {  	v10 =	vld [tilespmem:s31+$0x0]  }
0x2a0: {  	v11 =	vld [tilespmem:s31+$0x10]  }
0x2a1: {  	v55 =	vld [tilespmem:s31+$0x20]  }
0x2a2: {  	v56 =	vld [tilespmem:s31+$0x30]  }
0x2a3: {  	v57 =	vld [tilespmem:s31+$0x40]  }
0x2a4: {  	v58 =	vld [tilespmem:s31+$0x50];
	v10 =	vshll.u32 v10, $0x7  }
0x2a5: {  	v11 =	vshll.u32 v11, $0x7;
	v10 =	vor.u32 v0, v10  }
0x2a6: {  	v12 =	vshll.u32 v55, $0x7;
	v11 =	vor.u32 v3, v11  }
0x2a7: {  	v59 =	vld [tilespmem:s31+$0x60];
	v13 =	vshll.u32 v56, $0x7;
	v12 =	vor.u32 v4, v12  }
0x2a8: {  	v14 =	vshll.u32 v57, $0x7;
	v13 =	vor.u32 v5, v13  }
0x2a9: {  	v60 =	vld [tilespmem:s31+$0x70];
	v15 =	vshll.u32 v58, $0x7;
	v14 =	vor.u32 v6, v14  }
0x2aa: {  	[tilespmem:v10+s23+$0x0] =	vst.idx.msk $0xffff, v1;
	v10 =	vor.u32 v7, v15  }
0x2ab: {  	[tilespmem:v11+s23+$0x0] =	vst.idx.msk $0xffff, v1  }
0x2ac: {  	v61 =	vshll.u32 v59, $0x7;
	[tilespmem:v12+s23+$0x0] =	vst.idx.msk $0xffff, v1  }
0x2ad: {  	v11 =	vor.u32 v8, v61;
	[tilespmem:v13+s23+$0x0] =	vst.idx.msk $0xffff, v1  }
0x2ae: {  	v62 =	vshll.u32 v60, $0x7;
	[tilespmem:v14+s23+$0x0] =	vst.idx.msk $0xffff, v1  }
0x2af: {  	[tilespmem:v10+s23+$0x0] =	vst.idx.msk $0xffff, v1;
	v10 =	vor.u32 v9, v62;
	_ =	sdelay $0x2  }
0x2b0: {  	s26 =	simm.s32 $0x400;
	s25 =	simm.s32 $0x200;
	[tilespmem:v11+s23+$0x0] =	vst.idx.msk $0xffff, v1  }
.LBB2_24:
0x2b1: {  	p0 =	sne.s32 s26, $0x1E00  }
0x2b2: {  	s28 =	sshra.s32 s25, $0x2;
	[tilespmem:v10+s23+$0x0] =	vst.idx.msk $0xffff, v1;
	s25 =	smov.u32 s26;
	s26 =	sadd.s32 $0x200, s26  }
0x2b3: {  	v10 =	vld [tilespmem:s28+$0x0]  }
0x2b4: {  	v11 =	vld [tilespmem:s28+$0x10]  }
0x2b5: {  	v12 =	vld [tilespmem:s28+$0x20]  }
0x2b6: {  	v13 =	vld [tilespmem:s28+$0x30]  }
0x2b7: {  	v14 =	vld [tilespmem:s28+$0x40]  }
0x2b8: {  	v15 =	vld [tilespmem:s28+$0x50];
	v10 =	vshll.u32 v10, $0x7  }
0x2b9: {  	v16 =	vld [tilespmem:s28+$0x60];
	v10 =	vor.u32 v0, v10;
	v11 =	vshll.u32 v11, $0x7  }
0x2ba: {  	v17 =	vld [tilespmem:s28+$0x70];
	v11 =	vor.u32 v3, v11;
	v12 =	vshll.u32 v12, $0x7  }
0x2bb: {  	v12 =	vor.u32 v4, v12;
	v13 =	vshll.u32 v13, $0x7  }
0x2bc: {  	v13 =	vor.u32 v5, v13;
	v14 =	vshll.u32 v14, $0x7  }
0x2bd: {  	v14 =	vor.u32 v6, v14;
	v15 =	vshll.u32 v15, $0x7  }
0x2be: {  	[tilespmem:v10+s23+$0x0] =	vst.idx.msk $0xffff, v1;
	v15 =	vor.u32 v7, v15;
	v10 =	vshll.u32 v16, $0x7  }
0x2bf: {  	[tilespmem:v11+s23+$0x0] =	vst.idx.msk $0xffff, v1;
	v11 =	vor.u32 v8, v10;
	v10 =	vshll.u32 v17, $0x7  }
.Ltmp11:
0x2c0: {  	[tilespmem:v12+s23+$0x0] =	vst.idx.msk $0xffff, v1;
	v10 =	vor.u32 v9, v10;
	(pc) =	sbr.rel @p0 .LBB2_24-.Ltmp11, $4  }
0x2c1: {  	[tilespmem:v13+s23+$0x0] =	vst.idx.msk $0xffff, v1  }
0x2c2: {  	[tilespmem:v14+s23+$0x0] =	vst.idx.msk $0xffff, v1  }
0x2c3: {  	[tilespmem:v15+s23+$0x0] =	vst.idx.msk $0xffff, v1  }
0x2c4: {  	[tilespmem:v11+s23+$0x0] =	vst.idx.msk $0xffff, v1  }
0x2c5: {  	_ =	sdelay $0x3  }
0x2c6: {  	s25 =	sshra.s32 s25, $0x2;
	[tilespmem:v10+s23+$0x0] =	vst.idx.msk $0xffff, v1  }
0x2c7: {  	v10 =	vld [tilespmem:s25+$0x0]  }
0x2c8: {  	v11 =	vld [tilespmem:s25+$0x10]  }
0x2c9: {  	v12 =	vld [tilespmem:s25+$0x20]  }
0x2ca: {  	v13 =	vld [tilespmem:s25+$0x30]  }
0x2cb: {  	v14 =	vld [tilespmem:s25+$0x40]  }
0x2cc: {  	v15 =	vld [tilespmem:s25+$0x50];
	v10 =	vshll.u32 v10, $0x7  }
0x2cd: {  	v16 =	vld [tilespmem:s25+$0x60];
	v11 =	vshll.u32 v11, $0x7;
	v10 =	vor.u32 v0, v10  }
0x2ce: {  	v17 =	vld [tilespmem:s25+$0x70];
	v12 =	vshll.u32 v12, $0x7;
	v11 =	vor.u32 v3, v11  }
0x2cf: {  	v13 =	vshll.u32 v13, $0x7;
	v12 =	vor.u32 v4, v12  }
0x2d0: {  	v14 =	vshll.u32 v14, $0x7;
	v13 =	vor.u32 v5, v13  }
0x2d1: {  	v15 =	vshll.u32 v15, $0x7;
	v14 =	vor.u32 v6, v14  }
0x2d2: {  	v52 =	vshll.u32 v16, $0x7;
	[tilespmem:v10+s23+$0x0] =	vst.idx.msk $0xffff, v1;
	v10 =	vor.u32 v7, v15  }
0x2d3: {  	v53 =	vshll.u32 v17, $0x7;
	[tilespmem:v11+s23+$0x0] =	vst.idx.msk $0xffff, v1;
	v11 =	vor.u32 v8, v52  }
0x2d4: {  	v54 =	vor.u32 v9, v53;
	[tilespmem:v12+s23+$0x0] =	vst.idx.msk $0xffff, v1  }
0x2d5: {  	[tilespmem:v13+s23+$0x0] =	vst.idx.msk $0xffff, v1  }
0x2d6: {  	[tilespmem:v14+s23+$0x0] =	vst.idx.msk $0xffff, v1  }
0x2d7: {  	[tilespmem:v10+s23+$0x0] =	vst.idx.msk $0xffff, v1  }
0x2d8: {  	[tilespmem:v11+s23+$0x0] =	vst.idx.msk $0xffff, v1  }
0x2d9: {  	s30 =	simm.s32 $0x0;
	[tilespmem:v54+s23+$0x0] =	vst.idx.msk $0xffff, v1  }
0x2da: {  	[tilespmem:s30], [sflag:$0x1] =	stream.strided.gather [hbm4b:s8+s20], $0x800, s21, s20, $0x38;
	v63 =	vld [tilespmem:$0x0]  }
0x2db: {  	_ =	swait.ge [sflag:s22], $0x800  }
0x2dc: {  	[sflag:s22] =	ssyncset.done $0x0  }
0x2dd: {  	s31 =	simm.s32 $0x0;
	[sflag:s22] =	ssyncadd.s32 $0xFFFFF800  }
0x2de: {  	v10 =	vld [tilespmem:s31+$0x0]  }
0x2df: {  	v11 =	vld [tilespmem:s31+$0x10]  }
0x2e0: {  	v55 =	vld [tilespmem:s31+$0x20]  }
0x2e1: {  	v56 =	vld [tilespmem:s31+$0x30]  }
0x2e2: {  	v57 =	vld [tilespmem:s31+$0x40]  }
0x2e3: {  	v58 =	vld [tilespmem:s31+$0x50];
	v10 =	vshll.u32 v10, $0x7  }
0x2e4: {  	v11 =	vshll.u32 v11, $0x7;
	v10 =	vor.u32 v0, v10  }
0x2e5: {  	v12 =	vshll.u32 v55, $0x7;
	v11 =	vor.u32 v3, v11  }
0x2e6: {  	v59 =	vld [tilespmem:s31+$0x60];
	v13 =	vshll.u32 v56, $0x7;
	v12 =	vor.u32 v4, v12  }
0x2e7: {  	v14 =	vshll.u32 v57, $0x7;
	v13 =	vor.u32 v5, v13  }
0x2e8: {  	v60 =	vld [tilespmem:s31+$0x70];
	v15 =	vshll.u32 v58, $0x7;
	v14 =	vor.u32 v6, v14  }
0x2e9: {  	[tilespmem:v10+s23+$0x0] =	vst.idx.msk $0xffff, v1;
	v10 =	vor.u32 v7, v15  }
0x2ea: {  	[tilespmem:v11+s23+$0x0] =	vst.idx.msk $0xffff, v1  }
0x2eb: {  	v61 =	vshll.u32 v59, $0x7;
	[tilespmem:v12+s23+$0x0] =	vst.idx.msk $0xffff, v1  }
0x2ec: {  	v11 =	vor.u32 v8, v61;
	[tilespmem:v13+s23+$0x0] =	vst.idx.msk $0xffff, v1  }
0x2ed: {  	v62 =	vshll.u32 v60, $0x7;
	[tilespmem:v14+s23+$0x0] =	vst.idx.msk $0xffff, v1  }
0x2ee: {  	[tilespmem:v10+s23+$0x0] =	vst.idx.msk $0xffff, v1;
	v10 =	vor.u32 v9, v62;
	_ =	sdelay $0x2  }
0x2ef: {  	s26 =	simm.s32 $0x400;
	s25 =	simm.s32 $0x200;
	[tilespmem:v11+s23+$0x0] =	vst.idx.msk $0xffff, v1  }
.LBB2_26:
0x2f0: {  	p0 =	sne.s32 s26, $0x1E00  }
0x2f1: {  	s28 =	sshra.s32 s25, $0x2;
	[tilespmem:v10+s23+$0x0] =	vst.idx.msk $0xffff, v1;
	s25 =	smov.u32 s26;
	s26 =	sadd.s32 $0x200, s26  }
0x2f2: {  	v10 =	vld [tilespmem:s28+$0x0]  }
0x2f3: {  	v11 =	vld [tilespmem:s28+$0x10]  }
0x2f4: {  	v12 =	vld [tilespmem:s28+$0x20]  }
0x2f5: {  	v13 =	vld [tilespmem:s28+$0x30]  }
0x2f6: {  	v14 =	vld [tilespmem:s28+$0x40]  }
0x2f7: {  	v15 =	vld [tilespmem:s28+$0x50];
	v10 =	vshll.u32 v10, $0x7  }
0x2f8: {  	v16 =	vld [tilespmem:s28+$0x60];
	v10 =	vor.u32 v0, v10;
	v11 =	vshll.u32 v11, $0x7  }
0x2f9: {  	v17 =	vld [tilespmem:s28+$0x70];
	v11 =	vor.u32 v3, v11;
	v12 =	vshll.u32 v12, $0x7  }
0x2fa: {  	v12 =	vor.u32 v4, v12;
	v13 =	vshll.u32 v13, $0x7  }
0x2fb: {  	v13 =	vor.u32 v5, v13;
	v14 =	vshll.u32 v14, $0x7  }
0x2fc: {  	v14 =	vor.u32 v6, v14;
	v15 =	vshll.u32 v15, $0x7  }
0x2fd: {  	[tilespmem:v10+s23+$0x0] =	vst.idx.msk $0xffff, v1;
	v15 =	vor.u32 v7, v15;
	v10 =	vshll.u32 v16, $0x7  }
0x2fe: {  	[tilespmem:v11+s23+$0x0] =	vst.idx.msk $0xffff, v1;
	v11 =	vor.u32 v8, v10;
	v10 =	vshll.u32 v17, $0x7  }
.Ltmp12:
0x2ff: {  	[tilespmem:v12+s23+$0x0] =	vst.idx.msk $0xffff, v1;
	v10 =	vor.u32 v9, v10;
	(pc) =	sbr.rel @p0 .LBB2_26-.Ltmp12, $4  }
0x300: {  	[tilespmem:v13+s23+$0x0] =	vst.idx.msk $0xffff, v1  }
0x301: {  	[tilespmem:v14+s23+$0x0] =	vst.idx.msk $0xffff, v1  }
0x302: {  	[tilespmem:v15+s23+$0x0] =	vst.idx.msk $0xffff, v1  }
0x303: {  	[tilespmem:v11+s23+$0x0] =	vst.idx.msk $0xffff, v1  }
0x304: {  	_ =	sdelay $0x3  }
0x305: {  	s25 =	sshra.s32 s25, $0x2;
	[tilespmem:v10+s23+$0x0] =	vst.idx.msk $0xffff, v1  }
0x306: {  	v10 =	vld [tilespmem:s25+$0x0]  }
0x307: {  	v11 =	vld [tilespmem:s25+$0x10]  }
0x308: {  	v12 =	vld [tilespmem:s25+$0x20]  }
0x309: {  	v13 =	vld [tilespmem:s25+$0x30]  }
0x30a: {  	v14 =	vld [tilespmem:s25+$0x40]  }
0x30b: {  	v15 =	vld [tilespmem:s25+$0x50];
	v10 =	vshll.u32 v10, $0x7  }
0x30c: {  	v16 =	vld [tilespmem:s25+$0x60];
	v11 =	vshll.u32 v11, $0x7;
	v10 =	vor.u32 v0, v10  }
0x30d: {  	v17 =	vld [tilespmem:s25+$0x70];
	v12 =	vshll.u32 v12, $0x7;
	v11 =	vor.u32 v3, v11  }
0x30e: {  	v13 =	vshll.u32 v13, $0x7;
	v12 =	vor.u32 v4, v12  }
0x30f: {  	v14 =	vshll.u32 v14, $0x7;
	v13 =	vor.u32 v5, v13  }
0x310: {  	v15 =	vshll.u32 v15, $0x7;
	v14 =	vor.u32 v6, v14  }
0x311: {  	v52 =	vshll.u32 v16, $0x7;
	[tilespmem:v10+s23+$0x0] =	vst.idx.msk $0xffff, v1;
	v10 =	vor.u32 v7, v15  }
0x312: {  	v53 =	vshll.u32 v17, $0x7;
	[tilespmem:v11+s23+$0x0] =	vst.idx.msk $0xffff, v1;
	v11 =	vor.u32 v8, v52  }
0x313: {  	v54 =	vor.u32 v9, v53;
	[tilespmem:v12+s23+$0x0] =	vst.idx.msk $0xffff, v1  }
0x314: {  	[tilespmem:v13+s23+$0x0] =	vst.idx.msk $0xffff, v1  }
0x315: {  	[tilespmem:v14+s23+$0x0] =	vst.idx.msk $0xffff, v1  }
0x316: {  	[tilespmem:v10+s23+$0x0] =	vst.idx.msk $0xffff, v1  }
0x317: {  	[tilespmem:v11+s23+$0x0] =	vst.idx.msk $0xffff, v1  }
0x318: {  	s30 =	simm.s32 $0x0;
	[tilespmem:v54+s23+$0x0] =	vst.idx.msk $0xffff, v1  }
0x319: {  	[tilespmem:s30], [sflag:$0x1] =	stream.strided.gather [hbm4b:s11+s20], $0x800, s21, s20, $0x38;
	v63 =	vld [tilespmem:$0x0]  }
0x31a: {  	_ =	swait.ge [sflag:s22], $0x800  }
0x31b: {  	[sflag:s22] =	ssyncset.done $0x0  }
0x31c: {  	s31 =	simm.s32 $0x0;
	[sflag:s22] =	ssyncadd.s32 $0xFFFFF800  }
0x31d: {  	v10 =	vld [tilespmem:s31+$0x0]  }
0x31e: {  	v11 =	vld [tilespmem:s31+$0x10]  }
0x31f: {  	v55 =	vld [tilespmem:s31+$0x20]  }
0x320: {  	v56 =	vld [tilespmem:s31+$0x30]  }
0x321: {  	v57 =	vld [tilespmem:s31+$0x40]  }
0x322: {  	v58 =	vld [tilespmem:s31+$0x50];
	v10 =	vshll.u32 v10, $0x7  }
0x323: {  	v11 =	vshll.u32 v11, $0x7;
	v10 =	vor.u32 v0, v10  }
0x324: {  	v12 =	vshll.u32 v55, $0x7;
	v11 =	vor.u32 v3, v11  }
0x325: {  	v59 =	vld [tilespmem:s31+$0x60];
	v13 =	vshll.u32 v56, $0x7;
	v12 =	vor.u32 v4, v12  }
0x326: {  	v14 =	vshll.u32 v57, $0x7;
	v13 =	vor.u32 v5, v13  }
0x327: {  	v60 =	vld [tilespmem:s31+$0x70];
	v15 =	vshll.u32 v58, $0x7;
	v14 =	vor.u32 v6, v14  }
0x328: {  	[tilespmem:v10+s23+$0x0] =	vst.idx.msk $0xffff, v2;
	v10 =	vor.u32 v7, v15  }
0x329: {  	[tilespmem:v11+s23+$0x0] =	vst.idx.msk $0xffff, v2  }
0x32a: {  	v61 =	vshll.u32 v59, $0x7;
	[tilespmem:v12+s23+$0x0] =	vst.idx.msk $0xffff, v2  }
0x32b: {  	v11 =	vor.u32 v8, v61;
	[tilespmem:v13+s23+$0x0] =	vst.idx.msk $0xffff, v2  }
0x32c: {  	v62 =	vshll.u32 v60, $0x7;
	[tilespmem:v14+s23+$0x0] =	vst.idx.msk $0xffff, v2  }
0x32d: {  	[tilespmem:v10+s23+$0x0] =	vst.idx.msk $0xffff, v2;
	v10 =	vor.u32 v9, v62;
	_ =	sdelay $0x2  }
0x32e: {  	s26 =	simm.s32 $0x400;
	s25 =	simm.s32 $0x200;
	[tilespmem:v11+s23+$0x0] =	vst.idx.msk $0xffff, v2  }
.LBB2_28:
0x32f: {  	p0 =	sne.s32 s26, $0x1E00  }
0x330: {  	s28 =	sshra.s32 s25, $0x2;
	[tilespmem:v10+s23+$0x0] =	vst.idx.msk $0xffff, v2;
	s25 =	smov.u32 s26;
	s26 =	sadd.s32 $0x200, s26  }
0x331: {  	v10 =	vld [tilespmem:s28+$0x0]  }
0x332: {  	v11 =	vld [tilespmem:s28+$0x10]  }
0x333: {  	v12 =	vld [tilespmem:s28+$0x20]  }
0x334: {  	v13 =	vld [tilespmem:s28+$0x30]  }
0x335: {  	v14 =	vld [tilespmem:s28+$0x40]  }
0x336: {  	v15 =	vld [tilespmem:s28+$0x50];
	v10 =	vshll.u32 v10, $0x7  }
0x337: {  	v16 =	vld [tilespmem:s28+$0x60];
	v10 =	vor.u32 v0, v10;
	v11 =	vshll.u32 v11, $0x7  }
0x338: {  	v17 =	vld [tilespmem:s28+$0x70];
	v11 =	vor.u32 v3, v11;
	v12 =	vshll.u32 v12, $0x7  }
0x339: {  	v12 =	vor.u32 v4, v12;
	v13 =	vshll.u32 v13, $0x7  }
0x33a: {  	v13 =	vor.u32 v5, v13;
	v14 =	vshll.u32 v14, $0x7  }
0x33b: {  	v14 =	vor.u32 v6, v14;
	v15 =	vshll.u32 v15, $0x7  }
0x33c: {  	[tilespmem:v10+s23+$0x0] =	vst.idx.msk $0xffff, v2;
	v15 =	vor.u32 v7, v15;
	v10 =	vshll.u32 v16, $0x7  }
0x33d: {  	[tilespmem:v11+s23+$0x0] =	vst.idx.msk $0xffff, v2;
	v11 =	vor.u32 v8, v10;
	v10 =	vshll.u32 v17, $0x7  }
.Ltmp13:
0x33e: {  	[tilespmem:v12+s23+$0x0] =	vst.idx.msk $0xffff, v2;
	v10 =	vor.u32 v9, v10;
	(pc) =	sbr.rel @p0 .LBB2_28-.Ltmp13, $4  }
0x33f: {  	[tilespmem:v13+s23+$0x0] =	vst.idx.msk $0xffff, v2  }
0x340: {  	[tilespmem:v14+s23+$0x0] =	vst.idx.msk $0xffff, v2  }
0x341: {  	[tilespmem:v15+s23+$0x0] =	vst.idx.msk $0xffff, v2  }
0x342: {  	[tilespmem:v11+s23+$0x0] =	vst.idx.msk $0xffff, v2  }
0x343: {  	_ =	sdelay $0x3  }
0x344: {  	s25 =	sshra.s32 s25, $0x2;
	[tilespmem:v10+s23+$0x0] =	vst.idx.msk $0xffff, v2  }
0x345: {  	v10 =	vld [tilespmem:s25+$0x0]  }
0x346: {  	v11 =	vld [tilespmem:s25+$0x10]  }
0x347: {  	v12 =	vld [tilespmem:s25+$0x20]  }
0x348: {  	v13 =	vld [tilespmem:s25+$0x30]  }
0x349: {  	v14 =	vld [tilespmem:s25+$0x40]  }
0x34a: {  	v15 =	vld [tilespmem:s25+$0x50];
	v10 =	vshll.u32 v10, $0x7  }
0x34b: {  	v16 =	vld [tilespmem:s25+$0x60];
	v11 =	vshll.u32 v11, $0x7;
	v10 =	vor.u32 v0, v10  }
0x34c: {  	v17 =	vld [tilespmem:s25+$0x70];
	v12 =	vshll.u32 v12, $0x7;
	v11 =	vor.u32 v3, v11  }
0x34d: {  	v13 =	vshll.u32 v13, $0x7;
	v12 =	vor.u32 v4, v12  }
0x34e: {  	v14 =	vshll.u32 v14, $0x7;
	v13 =	vor.u32 v5, v13  }
0x34f: {  	v15 =	vshll.u32 v15, $0x7;
	v14 =	vor.u32 v6, v14  }
0x350: {  	v52 =	vshll.u32 v16, $0x7;
	[tilespmem:v10+s23+$0x0] =	vst.idx.msk $0xffff, v2;
	v10 =	vor.u32 v7, v15  }
0x351: {  	v53 =	vshll.u32 v17, $0x7;
	[tilespmem:v11+s23+$0x0] =	vst.idx.msk $0xffff, v2;
	v11 =	vor.u32 v8, v52  }
0x352: {  	v54 =	vor.u32 v9, v53;
	[tilespmem:v12+s23+$0x0] =	vst.idx.msk $0xffff, v2  }
0x353: {  	[tilespmem:v13+s23+$0x0] =	vst.idx.msk $0xffff, v2  }
0x354: {  	[tilespmem:v14+s23+$0x0] =	vst.idx.msk $0xffff, v2  }
0x355: {  	[tilespmem:v10+s23+$0x0] =	vst.idx.msk $0xffff, v2  }
0x356: {  	[tilespmem:v11+s23+$0x0] =	vst.idx.msk $0xffff, v2  }
0x357: {  	s30 =	simm.s32 $0x0;
	[tilespmem:v54+s23+$0x0] =	vst.idx.msk $0xffff, v2  }
0x358: {  	[tilespmem:s30], [sflag:$0x1] =	stream.strided.gather [hbm4b:s12+s20], $0x800, s21, s20, $0x38;
	v63 =	vld [tilespmem:$0x0]  }
0x359: {  	_ =	swait.ge [sflag:s22], $0x800  }
0x35a: {  	[sflag:s22] =	ssyncset.done $0x0  }
0x35b: {  	s31 =	simm.s32 $0x0;
	[sflag:s22] =	ssyncadd.s32 $0xFFFFF800  }
0x35c: {  	v10 =	vld [tilespmem:s31+$0x0]  }
0x35d: {  	v11 =	vld [tilespmem:s31+$0x10]  }
0x35e: {  	v55 =	vld [tilespmem:s31+$0x20]  }
0x35f: {  	v56 =	vld [tilespmem:s31+$0x30]  }
0x360: {  	v57 =	vld [tilespmem:s31+$0x40]  }
0x361: {  	v58 =	vld [tilespmem:s31+$0x50];
	v10 =	vshll.u32 v10, $0x7  }
0x362: {  	v11 =	vshll.u32 v11, $0x7;
	v10 =	vor.u32 v0, v10  }
0x363: {  	v12 =	vshll.u32 v55, $0x7;
	v11 =	vor.u32 v3, v11  }
0x364: {  	v59 =	vld [tilespmem:s31+$0x60];
	v13 =	vshll.u32 v56, $0x7;
	v12 =	vor.u32 v4, v12  }
0x365: {  	v14 =	vshll.u32 v57, $0x7;
	v13 =	vor.u32 v5, v13  }
0x366: {  	v60 =	vld [tilespmem:s31+$0x70];
	v15 =	vshll.u32 v58, $0x7;
	v14 =	vor.u32 v6, v14  }
0x367: {  	[tilespmem:v10+s23+$0x0] =	vst.idx.msk $0xffff, v2;
	v10 =	vor.u32 v7, v15  }
0x368: {  	[tilespmem:v11+s23+$0x0] =	vst.idx.msk $0xffff, v2  }
0x369: {  	v61 =	vshll.u32 v59, $0x7;
	[tilespmem:v12+s23+$0x0] =	vst.idx.msk $0xffff, v2  }
0x36a: {  	v11 =	vor.u32 v8, v61;
	[tilespmem:v13+s23+$0x0] =	vst.idx.msk $0xffff, v2  }
0x36b: {  	v62 =	vshll.u32 v60, $0x7;
	[tilespmem:v14+s23+$0x0] =	vst.idx.msk $0xffff, v2  }
0x36c: {  	[tilespmem:v10+s23+$0x0] =	vst.idx.msk $0xffff, v2;
	v10 =	vor.u32 v9, v62;
	_ =	sdelay $0x2  }
0x36d: {  	s26 =	simm.s32 $0x400;
	s25 =	simm.s32 $0x200;
	[tilespmem:v11+s23+$0x0] =	vst.idx.msk $0xffff, v2  }
.LBB2_30:
0x36e: {  	p0 =	sne.s32 s26, $0x1E00  }
0x36f: {  	s28 =	sshra.s32 s25, $0x2;
	[tilespmem:v10+s23+$0x0] =	vst.idx.msk $0xffff, v2;
	s25 =	smov.u32 s26;
	s26 =	sadd.s32 $0x200, s26  }
0x370: {  	v10 =	vld [tilespmem:s28+$0x0]  }
0x371: {  	v11 =	vld [tilespmem:s28+$0x10]  }
0x372: {  	v12 =	vld [tilespmem:s28+$0x20]  }
0x373: {  	v13 =	vld [tilespmem:s28+$0x30]  }
0x374: {  	v14 =	vld [tilespmem:s28+$0x40]  }
0x375: {  	v15 =	vld [tilespmem:s28+$0x50];
	v10 =	vshll.u32 v10, $0x7  }
0x376: {  	v16 =	vld [tilespmem:s28+$0x60];
	v10 =	vor.u32 v0, v10;
	v11 =	vshll.u32 v11, $0x7  }
0x377: {  	v17 =	vld [tilespmem:s28+$0x70];
	v11 =	vor.u32 v3, v11;
	v12 =	vshll.u32 v12, $0x7  }
0x378: {  	v12 =	vor.u32 v4, v12;
	v13 =	vshll.u32 v13, $0x7  }
0x379: {  	v13 =	vor.u32 v5, v13;
	v14 =	vshll.u32 v14, $0x7  }
0x37a: {  	v14 =	vor.u32 v6, v14;
	v15 =	vshll.u32 v15, $0x7  }
0x37b: {  	[tilespmem:v10+s23+$0x0] =	vst.idx.msk $0xffff, v2;
	v15 =	vor.u32 v7, v15;
	v10 =	vshll.u32 v16, $0x7  }
0x37c: {  	[tilespmem:v11+s23+$0x0] =	vst.idx.msk $0xffff, v2;
	v11 =	vor.u32 v8, v10;
	v10 =	vshll.u32 v17, $0x7  }
.Ltmp14:
0x37d: {  	[tilespmem:v12+s23+$0x0] =	vst.idx.msk $0xffff, v2;
	v10 =	vor.u32 v9, v10;
	(pc) =	sbr.rel @p0 .LBB2_30-.Ltmp14, $4  }
0x37e: {  	[tilespmem:v13+s23+$0x0] =	vst.idx.msk $0xffff, v2  }
0x37f: {  	[tilespmem:v14+s23+$0x0] =	vst.idx.msk $0xffff, v2  }
0x380: {  	[tilespmem:v15+s23+$0x0] =	vst.idx.msk $0xffff, v2  }
0x381: {  	[tilespmem:v11+s23+$0x0] =	vst.idx.msk $0xffff, v2  }
0x382: {  	_ =	sdelay $0x3  }
0x383: {  	s25 =	sshra.s32 s25, $0x2;
	[tilespmem:v10+s23+$0x0] =	vst.idx.msk $0xffff, v2  }
0x384: {  	v10 =	vld [tilespmem:s25+$0x0]  }
0x385: {  	v11 =	vld [tilespmem:s25+$0x10]  }
0x386: {  	v12 =	vld [tilespmem:s25+$0x20]  }
0x387: {  	v13 =	vld [tilespmem:s25+$0x30]  }
0x388: {  	v14 =	vld [tilespmem:s25+$0x40]  }
0x389: {  	v15 =	vld [tilespmem:s25+$0x50];
	v10 =	vshll.u32 v10, $0x7  }
0x38a: {  	v16 =	vld [tilespmem:s25+$0x60];
	v11 =	vshll.u32 v11, $0x7;
	v10 =	vor.u32 v0, v10  }
0x38b: {  	v17 =	vld [tilespmem:s25+$0x70];
	v12 =	vshll.u32 v12, $0x7;
	v11 =	vor.u32 v3, v11  }
0x38c: {  	v13 =	vshll.u32 v13, $0x7;
	v12 =	vor.u32 v4, v12  }
0x38d: {  	v14 =	vshll.u32 v14, $0x7;
	v13 =	vor.u32 v5, v13  }
0x38e: {  	v15 =	vshll.u32 v15, $0x7;
	v14 =	vor.u32 v6, v14  }
0x38f: {  	v52 =	vshll.u32 v16, $0x7;
	[tilespmem:v10+s23+$0x0] =	vst.idx.msk $0xffff, v2;
	v10 =	vor.u32 v7, v15  }
0x390: {  	v53 =	vshll.u32 v17, $0x7;
	[tilespmem:v11+s23+$0x0] =	vst.idx.msk $0xffff, v2;
	v11 =	vor.u32 v8, v52  }
0x391: {  	v54 =	vor.u32 v9, v53;
	[tilespmem:v12+s23+$0x0] =	vst.idx.msk $0xffff, v2  }
0x392: {  	[tilespmem:v13+s23+$0x0] =	vst.idx.msk $0xffff, v2  }
0x393: {  	[tilespmem:v14+s23+$0x0] =	vst.idx.msk $0xffff, v2  }
0x394: {  	[tilespmem:v10+s23+$0x0] =	vst.idx.msk $0xffff, v2  }
0x395: {  	[tilespmem:v11+s23+$0x0] =	vst.idx.msk $0xffff, v2  }
0x396: {  	s30 =	simm.s32 $0x0;
	[tilespmem:v54+s23+$0x0] =	vst.idx.msk $0xffff, v2  }
0x397: {  	[tilespmem:s30], [sflag:$0x1] =	stream.strided.gather [hbm4b:s13+s20], $0x800, s21, s20, $0x38;
	v63 =	vld [tilespmem:$0x0]  }
0x398: {  	s26 =	sadd.s32 $0x8000, s13  }
0x399: {  	[tilespmem:s24], [sflag:$0x1] =	stream.linear.gather [hbm4b:s26+s30], $0x100, $0x38;
	v63 =	vld [tilespmem:$0x0]  }
0x39a: {  	_ =	swait.ge [sflag:s22], $0x900  }
0x39b: {  	[sflag:s22] =	ssyncset.done $0x0  }
0x39c: {  	s31 =	simm.s32 $0x0;
	[sflag:s22] =	ssyncadd.s32 $0xFFFFF700  }
0x39d: {  	v10 =	vld [tilespmem:s31+$0x0]  }
0x39e: {  	v11 =	vld [tilespmem:s31+$0x10]  }
0x39f: {  	v55 =	vld [tilespmem:s31+$0x20]  }
0x3a0: {  	v56 =	vld [tilespmem:s31+$0x30]  }
0x3a1: {  	v57 =	vld [tilespmem:s31+$0x40]  }
0x3a2: {  	v58 =	vld [tilespmem:s31+$0x50];
	v10 =	vshll.u32 v10, $0x7  }
0x3a3: {  	v11 =	vshll.u32 v11, $0x7;
	v10 =	vor.u32 v0, v10  }
0x3a4: {  	v12 =	vshll.u32 v55, $0x7;
	v11 =	vor.u32 v3, v11  }
0x3a5: {  	v59 =	vld [tilespmem:s31+$0x60];
	v13 =	vshll.u32 v56, $0x7;
	v12 =	vor.u32 v4, v12  }
0x3a6: {  	v14 =	vshll.u32 v57, $0x7;
	v13 =	vor.u32 v5, v13  }
0x3a7: {  	v60 =	vld [tilespmem:s31+$0x70];
	v15 =	vshll.u32 v58, $0x7;
	v14 =	vor.u32 v6, v14  }
0x3a8: {  	[tilespmem:v10+s23+$0x0] =	vst.idx.msk $0xffff, v2;
	v10 =	vor.u32 v7, v15  }
0x3a9: {  	[tilespmem:v11+s23+$0x0] =	vst.idx.msk $0xffff, v2  }
0x3aa: {  	v61 =	vshll.u32 v59, $0x7;
	[tilespmem:v12+s23+$0x0] =	vst.idx.msk $0xffff, v2  }
0x3ab: {  	v11 =	vor.u32 v8, v61;
	[tilespmem:v13+s23+$0x0] =	vst.idx.msk $0xffff, v2  }
0x3ac: {  	v62 =	vshll.u32 v60, $0x7;
	[tilespmem:v14+s23+$0x0] =	vst.idx.msk $0xffff, v2  }
0x3ad: {  	[tilespmem:v10+s23+$0x0] =	vst.idx.msk $0xffff, v2;
	v10 =	vor.u32 v9, v62;
	_ =	sdelay $0x2  }
0x3ae: {  	s25 =	simm.s32 $0x200;
	s26 =	simm.s32 $0x400;
	[tilespmem:v11+s23+$0x0] =	vst.idx.msk $0xffff, v2  }
.LBB2_32:
0x3af: {  	p0 =	sne.s32 s26, $0x2200  }
0x3b0: {  	s28 =	sshra.s32 s25, $0x2;
	[tilespmem:v10+s23+$0x0] =	vst.idx.msk $0xffff, v2;
	s25 =	smov.u32 s26;
	s26 =	sadd.s32 $0x200, s26  }
0x3b1: {  	v10 =	vld [tilespmem:s28+$0x0]  }
0x3b2: {  	v11 =	vld [tilespmem:s28+$0x10]  }
0x3b3: {  	v12 =	vld [tilespmem:s28+$0x20]  }
0x3b4: {  	v13 =	vld [tilespmem:s28+$0x30]  }
0x3b5: {  	v14 =	vld [tilespmem:s28+$0x40]  }
0x3b6: {  	v15 =	vld [tilespmem:s28+$0x50];
	v10 =	vshll.u32 v10, $0x7  }
0x3b7: {  	v16 =	vld [tilespmem:s28+$0x60];
	v10 =	vor.u32 v0, v10;
	v11 =	vshll.u32 v11, $0x7  }
0x3b8: {  	v17 =	vld [tilespmem:s28+$0x70];
	v11 =	vor.u32 v3, v11;
	v12 =	vshll.u32 v12, $0x7  }
0x3b9: {  	v12 =	vor.u32 v4, v12;
	v13 =	vshll.u32 v13, $0x7  }
0x3ba: {  	v13 =	vor.u32 v5, v13;
	v14 =	vshll.u32 v14, $0x7  }
0x3bb: {  	v14 =	vor.u32 v6, v14;
	v15 =	vshll.u32 v15, $0x7  }
0x3bc: {  	[tilespmem:v10+s23+$0x0] =	vst.idx.msk $0xffff, v2;
	v15 =	vor.u32 v7, v15;
	v10 =	vshll.u32 v16, $0x7  }
0x3bd: {  	[tilespmem:v11+s23+$0x0] =	vst.idx.msk $0xffff, v2;
	v11 =	vor.u32 v8, v10;
	v10 =	vshll.u32 v17, $0x7  }
.Ltmp15:
0x3be: {  	[tilespmem:v12+s23+$0x0] =	vst.idx.msk $0xffff, v2;
	v10 =	vor.u32 v9, v10;
	(pc) =	sbr.rel @p0 .LBB2_32-.Ltmp15, $4  }
0x3bf: {  	[tilespmem:v13+s23+$0x0] =	vst.idx.msk $0xffff, v2  }
0x3c0: {  	[tilespmem:v14+s23+$0x0] =	vst.idx.msk $0xffff, v2  }
0x3c1: {  	[tilespmem:v15+s23+$0x0] =	vst.idx.msk $0xffff, v2  }
0x3c2: {  	[tilespmem:v11+s23+$0x0] =	vst.idx.msk $0xffff, v2  }
0x3c3: {  	_ =	sdelay $0x3  }
0x3c4: {  	s25 =	sshra.s32 s25, $0x2;
	[tilespmem:v10+s23+$0x0] =	vst.idx.msk $0xffff, v2  }
0x3c5: {  	v10 =	vld [tilespmem:s25+$0x0]  }
0x3c6: {  	v11 =	vld [tilespmem:s25+$0x10]  }
0x3c7: {  	v12 =	vld [tilespmem:s25+$0x20]  }
0x3c8: {  	v13 =	vld [tilespmem:s25+$0x30]  }
0x3c9: {  	v14 =	vld [tilespmem:s25+$0x40]  }
0x3ca: {  	v15 =	vld [tilespmem:s25+$0x50];
	v10 =	vshll.u32 v10, $0x7  }
0x3cb: {  	v16 =	vld [tilespmem:s25+$0x60];
	v11 =	vshll.u32 v11, $0x7;
	v10 =	vor.u32 v0, v10  }
0x3cc: {  	v17 =	vld [tilespmem:s25+$0x70];
	v12 =	vshll.u32 v12, $0x7;
	v11 =	vor.u32 v3, v11  }
0x3cd: {  	v13 =	vshll.u32 v13, $0x7;
	v12 =	vor.u32 v4, v12  }
0x3ce: {  	v14 =	vshll.u32 v14, $0x7;
	v13 =	vor.u32 v5, v13  }
0x3cf: {  	v15 =	vshll.u32 v15, $0x7;
	v14 =	vor.u32 v6, v14  }
0x3d0: {  	v52 =	vshll.u32 v16, $0x7;
	[tilespmem:v10+s23+$0x0] =	vst.idx.msk $0xffff, v2;
	v10 =	vor.u32 v7, v15  }
0x3d1: {  	v53 =	vshll.u32 v17, $0x7;
	[tilespmem:v11+s23+$0x0] =	vst.idx.msk $0xffff, v2;
	v11 =	vor.u32 v8, v52  }
0x3d2: {  	v54 =	vor.u32 v9, v53;
	[tilespmem:v12+s23+$0x0] =	vst.idx.msk $0xffff, v2  }
0x3d3: {  	[tilespmem:v13+s23+$0x0] =	vst.idx.msk $0xffff, v2  }
0x3d4: {  	[tilespmem:v14+s23+$0x0] =	vst.idx.msk $0xffff, v2  }
0x3d5: {  	[tilespmem:v10+s23+$0x0] =	vst.idx.msk $0xffff, v2  }
0x3d6: {  	[tilespmem:v11+s23+$0x0] =	vst.idx.msk $0xffff, v2  }
0x3d7: {  	[tilespmem:v54+s23+$0x0] =	vst.idx.msk $0xffff, v2  }
0x3d8: {  	[hbm4b:s16+s20] =	stream.strided.scatter [tilespmem:s23], [sflag:$0x1], $0x1F400, s21, s20, $0x38;
	v63 =	vld [tilespmem:$0x0]  }
0x3d9: {  	_ =	swait.ge [sflag:s22], $0x1F400  }
0x3da: {  	[sflag:s22] =	ssyncset.done $0x0  }
0x3db: {  	s31 =	simm.s32 $0x0;
	[sflag:s22] =	ssyncadd.s32 $0xFFFE0C00  }
0x3dc: {  	v10 =	vld [tilespmem:s31+$0x0]  }
0x3dd: {  	v11 =	vld [tilespmem:s31+$0x10]  }
0x3de: {  	v55 =	vld [tilespmem:s31+$0x20]  }
0x3df: {  	v56 =	vld [tilespmem:s31+$0x30]  }
0x3e0: {  	v57 =	vld [tilespmem:s31+$0x40]  }
0x3e1: {  	v58 =	vld [tilespmem:s31+$0x50];
	v10 =	vshll.u32 v10, $0x7  }
0x3e2: {  	v11 =	vshll.u32 v11, $0x7;
	v10 =	vor.u32 v0, v10  }
0x3e3: {  	v12 =	vshll.u32 v55, $0x7;
	v11 =	vor.u32 v3, v11  }
0x3e4: {  	v59 =	vld [tilespmem:s31+$0x60];
	v13 =	vshll.u32 v56, $0x7;
	v12 =	vor.u32 v4, v12  }
0x3e5: {  	v14 =	vshll.u32 v57, $0x7;
	v13 =	vor.u32 v5, v13  }
0x3e6: {  	v60 =	vld [tilespmem:s31+$0x70];
	v15 =	vshll.u32 v58, $0x7;
	v14 =	vor.u32 v6, v14  }
0x3e7: {  	[tilespmem:v10+s23+$0x0] =	vst.idx.msk $0xffff, v1;
	v10 =	vor.u32 v7, v15  }
0x3e8: {  	[tilespmem:v11+s23+$0x0] =	vst.idx.msk $0xffff, v1  }
0x3e9: {  	v61 =	vshll.u32 v59, $0x7;
	[tilespmem:v12+s23+$0x0] =	vst.idx.msk $0xffff, v1  }
0x3ea: {  	v11 =	vor.u32 v8, v61;
	[tilespmem:v13+s23+$0x0] =	vst.idx.msk $0xffff, v1  }
0x3eb: {  	v62 =	vshll.u32 v60, $0x7;
	[tilespmem:v14+s23+$0x0] =	vst.idx.msk $0xffff, v1  }
0x3ec: {  	[tilespmem:v10+s23+$0x0] =	vst.idx.msk $0xffff, v1;
	v10 =	vor.u32 v9, v62;
	_ =	sdelay $0x2  }
0x3ed: {  	s26 =	simm.s32 $0x400;
	s25 =	simm.s32 $0x200;
	[tilespmem:v11+s23+$0x0] =	vst.idx.msk $0xffff, v1  }
.LBB2_34:
0x3ee: {  	p0 =	sne.s32 s26, $0x2200  }
0x3ef: {  	s28 =	sshra.s32 s25, $0x2;
	[tilespmem:v10+s23+$0x0] =	vst.idx.msk $0xffff, v1;
	s25 =	smov.u32 s26;
	s26 =	sadd.s32 $0x200, s26  }
0x3f0: {  	v10 =	vld [tilespmem:s28+$0x0]  }
0x3f1: {  	v11 =	vld [tilespmem:s28+$0x10]  }
0x3f2: {  	v12 =	vld [tilespmem:s28+$0x20]  }
0x3f3: {  	v13 =	vld [tilespmem:s28+$0x30]  }
0x3f4: {  	v14 =	vld [tilespmem:s28+$0x40]  }
0x3f5: {  	v15 =	vld [tilespmem:s28+$0x50];
	v10 =	vshll.u32 v10, $0x7  }
0x3f6: {  	v16 =	vld [tilespmem:s28+$0x60];
	v10 =	vor.u32 v0, v10;
	v11 =	vshll.u32 v11, $0x7  }
0x3f7: {  	v17 =	vld [tilespmem:s28+$0x70];
	v11 =	vor.u32 v3, v11;
	v12 =	vshll.u32 v12, $0x7  }
0x3f8: {  	v12 =	vor.u32 v4, v12;
	v13 =	vshll.u32 v13, $0x7  }
0x3f9: {  	v13 =	vor.u32 v5, v13;
	v14 =	vshll.u32 v14, $0x7  }
0x3fa: {  	v14 =	vor.u32 v6, v14;
	v15 =	vshll.u32 v15, $0x7  }
0x3fb: {  	[tilespmem:v10+s23+$0x0] =	vst.idx.msk $0xffff, v1;
	v15 =	vor.u32 v7, v15;
	v10 =	vshll.u32 v16, $0x7  }
0x3fc: {  	[tilespmem:v11+s23+$0x0] =	vst.idx.msk $0xffff, v1;
	v11 =	vor.u32 v8, v10;
	v10 =	vshll.u32 v17, $0x7  }
.Ltmp16:
0x3fd: {  	[tilespmem:v12+s23+$0x0] =	vst.idx.msk $0xffff, v1;
	v10 =	vor.u32 v9, v10;
	(pc) =	sbr.rel @p0 .LBB2_34-.Ltmp16, $4  }
0x3fe: {  	[tilespmem:v13+s23+$0x0] =	vst.idx.msk $0xffff, v1  }
0x3ff: {  	[tilespmem:v14+s23+$0x0] =	vst.idx.msk $0xffff, v1  }
0x400: {  	[tilespmem:v15+s23+$0x0] =	vst.idx.msk $0xffff, v1  }
0x401: {  	[tilespmem:v11+s23+$0x0] =	vst.idx.msk $0xffff, v1  }
0x402: {  	_ =	sdelay $0x3  }
0x403: {  	s25 =	sshra.s32 s25, $0x2;
	[tilespmem:v10+s23+$0x0] =	vst.idx.msk $0xffff, v1  }
0x404: {  	v10 =	vld [tilespmem:s25+$0x0]  }
0x405: {  	v11 =	vld [tilespmem:s25+$0x10]  }
0x406: {  	v12 =	vld [tilespmem:s25+$0x20]  }
0x407: {  	v13 =	vld [tilespmem:s25+$0x30]  }
0x408: {  	v14 =	vld [tilespmem:s25+$0x40]  }
0x409: {  	v15 =	vld [tilespmem:s25+$0x50];
	v10 =	vshll.u32 v10, $0x7  }
0x40a: {  	v16 =	vld [tilespmem:s25+$0x60];
	v11 =	vshll.u32 v11, $0x7;
	v10 =	vor.u32 v0, v10  }
0x40b: {  	v17 =	vld [tilespmem:s25+$0x70];
	v12 =	vshll.u32 v12, $0x7;
	v11 =	vor.u32 v3, v11  }
0x40c: {  	v13 =	vshll.u32 v13, $0x7;
	v12 =	vor.u32 v4, v12  }
0x40d: {  	v14 =	vshll.u32 v14, $0x7;
	v13 =	vor.u32 v5, v13  }
0x40e: {  	v15 =	vshll.u32 v15, $0x7;
	v14 =	vor.u32 v6, v14  }
0x40f: {  	v52 =	vshll.u32 v16, $0x7;
	[tilespmem:v10+s23+$0x0] =	vst.idx.msk $0xffff, v1;
	v10 =	vor.u32 v7, v15  }
0x410: {  	v53 =	vshll.u32 v17, $0x7;
	[tilespmem:v11+s23+$0x0] =	vst.idx.msk $0xffff, v1;
	v11 =	vor.u32 v8, v52  }
0x411: {  	v54 =	vor.u32 v9, v53;
	[tilespmem:v12+s23+$0x0] =	vst.idx.msk $0xffff, v1  }
0x412: {  	[tilespmem:v13+s23+$0x0] =	vst.idx.msk $0xffff, v1  }
0x413: {  	[tilespmem:v14+s23+$0x0] =	vst.idx.msk $0xffff, v1  }
0x414: {  	[tilespmem:v10+s23+$0x0] =	vst.idx.msk $0xffff, v1  }
0x415: {  	[tilespmem:v11+s23+$0x0] =	vst.idx.msk $0xffff, v1  }
0x416: {  	s30 =	simm.s32 $0x0;
	[tilespmem:v54+s23+$0x0] =	vst.idx.msk $0xffff, v1  }
0x417: {  	[tilespmem:s30], [sflag:$0x1] =	stream.strided.gather [hbm4b:s11+s20], $0x800, s21, s20, $0x38;
	v63 =	vld [tilespmem:$0x0]  }
0x418: {  	_ =	swait.ge [sflag:s22], $0x800  }
0x419: {  	[sflag:s22] =	ssyncset.done $0x0  }
0x41a: {  	s31 =	simm.s32 $0x0;
	[sflag:s22] =	ssyncadd.s32 $0xFFFFF800  }
0x41b: {  	v10 =	vld [tilespmem:s31+$0x0]  }
0x41c: {  	v11 =	vld [tilespmem:s31+$0x10]  }
0x41d: {  	v55 =	vld [tilespmem:s31+$0x20]  }
0x41e: {  	v56 =	vld [tilespmem:s31+$0x30]  }
0x41f: {  	v57 =	vld [tilespmem:s31+$0x40]  }
0x420: {  	v58 =	vld [tilespmem:s31+$0x50];
	v10 =	vshll.u32 v10, $0x7  }
0x421: {  	v11 =	vshll.u32 v11, $0x7;
	v10 =	vor.u32 v0, v10  }
0x422: {  	v12 =	vshll.u32 v55, $0x7;
	v11 =	vor.u32 v3, v11  }
0x423: {  	v59 =	vld [tilespmem:s31+$0x60];
	v13 =	vshll.u32 v56, $0x7;
	v12 =	vor.u32 v4, v12  }
0x424: {  	v14 =	vshll.u32 v57, $0x7;
	v13 =	vor.u32 v5, v13  }
0x425: {  	v60 =	vld [tilespmem:s31+$0x70];
	v15 =	vshll.u32 v58, $0x7;
	v14 =	vor.u32 v6, v14  }
0x426: {  	[tilespmem:v10+s23+$0x0] =	vst.idx.msk $0xffff, v1;
	v10 =	vor.u32 v7, v15  }
0x427: {  	[tilespmem:v11+s23+$0x0] =	vst.idx.msk $0xffff, v1  }
0x428: {  	v61 =	vshll.u32 v59, $0x7;
	[tilespmem:v12+s23+$0x0] =	vst.idx.msk $0xffff, v1  }
0x429: {  	v11 =	vor.u32 v8, v61;
	[tilespmem:v13+s23+$0x0] =	vst.idx.msk $0xffff, v1  }
0x42a: {  	v62 =	vshll.u32 v60, $0x7;
	[tilespmem:v14+s23+$0x0] =	vst.idx.msk $0xffff, v1  }
0x42b: {  	[tilespmem:v10+s23+$0x0] =	vst.idx.msk $0xffff, v1;
	v10 =	vor.u32 v9, v62;
	_ =	sdelay $0x2  }
0x42c: {  	s26 =	simm.s32 $0x400;
	s25 =	simm.s32 $0x200;
	[tilespmem:v11+s23+$0x0] =	vst.idx.msk $0xffff, v1  }
.LBB2_36:
0x42d: {  	p0 =	sne.s32 s26, $0x1E00  }
0x42e: {  	s28 =	sshra.s32 s25, $0x2;
	[tilespmem:v10+s23+$0x0] =	vst.idx.msk $0xffff, v1;
	s25 =	smov.u32 s26;
	s26 =	sadd.s32 $0x200, s26  }
0x42f: {  	v10 =	vld [tilespmem:s28+$0x0]  }
0x430: {  	v11 =	vld [tilespmem:s28+$0x10]  }
0x431: {  	v12 =	vld [tilespmem:s28+$0x20]  }
0x432: {  	v13 =	vld [tilespmem:s28+$0x30]  }
0x433: {  	v14 =	vld [tilespmem:s28+$0x40]  }
0x434: {  	v15 =	vld [tilespmem:s28+$0x50];
	v10 =	vshll.u32 v10, $0x7  }
0x435: {  	v16 =	vld [tilespmem:s28+$0x60];
	v10 =	vor.u32 v0, v10;
	v11 =	vshll.u32 v11, $0x7  }
0x436: {  	v17 =	vld [tilespmem:s28+$0x70];
	v11 =	vor.u32 v3, v11;
	v12 =	vshll.u32 v12, $0x7  }
0x437: {  	v12 =	vor.u32 v4, v12;
	v13 =	vshll.u32 v13, $0x7  }
0x438: {  	v13 =	vor.u32 v5, v13;
	v14 =	vshll.u32 v14, $0x7  }
0x439: {  	v14 =	vor.u32 v6, v14;
	v15 =	vshll.u32 v15, $0x7  }
0x43a: {  	[tilespmem:v10+s23+$0x0] =	vst.idx.msk $0xffff, v1;
	v15 =	vor.u32 v7, v15;
	v10 =	vshll.u32 v16, $0x7  }
0x43b: {  	[tilespmem:v11+s23+$0x0] =	vst.idx.msk $0xffff, v1;
	v11 =	vor.u32 v8, v10;
	v10 =	vshll.u32 v17, $0x7  }
.Ltmp17:
0x43c: {  	[tilespmem:v12+s23+$0x0] =	vst.idx.msk $0xffff, v1;
	v10 =	vor.u32 v9, v10;
	(pc) =	sbr.rel @p0 .LBB2_36-.Ltmp17, $4  }
0x43d: {  	[tilespmem:v13+s23+$0x0] =	vst.idx.msk $0xffff, v1  }
0x43e: {  	[tilespmem:v14+s23+$0x0] =	vst.idx.msk $0xffff, v1  }
0x43f: {  	[tilespmem:v15+s23+$0x0] =	vst.idx.msk $0xffff, v1  }
0x440: {  	[tilespmem:v11+s23+$0x0] =	vst.idx.msk $0xffff, v1  }
0x441: {  	_ =	sdelay $0x3  }
0x442: {  	s25 =	sshra.s32 s25, $0x2;
	[tilespmem:v10+s23+$0x0] =	vst.idx.msk $0xffff, v1  }
0x443: {  	v10 =	vld [tilespmem:s25+$0x0]  }
0x444: {  	v11 =	vld [tilespmem:s25+$0x10]  }
0x445: {  	v12 =	vld [tilespmem:s25+$0x20]  }
0x446: {  	v13 =	vld [tilespmem:s25+$0x30]  }
0x447: {  	v14 =	vld [tilespmem:s25+$0x40]  }
0x448: {  	v15 =	vld [tilespmem:s25+$0x50];
	v10 =	vshll.u32 v10, $0x7  }
0x449: {  	v16 =	vld [tilespmem:s25+$0x60];
	v11 =	vshll.u32 v11, $0x7;
	v10 =	vor.u32 v0, v10  }
0x44a: {  	v17 =	vld [tilespmem:s25+$0x70];
	v12 =	vshll.u32 v12, $0x7;
	v11 =	vor.u32 v3, v11  }
0x44b: {  	v13 =	vshll.u32 v13, $0x7;
	v12 =	vor.u32 v4, v12  }
0x44c: {  	v14 =	vshll.u32 v14, $0x7;
	v13 =	vor.u32 v5, v13  }
0x44d: {  	v15 =	vshll.u32 v15, $0x7;
	v14 =	vor.u32 v6, v14  }
0x44e: {  	v52 =	vshll.u32 v16, $0x7;
	[tilespmem:v10+s23+$0x0] =	vst.idx.msk $0xffff, v1;
	v10 =	vor.u32 v7, v15  }
0x44f: {  	v53 =	vshll.u32 v17, $0x7;
	[tilespmem:v11+s23+$0x0] =	vst.idx.msk $0xffff, v1;
	v11 =	vor.u32 v8, v52  }
0x450: {  	v54 =	vor.u32 v9, v53;
	[tilespmem:v12+s23+$0x0] =	vst.idx.msk $0xffff, v1  }
0x451: {  	[tilespmem:v13+s23+$0x0] =	vst.idx.msk $0xffff, v1  }
0x452: {  	[tilespmem:v14+s23+$0x0] =	vst.idx.msk $0xffff, v1  }
0x453: {  	[tilespmem:v10+s23+$0x0] =	vst.idx.msk $0xffff, v1  }
0x454: {  	[tilespmem:v11+s23+$0x0] =	vst.idx.msk $0xffff, v1  }
0x455: {  	s30 =	simm.s32 $0x0;
	[tilespmem:v54+s23+$0x0] =	vst.idx.msk $0xffff, v1  }
0x456: {  	[tilespmem:s30], [sflag:$0x1] =	stream.strided.gather [hbm4b:s12+s20], $0x800, s21, s20, $0x38;
	v63 =	vld [tilespmem:$0x0]  }
0x457: {  	_ =	swait.ge [sflag:s22], $0x800  }
0x458: {  	[sflag:s22] =	ssyncset.done $0x0  }
0x459: {  	s31 =	simm.s32 $0x0;
	[sflag:s22] =	ssyncadd.s32 $0xFFFFF800  }
0x45a: {  	v10 =	vld [tilespmem:s31+$0x0]  }
0x45b: {  	v11 =	vld [tilespmem:s31+$0x10]  }
0x45c: {  	v55 =	vld [tilespmem:s31+$0x20]  }
0x45d: {  	v56 =	vld [tilespmem:s31+$0x30]  }
0x45e: {  	v57 =	vld [tilespmem:s31+$0x40]  }
0x45f: {  	v58 =	vld [tilespmem:s31+$0x50];
	v10 =	vshll.u32 v10, $0x7  }
0x460: {  	v11 =	vshll.u32 v11, $0x7;
	v10 =	vor.u32 v0, v10  }
0x461: {  	v12 =	vshll.u32 v55, $0x7;
	v11 =	vor.u32 v3, v11  }
0x462: {  	v59 =	vld [tilespmem:s31+$0x60];
	v13 =	vshll.u32 v56, $0x7;
	v12 =	vor.u32 v4, v12  }
0x463: {  	v14 =	vshll.u32 v57, $0x7;
	v13 =	vor.u32 v5, v13  }
0x464: {  	v60 =	vld [tilespmem:s31+$0x70];
	v15 =	vshll.u32 v58, $0x7;
	v14 =	vor.u32 v6, v14  }
0x465: {  	[tilespmem:v10+s23+$0x0] =	vst.idx.msk $0xffff, v1;
	v10 =	vor.u32 v7, v15  }
0x466: {  	[tilespmem:v11+s23+$0x0] =	vst.idx.msk $0xffff, v1  }
0x467: {  	v61 =	vshll.u32 v59, $0x7;
	[tilespmem:v12+s23+$0x0] =	vst.idx.msk $0xffff, v1  }
0x468: {  	v11 =	vor.u32 v8, v61;
	[tilespmem:v13+s23+$0x0] =	vst.idx.msk $0xffff, v1  }
0x469: {  	v62 =	vshll.u32 v60, $0x7;
	[tilespmem:v14+s23+$0x0] =	vst.idx.msk $0xffff, v1  }
0x46a: {  	[tilespmem:v10+s23+$0x0] =	vst.idx.msk $0xffff, v1;
	v10 =	vor.u32 v9, v62;
	_ =	sdelay $0x2  }
0x46b: {  	s26 =	simm.s32 $0x400;
	s25 =	simm.s32 $0x200;
	[tilespmem:v11+s23+$0x0] =	vst.idx.msk $0xffff, v1  }
.LBB2_38:
0x46c: {  	p0 =	sne.s32 s26, $0x1E00  }
0x46d: {  	s28 =	sshra.s32 s25, $0x2;
	[tilespmem:v10+s23+$0x0] =	vst.idx.msk $0xffff, v1;
	s25 =	smov.u32 s26;
	s26 =	sadd.s32 $0x200, s26  }
0x46e: {  	v10 =	vld [tilespmem:s28+$0x0]  }
0x46f: {  	v11 =	vld [tilespmem:s28+$0x10]  }
0x470: {  	v12 =	vld [tilespmem:s28+$0x20]  }
0x471: {  	v13 =	vld [tilespmem:s28+$0x30]  }
0x472: {  	v14 =	vld [tilespmem:s28+$0x40]  }
0x473: {  	v15 =	vld [tilespmem:s28+$0x50];
	v10 =	vshll.u32 v10, $0x7  }
0x474: {  	v16 =	vld [tilespmem:s28+$0x60];
	v10 =	vor.u32 v0, v10;
	v11 =	vshll.u32 v11, $0x7  }
0x475: {  	v17 =	vld [tilespmem:s28+$0x70];
	v11 =	vor.u32 v3, v11;
	v12 =	vshll.u32 v12, $0x7  }
0x476: {  	v12 =	vor.u32 v4, v12;
	v13 =	vshll.u32 v13, $0x7  }
0x477: {  	v13 =	vor.u32 v5, v13;
	v14 =	vshll.u32 v14, $0x7  }
0x478: {  	v14 =	vor.u32 v6, v14;
	v15 =	vshll.u32 v15, $0x7  }
0x479: {  	[tilespmem:v10+s23+$0x0] =	vst.idx.msk $0xffff, v1;
	v15 =	vor.u32 v7, v15;
	v10 =	vshll.u32 v16, $0x7  }
0x47a: {  	[tilespmem:v11+s23+$0x0] =	vst.idx.msk $0xffff, v1;
	v11 =	vor.u32 v8, v10;
	v10 =	vshll.u32 v17, $0x7  }
.Ltmp18:
0x47b: {  	[tilespmem:v12+s23+$0x0] =	vst.idx.msk $0xffff, v1;
	v10 =	vor.u32 v9, v10;
	(pc) =	sbr.rel @p0 .LBB2_38-.Ltmp18, $4  }
0x47c: {  	[tilespmem:v13+s23+$0x0] =	vst.idx.msk $0xffff, v1  }
0x47d: {  	[tilespmem:v14+s23+$0x0] =	vst.idx.msk $0xffff, v1  }
0x47e: {  	[tilespmem:v15+s23+$0x0] =	vst.idx.msk $0xffff, v1  }
0x47f: {  	[tilespmem:v11+s23+$0x0] =	vst.idx.msk $0xffff, v1  }
0x480: {  	_ =	sdelay $0x3  }
0x481: {  	s25 =	sshra.s32 s25, $0x2;
	[tilespmem:v10+s23+$0x0] =	vst.idx.msk $0xffff, v1  }
0x482: {  	v10 =	vld [tilespmem:s25+$0x0]  }
0x483: {  	v11 =	vld [tilespmem:s25+$0x10]  }
0x484: {  	v12 =	vld [tilespmem:s25+$0x20]  }
0x485: {  	v13 =	vld [tilespmem:s25+$0x30]  }
0x486: {  	v14 =	vld [tilespmem:s25+$0x40]  }
0x487: {  	v15 =	vld [tilespmem:s25+$0x50];
	v10 =	vshll.u32 v10, $0x7  }
0x488: {  	v16 =	vld [tilespmem:s25+$0x60];
	v11 =	vshll.u32 v11, $0x7;
	v10 =	vor.u32 v0, v10  }
0x489: {  	v17 =	vld [tilespmem:s25+$0x70];
	v12 =	vshll.u32 v12, $0x7;
	v11 =	vor.u32 v3, v11  }
0x48a: {  	v13 =	vshll.u32 v13, $0x7;
	v12 =	vor.u32 v4, v12  }
0x48b: {  	v14 =	vshll.u32 v14, $0x7;
	v13 =	vor.u32 v5, v13  }
0x48c: {  	v15 =	vshll.u32 v15, $0x7;
	v14 =	vor.u32 v6, v14  }
0x48d: {  	v52 =	vshll.u32 v16, $0x7;
	[tilespmem:v10+s23+$0x0] =	vst.idx.msk $0xffff, v1;
	v10 =	vor.u32 v7, v15  }
0x48e: {  	v53 =	vshll.u32 v17, $0x7;
	[tilespmem:v11+s23+$0x0] =	vst.idx.msk $0xffff, v1;
	v11 =	vor.u32 v8, v52  }
0x48f: {  	v54 =	vor.u32 v9, v53;
	[tilespmem:v12+s23+$0x0] =	vst.idx.msk $0xffff, v1  }
0x490: {  	[tilespmem:v13+s23+$0x0] =	vst.idx.msk $0xffff, v1  }
0x491: {  	[tilespmem:v14+s23+$0x0] =	vst.idx.msk $0xffff, v1  }
0x492: {  	[tilespmem:v10+s23+$0x0] =	vst.idx.msk $0xffff, v1  }
0x493: {  	[tilespmem:v11+s23+$0x0] =	vst.idx.msk $0xffff, v1  }
0x494: {  	s30 =	simm.s32 $0x0;
	[tilespmem:v54+s23+$0x0] =	vst.idx.msk $0xffff, v1  }
0x495: {  	[tilespmem:s30], [sflag:$0x1] =	stream.strided.gather [hbm4b:s17+s20], $0x800, s21, s20, $0x38;
	v63 =	vld [tilespmem:$0x0]  }
0x496: {  	_ =	swait.ge [sflag:s22], $0x800  }
0x497: {  	[sflag:s22] =	ssyncset.done $0x0  }
0x498: {  	s31 =	simm.s32 $0x0;
	[sflag:s22] =	ssyncadd.s32 $0xFFFFF800  }
0x499: {  	v10 =	vld [tilespmem:s31+$0x0]  }
0x49a: {  	v11 =	vld [tilespmem:s31+$0x10]  }
0x49b: {  	v55 =	vld [tilespmem:s31+$0x20]  }
0x49c: {  	v56 =	vld [tilespmem:s31+$0x30]  }
0x49d: {  	v57 =	vld [tilespmem:s31+$0x40]  }
0x49e: {  	v58 =	vld [tilespmem:s31+$0x50];
	v10 =	vshll.u32 v10, $0x7  }
0x49f: {  	v11 =	vshll.u32 v11, $0x7;
	v10 =	vor.u32 v0, v10  }
0x4a0: {  	v12 =	vshll.u32 v55, $0x7;
	v11 =	vor.u32 v3, v11  }
0x4a1: {  	v59 =	vld [tilespmem:s31+$0x60];
	v13 =	vshll.u32 v56, $0x7;
	v12 =	vor.u32 v4, v12  }
0x4a2: {  	v14 =	vshll.u32 v57, $0x7;
	v13 =	vor.u32 v5, v13  }
0x4a3: {  	v60 =	vld [tilespmem:s31+$0x70];
	v15 =	vshll.u32 v58, $0x7;
	v14 =	vor.u32 v6, v14  }
0x4a4: {  	[tilespmem:v10+s23+$0x0] =	vst.idx.msk $0xffff, v2;
	v10 =	vor.u32 v7, v15  }
0x4a5: {  	[tilespmem:v11+s23+$0x0] =	vst.idx.msk $0xffff, v2  }
0x4a6: {  	v61 =	vshll.u32 v59, $0x7;
	[tilespmem:v12+s23+$0x0] =	vst.idx.msk $0xffff, v2  }
0x4a7: {  	v11 =	vor.u32 v8, v61;
	[tilespmem:v13+s23+$0x0] =	vst.idx.msk $0xffff, v2  }
0x4a8: {  	v62 =	vshll.u32 v60, $0x7;
	[tilespmem:v14+s23+$0x0] =	vst.idx.msk $0xffff, v2  }
0x4a9: {  	[tilespmem:v10+s23+$0x0] =	vst.idx.msk $0xffff, v2;
	v10 =	vor.u32 v9, v62;
	_ =	sdelay $0x2  }
0x4aa: {  	s26 =	simm.s32 $0x400;
	s25 =	simm.s32 $0x200;
	[tilespmem:v11+s23+$0x0] =	vst.idx.msk $0xffff, v2  }
.LBB2_40:
0x4ab: {  	p0 =	sne.s32 s26, $0x1E00  }
0x4ac: {  	s28 =	sshra.s32 s25, $0x2;
	[tilespmem:v10+s23+$0x0] =	vst.idx.msk $0xffff, v2;
	s25 =	smov.u32 s26;
	s26 =	sadd.s32 $0x200, s26  }
0x4ad: {  	v10 =	vld [tilespmem:s28+$0x0]  }
0x4ae: {  	v11 =	vld [tilespmem:s28+$0x10]  }
0x4af: {  	v12 =	vld [tilespmem:s28+$0x20]  }
0x4b0: {  	v13 =	vld [tilespmem:s28+$0x30]  }
0x4b1: {  	v14 =	vld [tilespmem:s28+$0x40]  }
0x4b2: {  	v15 =	vld [tilespmem:s28+$0x50];
	v10 =	vshll.u32 v10, $0x7  }
0x4b3: {  	v16 =	vld [tilespmem:s28+$0x60];
	v10 =	vor.u32 v0, v10;
	v11 =	vshll.u32 v11, $0x7  }
0x4b4: {  	v17 =	vld [tilespmem:s28+$0x70];
	v11 =	vor.u32 v3, v11;
	v12 =	vshll.u32 v12, $0x7  }
0x4b5: {  	v12 =	vor.u32 v4, v12;
	v13 =	vshll.u32 v13, $0x7  }
0x4b6: {  	v13 =	vor.u32 v5, v13;
	v14 =	vshll.u32 v14, $0x7  }
0x4b7: {  	v14 =	vor.u32 v6, v14;
	v15 =	vshll.u32 v15, $0x7  }
0x4b8: {  	[tilespmem:v10+s23+$0x0] =	vst.idx.msk $0xffff, v2;
	v15 =	vor.u32 v7, v15;
	v10 =	vshll.u32 v16, $0x7  }
0x4b9: {  	[tilespmem:v11+s23+$0x0] =	vst.idx.msk $0xffff, v2;
	v11 =	vor.u32 v8, v10;
	v10 =	vshll.u32 v17, $0x7  }
.Ltmp19:
0x4ba: {  	[tilespmem:v12+s23+$0x0] =	vst.idx.msk $0xffff, v2;
	v10 =	vor.u32 v9, v10;
	(pc) =	sbr.rel @p0 .LBB2_40-.Ltmp19, $4  }
0x4bb: {  	[tilespmem:v13+s23+$0x0] =	vst.idx.msk $0xffff, v2  }
0x4bc: {  	[tilespmem:v14+s23+$0x0] =	vst.idx.msk $0xffff, v2  }
0x4bd: {  	[tilespmem:v15+s23+$0x0] =	vst.idx.msk $0xffff, v2  }
0x4be: {  	[tilespmem:v11+s23+$0x0] =	vst.idx.msk $0xffff, v2  }
0x4bf: {  	_ =	sdelay $0x3  }
0x4c0: {  	s25 =	sshra.s32 s25, $0x2;
	[tilespmem:v10+s23+$0x0] =	vst.idx.msk $0xffff, v2  }
0x4c1: {  	v10 =	vld [tilespmem:s25+$0x0]  }
0x4c2: {  	v11 =	vld [tilespmem:s25+$0x10]  }
0x4c3: {  	v12 =	vld [tilespmem:s25+$0x20]  }
0x4c4: {  	v13 =	vld [tilespmem:s25+$0x30]  }
0x4c5: {  	v14 =	vld [tilespmem:s25+$0x40]  }
0x4c6: {  	v15 =	vld [tilespmem:s25+$0x50];
	v10 =	vshll.u32 v10, $0x7  }
0x4c7: {  	v16 =	vld [tilespmem:s25+$0x60];
	v11 =	vshll.u32 v11, $0x7;
	v10 =	vor.u32 v0, v10  }
0x4c8: {  	v17 =	vld [tilespmem:s25+$0x70];
	v12 =	vshll.u32 v12, $0x7;
	v11 =	vor.u32 v3, v11  }
0x4c9: {  	v13 =	vshll.u32 v13, $0x7;
	v12 =	vor.u32 v4, v12  }
0x4ca: {  	v14 =	vshll.u32 v14, $0x7;
	v13 =	vor.u32 v5, v13  }
0x4cb: {  	v15 =	vshll.u32 v15, $0x7;
	v14 =	vor.u32 v6, v14  }
0x4cc: {  	v52 =	vshll.u32 v16, $0x7;
	[tilespmem:v10+s23+$0x0] =	vst.idx.msk $0xffff, v2;
	v10 =	vor.u32 v7, v15  }
0x4cd: {  	v53 =	vshll.u32 v17, $0x7;
	[tilespmem:v11+s23+$0x0] =	vst.idx.msk $0xffff, v2;
	v11 =	vor.u32 v8, v52  }
0x4ce: {  	v54 =	vor.u32 v9, v53;
	[tilespmem:v12+s23+$0x0] =	vst.idx.msk $0xffff, v2  }
0x4cf: {  	[tilespmem:v13+s23+$0x0] =	vst.idx.msk $0xffff, v2  }
0x4d0: {  	[tilespmem:v14+s23+$0x0] =	vst.idx.msk $0xffff, v2  }
0x4d1: {  	[tilespmem:v10+s23+$0x0] =	vst.idx.msk $0xffff, v2  }
0x4d2: {  	[tilespmem:v11+s23+$0x0] =	vst.idx.msk $0xffff, v2  }
0x4d3: {  	s30 =	simm.s32 $0x0;
	[tilespmem:v54+s23+$0x0] =	vst.idx.msk $0xffff, v2  }
0x4d4: {  	[tilespmem:s30], [sflag:$0x1] =	stream.strided.gather [hbm4b:s14+s20], $0x800, s21, s20, $0x38;
	v63 =	vld [tilespmem:$0x0]  }
0x4d5: {  	_ =	swait.ge [sflag:s22], $0x800  }
0x4d6: {  	[sflag:s22] =	ssyncset.done $0x0  }
0x4d7: {  	s31 =	simm.s32 $0x0;
	[sflag:s22] =	ssyncadd.s32 $0xFFFFF800  }
0x4d8: {  	v10 =	vld [tilespmem:s31+$0x0]  }
0x4d9: {  	v11 =	vld [tilespmem:s31+$0x10]  }
0x4da: {  	v55 =	vld [tilespmem:s31+$0x20]  }
0x4db: {  	v56 =	vld [tilespmem:s31+$0x30]  }
0x4dc: {  	v57 =	vld [tilespmem:s31+$0x40]  }
0x4dd: {  	v58 =	vld [tilespmem:s31+$0x50];
	v10 =	vshll.u32 v10, $0x7  }
0x4de: {  	v11 =	vshll.u32 v11, $0x7;
	v10 =	vor.u32 v0, v10  }
0x4df: {  	v12 =	vshll.u32 v55, $0x7;
	v11 =	vor.u32 v3, v11  }
0x4e0: {  	v59 =	vld [tilespmem:s31+$0x60];
	v13 =	vshll.u32 v56, $0x7;
	v12 =	vor.u32 v4, v12  }
0x4e1: {  	v14 =	vshll.u32 v57, $0x7;
	v13 =	vor.u32 v5, v13  }
0x4e2: {  	v60 =	vld [tilespmem:s31+$0x70];
	v15 =	vshll.u32 v58, $0x7;
	v14 =	vor.u32 v6, v14  }
0x4e3: {  	[tilespmem:v10+s23+$0x0] =	vst.idx.msk $0xffff, v2;
	v10 =	vor.u32 v7, v15  }
0x4e4: {  	[tilespmem:v11+s23+$0x0] =	vst.idx.msk $0xffff, v2  }
0x4e5: {  	v61 =	vshll.u32 v59, $0x7;
	[tilespmem:v12+s23+$0x0] =	vst.idx.msk $0xffff, v2  }
0x4e6: {  	v11 =	vor.u32 v8, v61;
	[tilespmem:v13+s23+$0x0] =	vst.idx.msk $0xffff, v2  }
0x4e7: {  	v62 =	vshll.u32 v60, $0x7;
	[tilespmem:v14+s23+$0x0] =	vst.idx.msk $0xffff, v2  }
0x4e8: {  	[tilespmem:v10+s23+$0x0] =	vst.idx.msk $0xffff, v2;
	v10 =	vor.u32 v9, v62;
	_ =	sdelay $0x2  }
0x4e9: {  	s26 =	simm.s32 $0x400;
	s25 =	simm.s32 $0x200;
	[tilespmem:v11+s23+$0x0] =	vst.idx.msk $0xffff, v2  }
.LBB2_42:
0x4ea: {  	p0 =	sne.s32 s26, $0x1E00  }
0x4eb: {  	s28 =	sshra.s32 s25, $0x2;
	[tilespmem:v10+s23+$0x0] =	vst.idx.msk $0xffff, v2;
	s25 =	smov.u32 s26;
	s26 =	sadd.s32 $0x200, s26  }
0x4ec: {  	v10 =	vld [tilespmem:s28+$0x0]  }
0x4ed: {  	v11 =	vld [tilespmem:s28+$0x10]  }
0x4ee: {  	v12 =	vld [tilespmem:s28+$0x20]  }
0x4ef: {  	v13 =	vld [tilespmem:s28+$0x30]  }
0x4f0: {  	v14 =	vld [tilespmem:s28+$0x40]  }
0x4f1: {  	v15 =	vld [tilespmem:s28+$0x50];
	v10 =	vshll.u32 v10, $0x7  }
0x4f2: {  	v16 =	vld [tilespmem:s28+$0x60];
	v10 =	vor.u32 v0, v10;
	v11 =	vshll.u32 v11, $0x7  }
0x4f3: {  	v17 =	vld [tilespmem:s28+$0x70];
	v11 =	vor.u32 v3, v11;
	v12 =	vshll.u32 v12, $0x7  }
0x4f4: {  	v12 =	vor.u32 v4, v12;
	v13 =	vshll.u32 v13, $0x7  }
0x4f5: {  	v13 =	vor.u32 v5, v13;
	v14 =	vshll.u32 v14, $0x7  }
0x4f6: {  	v14 =	vor.u32 v6, v14;
	v15 =	vshll.u32 v15, $0x7  }
0x4f7: {  	[tilespmem:v10+s23+$0x0] =	vst.idx.msk $0xffff, v2;
	v15 =	vor.u32 v7, v15;
	v10 =	vshll.u32 v16, $0x7  }
0x4f8: {  	[tilespmem:v11+s23+$0x0] =	vst.idx.msk $0xffff, v2;
	v11 =	vor.u32 v8, v10;
	v10 =	vshll.u32 v17, $0x7  }
.Ltmp20:
0x4f9: {  	[tilespmem:v12+s23+$0x0] =	vst.idx.msk $0xffff, v2;
	v10 =	vor.u32 v9, v10;
	(pc) =	sbr.rel @p0 .LBB2_42-.Ltmp20, $4  }
0x4fa: {  	[tilespmem:v13+s23+$0x0] =	vst.idx.msk $0xffff, v2  }
0x4fb: {  	[tilespmem:v14+s23+$0x0] =	vst.idx.msk $0xffff, v2  }
0x4fc: {  	[tilespmem:v15+s23+$0x0] =	vst.idx.msk $0xffff, v2  }
0x4fd: {  	[tilespmem:v11+s23+$0x0] =	vst.idx.msk $0xffff, v2  }
0x4fe: {  	_ =	sdelay $0x3  }
0x4ff: {  	s25 =	sshra.s32 s25, $0x2;
	[tilespmem:v10+s23+$0x0] =	vst.idx.msk $0xffff, v2  }
0x500: {  	v10 =	vld [tilespmem:s25+$0x0]  }
0x501: {  	v11 =	vld [tilespmem:s25+$0x10]  }
0x502: {  	v12 =	vld [tilespmem:s25+$0x20]  }
0x503: {  	v13 =	vld [tilespmem:s25+$0x30]  }
0x504: {  	v14 =	vld [tilespmem:s25+$0x40]  }
0x505: {  	v15 =	vld [tilespmem:s25+$0x50];
	v10 =	vshll.u32 v10, $0x7  }
0x506: {  	v16 =	vld [tilespmem:s25+$0x60];
	v11 =	vshll.u32 v11, $0x7;
	v10 =	vor.u32 v0, v10  }
0x507: {  	v17 =	vld [tilespmem:s25+$0x70];
	v12 =	vshll.u32 v12, $0x7;
	v11 =	vor.u32 v3, v11  }
0x508: {  	v13 =	vshll.u32 v13, $0x7;
	v12 =	vor.u32 v4, v12  }
0x509: {  	v14 =	vshll.u32 v14, $0x7;
	v13 =	vor.u32 v5, v13  }
0x50a: {  	v15 =	vshll.u32 v15, $0x7;
	v14 =	vor.u32 v6, v14  }
0x50b: {  	v52 =	vshll.u32 v16, $0x7;
	[tilespmem:v10+s23+$0x0] =	vst.idx.msk $0xffff, v2;
	v10 =	vor.u32 v7, v15  }
0x50c: {  	v53 =	vshll.u32 v17, $0x7;
	[tilespmem:v11+s23+$0x0] =	vst.idx.msk $0xffff, v2;
	v11 =	vor.u32 v8, v52  }
0x50d: {  	v54 =	vor.u32 v9, v53;
	[tilespmem:v12+s23+$0x0] =	vst.idx.msk $0xffff, v2  }
0x50e: {  	[tilespmem:v13+s23+$0x0] =	vst.idx.msk $0xffff, v2  }
0x50f: {  	[tilespmem:v14+s23+$0x0] =	vst.idx.msk $0xffff, v2  }
0x510: {  	[tilespmem:v10+s23+$0x0] =	vst.idx.msk $0xffff, v2  }
0x511: {  	[tilespmem:v11+s23+$0x0] =	vst.idx.msk $0xffff, v2  }
0x512: {  	s30 =	simm.s32 $0x0;
	[tilespmem:v54+s23+$0x0] =	vst.idx.msk $0xffff, v2  }
0x513: {  	[tilespmem:s30], [sflag:$0x1] =	stream.strided.gather [hbm4b:s15+s20], $0x800, s21, s20, $0x38;
	v63 =	vld [tilespmem:$0x0]  }
0x514: {  	s26 =	sadd.s32 $0x8000, s15  }
0x515: {  	[tilespmem:s24], [sflag:$0x1] =	stream.linear.gather [hbm4b:s26+s30], $0x100, $0x38;
	v63 =	vld [tilespmem:$0x0]  }
0x516: {  	_ =	swait.ge [sflag:s22], $0x900  }
0x517: {  	[sflag:s22] =	ssyncset.done $0x0  }
0x518: {  	s31 =	simm.s32 $0x0;
	[sflag:s22] =	ssyncadd.s32 $0xFFFFF700  }
0x519: {  	v10 =	vld [tilespmem:s31+$0x0]  }
0x51a: {  	v11 =	vld [tilespmem:s31+$0x10]  }
0x51b: {  	v55 =	vld [tilespmem:s31+$0x20]  }
0x51c: {  	v56 =	vld [tilespmem:s31+$0x30]  }
0x51d: {  	v57 =	vld [tilespmem:s31+$0x40]  }
0x51e: {  	v58 =	vld [tilespmem:s31+$0x50];
	v10 =	vshll.u32 v10, $0x7  }
0x51f: {  	v11 =	vshll.u32 v11, $0x7;
	v10 =	vor.u32 v0, v10  }
0x520: {  	v12 =	vshll.u32 v55, $0x7;
	v11 =	vor.u32 v3, v11  }
0x521: {  	v59 =	vld [tilespmem:s31+$0x60];
	v13 =	vshll.u32 v56, $0x7;
	v12 =	vor.u32 v4, v12  }
0x522: {  	v14 =	vshll.u32 v57, $0x7;
	v13 =	vor.u32 v5, v13  }
0x523: {  	v60 =	vld [tilespmem:s31+$0x70];
	v15 =	vshll.u32 v58, $0x7;
	v14 =	vor.u32 v6, v14  }
0x524: {  	[tilespmem:v10+s23+$0x0] =	vst.idx.msk $0xffff, v2;
	v10 =	vor.u32 v7, v15  }
0x525: {  	[tilespmem:v11+s23+$0x0] =	vst.idx.msk $0xffff, v2  }
0x526: {  	v61 =	vshll.u32 v59, $0x7;
	[tilespmem:v12+s23+$0x0] =	vst.idx.msk $0xffff, v2  }
0x527: {  	v11 =	vor.u32 v8, v61;
	[tilespmem:v13+s23+$0x0] =	vst.idx.msk $0xffff, v2  }
0x528: {  	v62 =	vshll.u32 v60, $0x7;
	[tilespmem:v14+s23+$0x0] =	vst.idx.msk $0xffff, v2  }
0x529: {  	[tilespmem:v10+s23+$0x0] =	vst.idx.msk $0xffff, v2;
	v10 =	vor.u32 v9, v62;
	_ =	sdelay $0x2  }
0x52a: {  	s25 =	simm.s32 $0x200;
	s26 =	simm.s32 $0x400;
	[tilespmem:v11+s23+$0x0] =	vst.idx.msk $0xffff, v2  }
.LBB2_44:
0x52b: {  	p0 =	sne.s32 s26, $0x2200  }
0x52c: {  	s28 =	sshra.s32 s25, $0x2;
	[tilespmem:v10+s23+$0x0] =	vst.idx.msk $0xffff, v2;
	s25 =	smov.u32 s26;
	s26 =	sadd.s32 $0x200, s26  }
0x52d: {  	v10 =	vld [tilespmem:s28+$0x0]  }
0x52e: {  	v11 =	vld [tilespmem:s28+$0x10]  }
0x52f: {  	v12 =	vld [tilespmem:s28+$0x20]  }
0x530: {  	v13 =	vld [tilespmem:s28+$0x30]  }
0x531: {  	v14 =	vld [tilespmem:s28+$0x40]  }
0x532: {  	v15 =	vld [tilespmem:s28+$0x50];
	v10 =	vshll.u32 v10, $0x7  }
0x533: {  	v16 =	vld [tilespmem:s28+$0x60];
	v10 =	vor.u32 v0, v10;
	v11 =	vshll.u32 v11, $0x7  }
0x534: {  	v17 =	vld [tilespmem:s28+$0x70];
	v11 =	vor.u32 v3, v11;
	v12 =	vshll.u32 v12, $0x7  }
0x535: {  	v12 =	vor.u32 v4, v12;
	v13 =	vshll.u32 v13, $0x7  }
0x536: {  	v13 =	vor.u32 v5, v13;
	v14 =	vshll.u32 v14, $0x7  }
0x537: {  	v14 =	vor.u32 v6, v14;
	v15 =	vshll.u32 v15, $0x7  }
0x538: {  	[tilespmem:v10+s23+$0x0] =	vst.idx.msk $0xffff, v2;
	v15 =	vor.u32 v7, v15;
	v10 =	vshll.u32 v16, $0x7  }
0x539: {  	[tilespmem:v11+s23+$0x0] =	vst.idx.msk $0xffff, v2;
	v11 =	vor.u32 v8, v10;
	v10 =	vshll.u32 v17, $0x7  }
.Ltmp21:
0x53a: {  	[tilespmem:v12+s23+$0x0] =	vst.idx.msk $0xffff, v2;
	v10 =	vor.u32 v9, v10;
	(pc) =	sbr.rel @p0 .LBB2_44-.Ltmp21, $4  }
0x53b: {  	[tilespmem:v13+s23+$0x0] =	vst.idx.msk $0xffff, v2  }
0x53c: {  	[tilespmem:v14+s23+$0x0] =	vst.idx.msk $0xffff, v2  }
0x53d: {  	[tilespmem:v15+s23+$0x0] =	vst.idx.msk $0xffff, v2  }
0x53e: {  	[tilespmem:v11+s23+$0x0] =	vst.idx.msk $0xffff, v2  }
0x53f: {  	_ =	sdelay $0x3  }
0x540: {  	s25 =	sshra.s32 s25, $0x2;
	[tilespmem:v10+s23+$0x0] =	vst.idx.msk $0xffff, v2  }
0x541: {  	v10 =	vld [tilespmem:s25+$0x0]  }
0x542: {  	v11 =	vld [tilespmem:s25+$0x10]  }
0x543: {  	v12 =	vld [tilespmem:s25+$0x20]  }
0x544: {  	v13 =	vld [tilespmem:s25+$0x30]  }
0x545: {  	v14 =	vld [tilespmem:s25+$0x40]  }
0x546: {  	v15 =	vld [tilespmem:s25+$0x50];
	v10 =	vshll.u32 v10, $0x7  }
0x547: {  	v16 =	vld [tilespmem:s25+$0x60];
	v11 =	vshll.u32 v11, $0x7;
	v10 =	vor.u32 v0, v10  }
0x548: {  	v17 =	vld [tilespmem:s25+$0x70];
	v12 =	vshll.u32 v12, $0x7;
	v11 =	vor.u32 v3, v11  }
0x549: {  	v13 =	vshll.u32 v13, $0x7;
	v12 =	vor.u32 v4, v12  }
0x54a: {  	v14 =	vshll.u32 v14, $0x7;
	v13 =	vor.u32 v5, v13  }
0x54b: {  	v15 =	vshll.u32 v15, $0x7;
	v14 =	vor.u32 v6, v14  }
0x54c: {  	v60 =	vshll.u32 v16, $0x7;
	[tilespmem:v10+s23+$0x0] =	vst.idx.msk $0xffff, v2;
	v10 =	vor.u32 v7, v15  }
0x54d: {  	v61 =	vshll.u32 v17, $0x7;
	[tilespmem:v11+s23+$0x0] =	vst.idx.msk $0xffff, v2;
	v11 =	vor.u32 v8, v60  }
0x54e: {  	v62 =	vor.u32 v9, v61;
	[tilespmem:v12+s23+$0x0] =	vst.idx.msk $0xffff, v2  }
0x54f: {  	[tilespmem:v13+s23+$0x0] =	vst.idx.msk $0xffff, v2  }
0x550: {  	[tilespmem:v14+s23+$0x0] =	vst.idx.msk $0xffff, v2  }
0x551: {  	s2 =	sadd.s32 $0x1, s2;
	[tilespmem:v10+s23+$0x0] =	vst.idx.msk $0xffff, v2  }
0x552: {  	p0 =	sne.s32 s2, s19;
	[tilespmem:v11+s23+$0x0] =	vst.idx.msk $0xffff, v2  }
.Ltmp22:
0x553: {  	[tilespmem:v62+s23+$0x0] =	vst.idx.msk $0xffff, v2;
	(pc) =	sbr.rel @p0 .LBB2_1-.Ltmp22, $4  }
0x554: {  	[hbm4b:s18+s20] =	stream.strided.scatter [tilespmem:s23], [sflag:$0x1], $0x1F400, s21, s20, $0x38;
	v63 =	vld [tilespmem:$0x0]  }
0x555: {  	_ =	swait.ge [sflag:s22], $0x1F400  }
0x556: {  	[sflag:s22] =	ssyncset.done $0x0  }
0x557: {  	[sflag:s22] =	ssyncadd.s32 $0xFFFE0C00  }
0x558: {  	_ =	sfence.sel $0x180000  }
0x559: {  	[bflag:$0x0] =	sbarrier.arrive $0xFFFF  }
0x55a: {  	p0 =	sne.s32 s1, $0x0;
	_ =	strace $0x90000047  }
0x55b: {  	s0 =	sadd.s32 @!p0 $0x100000, s0;
	[bflag:$0x2] =	sbarrier.arrive $0xFFFF  }
0x55c: {  	[sflag:s0] =	ssyncadd.tile.s32 @!p0 $0x1;
	_ =	shalt  }
.Lfunc_end2:
_tile_overlayer_lowered:
.L_overlay_start_2:
0x55d: {  	(tag) =	ssettag $0x2  }
0x55e: {  	s0 =	rddreg [dreg:$0x0];
	s2 =	stileid.u32  }
0x55f: {  	s1 =	rddreg [dreg:$0x1];
	p0 =	sne.s32 s2, $0x0  }
0x560: {  	s3 =	rddreg [dreg:$0x2];
	[bflag:$0x3] =	sbarrier.arrive $0xFFFF;
	s2 =	simm.s32 @!p0 $0x1C01  }
0x561: {  	[timem:s3], [sflag:s2] =	dma.local @!p0 [hbm:s0], s1  }
0x562: {  	s0 =	simm.s32 @!p0 $0x1  }
0x563: {  	_ =	swait.ge @!p0 [sflag:s0], s1  }
0x564: {  	s1 =	ssub.s32 @!p0 $0x0, s1;
	[sflag:s0] =	ssyncset.done @!p0 $0x0  }
0x565: {  	[sflag:s0] =	ssyncadd.s32 @!p0 s1  }
0x566: {  	[bflag:$0x3] =	sbarrier.arrive $0xFFFF  }
0x567: {  	_ =	shalt  }

</sc_bundles>
